<compile_context>
chip_gen: v7x
topology: tpu7x:2x2x1
jax: 0.10.2.dev20260603
libtpu: 0.0.44.dev20260713+nightly
codegen_flags: <defaults>
</compile_context>

<pallas_src>
import functools

import jax
import jax.numpy as jnp
import numpy as np
from jax import lax
from jax.experimental import pallas as pl
from jax.experimental.pallas import tpu as pltpu
from jax.experimental.pallas import tpu_sc as plsc

NC = 2
NS = 16
NW = NC * NS


def _pick_chunk(ew: int) -> int:
    for ck in range(128, 0, -1):
        if ew % ck == 0:
            return ck
    return 1


@functools.cache
def _build_sc(N: int, E: int, D: int):
    DH = D // NC
    ET = E // NS
    CK = _pick_chunk(ET // NC)
    NCH = ET // CK
    NCHD = NCH // NC
    G4 = 5
    RPT = -(-N // (NS * 8)) * 8
    NPAD = RPT * NS
    mesh = plsc.VectorSubcoreMesh(core_axis_name="c", subcore_axis_name="s")

    def deg_body(src_hbm, dst_hbm, zeros_hbm, ones_hbm, degs_hbm,
                 srcv, dstv, onesv, degv, dego, degi):
        cid = lax.axis_index("c")
        sid = lax.axis_index("s")

        @pl.when(sid == 0)
        def _zero():
            pltpu.sync_copy(zeros_hbm, dego)
            pltpu.sync_copy(zeros_hbm, degi)

        pltpu.sync_copy(ones_hbm, onesv)
        pltpu.sync_copy(src_hbm.at[sid, pl.ds(cid * NCHD, NCHD)], srcv)
        pltpu.sync_copy(dst_hbm.at[sid, pl.ds(cid * NCHD, NCHD)], dstv)
        plsc.subcore_barrier()

        def chunk(j, carry):
            pltpu.sync_copy(onesv, dego.at[srcv.at[j]], add=True)
            pltpu.sync_copy(onesv, degi.at[dstv.at[j]], add=True)
            return carry

        lax.fori_loop(0, NCHD, chunk, 0)
        plsc.subcore_barrier()

        @pl.when(sid == 0)
        def _out():
            pltpu.sync_copy(dego.at[pl.ds(0, N)], degv)
            pltpu.sync_copy(degv, degs_hbm.at[cid, 0])
            pltpu.sync_copy(degi.at[pl.ds(0, N)], degv)
            pltpu.sync_copy(degv, degs_hbm.at[cid, 1])

    deg_call = pl.kernel(
        deg_body,
        out_type=jax.ShapeDtypeStruct((NC, 2, N), jnp.float32),
        mesh=mesh,
        compiler_params=pltpu.CompilerParams(use_tc_tiling_on_sc=False),
        scratch_types=[
            pltpu.VMEM((NCHD, CK), jnp.int32),
            pltpu.VMEM((NCHD, CK), jnp.int32),
            pltpu.VMEM((CK,), jnp.float32),
            pltpu.VMEM((N,), jnp.float32),
            pltpu.VMEM_SHARED((NPAD,), jnp.float32),
            pltpu.VMEM_SHARED((NPAD,), jnp.float32),
        ],
    )

    assert NCH % G4 == 0
    NG = NCH // G4

    def agg_body(hs_hbm, src_hbm, dst_hbm, zeros_hbm, parts_hbm,
                 srcv, dstv, rows, gsems, ssems, agg):
        cid = lax.axis_index("c")
        sid = lax.axis_index("s")

        pltpu.sync_copy(zeros_hbm.at[pl.ds(sid * RPT, RPT)],
                        agg.at[pl.ds(sid * RPT, RPT)])
        pltpu.sync_copy(src_hbm.at[sid], srcv)
        pltpu.sync_copy(dst_hbm.at[sid], dstv)
        plsc.subcore_barrier()

        hs_c = hs_hbm.at[cid]

        def drain_scatter(b):
            pltpu.make_async_copy(zeros_hbm.at[pl.ds(0, CK)], rows.at[b],
                                  ssems.at[b]).wait()

        def group(t, carry):
            j0 = t * G4
            for b in range(G4):
                @pl.when(t > 0)
                def _(b=b):
                    drain_scatter(b)
                pltpu.async_copy(hs_c.at[srcv.at[j0 + b]], rows.at[b],
                                 gsems.at[b])
            for b in range(G4):
                pltpu.make_async_copy(hs_c.at[srcv.at[j0 + b]], rows.at[b],
                                      gsems.at[b]).wait()
                pltpu.async_copy(rows.at[b], agg.at[dstv.at[j0 + b]],
                                 ssems.at[b], add=True)
            return carry

        lax.fori_loop(0, NG, group, 0)
        for b in range(G4):
            drain_scatter(b)
        plsc.subcore_barrier()

        pltpu.sync_copy(agg.at[pl.ds(sid * RPT, RPT)],
                        parts_hbm.at[cid, pl.ds(sid * RPT, RPT)])

    agg_call = pl.kernel(
        agg_body,
        out_type=jax.ShapeDtypeStruct((NC, NPAD, DH), jnp.float32),
        mesh=mesh,
        compiler_params=pltpu.CompilerParams(use_tc_tiling_on_sc=False),
        scratch_types=[
            pltpu.VMEM((NCH, CK), jnp.int32),
            pltpu.VMEM((NCH, CK), jnp.int32),
            pltpu.VMEM((G4, CK, DH), jnp.float32),
            pltpu.SemaphoreType.DMA((G4,)),
            pltpu.SemaphoreType.DMA((G4,)),
            pltpu.VMEM_SHARED((NPAD, DH), jnp.float32),
        ],
    )

    return dict(deg=deg_call, agg=agg_call, NCH=NCH, CK=CK, NPAD=NPAD)


@functools.cache
def _build_tc(N: int, D: int):
    DH = D // NC
    RPT = -(-N // (NS * 8)) * 8
    NPAD = RPT * NS
    BN = 2000 if N % 2000 == 0 else N
    GRID = N // BN

    def mm0_body(h_ref, w_ref, o_ref):
        o_ref[...] = jnp.dot(h_ref[...], w_ref[...],
                             preferred_element_type=jnp.float32)

    mm0_call = pl.pallas_call(
        mm0_body,
        grid=(GRID,),
        in_specs=[
            pl.BlockSpec((BN, D), lambda i: (i, 0)),
            pl.BlockSpec((D, D), lambda i: (0, 0)),
        ],
        out_specs=pl.BlockSpec((BN, D), lambda i: (i, 0)),
        out_shape=jax.ShapeDtypeStruct((N, D), jnp.float32),
    )

    def scale_body(h_ref, degs_ref, h1s_ref, invin_ref, invout_ref):
        d = degs_ref[...]
        deg_out = d[:, 0:1] + d[:, 2:3]
        deg_in = d[:, 1:2] + d[:, 3:4]
        inv_out = lax.rsqrt(jnp.maximum(deg_out, 1.0))
        inv_in = lax.rsqrt(jnp.maximum(deg_in, 1.0))
        hv = h_ref[...] * inv_out
        h1s_ref[0] = hv[:, :DH]
        h1s_ref[1] = hv[:, DH:]
        invin_ref[...] = inv_in
        invout_ref[...] = inv_out

    scale_call = pl.pallas_call(
        scale_body,
        grid=(GRID,),
        in_specs=[
            pl.BlockSpec((BN, D), lambda i: (i, 0)),
            pl.BlockSpec((BN, 2 * NC), lambda i: (i, 0)),
        ],
        out_specs=[
            pl.BlockSpec((NC, BN, DH), lambda i: (0, i, 0)),
            pl.BlockSpec((BN, 1), lambda i: (i, 0)),
            pl.BlockSpec((BN, 1), lambda i: (i, 0)),
        ],
        out_shape=[
            jax.ShapeDtypeStruct((NC, N, DH), jnp.float32),
            jax.ShapeDtypeStruct((N, 1), jnp.float32),
            jax.ShapeDtypeStruct((N, 1), jnp.float32),
        ],
    )

    def mid_body(p_ref, invin_ref, invout_ref, w_ref, b_ref, o_ref):
        p = jnp.concatenate([p_ref[0], p_ref[1]], axis=1)
        z = jnp.maximum(p * invin_ref[...] + b_ref[...], 0.0)
        g = jnp.dot(z, w_ref[...],
                    preferred_element_type=jnp.float32) * invout_ref[...]
        o_ref[0] = g[:, :DH]
        o_ref[1] = g[:, DH:]

    mid_call = pl.pallas_call(
        mid_body,
        grid=(GRID,),
        in_specs=[
            pl.BlockSpec((NC, BN, DH), lambda i: (0, i, 0)),
            pl.BlockSpec((BN, 1), lambda i: (i, 0)),
            pl.BlockSpec((BN, 1), lambda i: (i, 0)),
            pl.BlockSpec((D, D), lambda i: (0, 0)),
            pl.BlockSpec((1, D), lambda i: (0, 0)),
        ],
        out_specs=pl.BlockSpec((NC, BN, DH), lambda i: (0, i, 0)),
        out_shape=jax.ShapeDtypeStruct((NC, N, DH), jnp.float32),
    )

    def fin_body(p_ref, invin_ref, b_ref, o_ref):
        p = jnp.concatenate([p_ref[0], p_ref[1]], axis=1)
        o_ref[...] = jnp.maximum(p * invin_ref[...] + b_ref[...], 0.0)

    fin_call = pl.pallas_call(
        fin_body,
        grid=(GRID,),
        in_specs=[
            pl.BlockSpec((NC, BN, DH), lambda i: (0, i, 0)),
            pl.BlockSpec((BN, 1), lambda i: (i, 0)),
            pl.BlockSpec((1, D), lambda i: (0, 0)),
        ],
        out_specs=pl.BlockSpec((BN, D), lambda i: (i, 0)),
        out_shape=jax.ShapeDtypeStruct((N, D), jnp.float32),
    )

    return dict(mm0=mm0_call, scale=scale_call, mid=mid_call, fin=fin_call)


def kernel(h, edge_index, W1, b1, W2, b2):
    N, D = h.shape
    E = edge_index.shape[1]
    k = dict(_build_sc(N, E, D))
    k.update(_build_tc(N, D))
    NCH, CK, NPAD = k["NCH"], k["CK"], k["NPAD"]
    DH = D // NC

    src2 = edge_index[0].reshape(NS, NCH, CK)
    dst2 = edge_index[1].reshape(NS, NCH, CK)
    zeros1 = np.zeros((NPAD,), np.float32)
    ones_ck = np.ones((CK,), np.float32)
    zeros2 = np.zeros((NPAD, DH), np.float32)

    degs = k["deg"](src2, dst2, zeros1, ones_ck)
    g1 = k["mm0"](h, W1)
    degs_t = degs.reshape(2 * NC, N).T
    g1s, inv_in, inv_out = k["scale"](g1, degs_t)

    parts1 = k["agg"](g1s, src2, dst2, zeros2)
    g2s = k["mid"](parts1, inv_in, inv_out, W2, b1.reshape(1, D))
    parts2 = k["agg"](g2s, src2, dst2, zeros2)
    out = k["fin"](parts2, inv_in, b2.reshape(1, D))
    return out

# --- scband reference (transcript-rebuilt; emitter-appended) ---
"""Pipeline reference for scband-gcnencoder-37795712205409 (READ-ONLY COPY).

The authoritative reference and input builder live on the scoring server;
editing this copy changes nothing except your own understanding.
"""

import jax, jax.numpy as jnp
import numpy as np

N = 10000
E = 320000
D_IN = 128
D_OUT = 128


def setup_inputs(seed: int = 0) -> dict:
    key = jax.random.key(seed)
    k1, k2, k3, k4, k5, k6 = jax.random.split(key, 6)
    h = jax.random.normal(k1, (N, D_IN), dtype=jnp.float32)
    edge_index = jax.random.randint(k2, (2, E), 0, N, dtype=jnp.int32)
    W1 = jax.random.normal(k3, (D_IN, D_IN), dtype=jnp.float32) / np.sqrt(D_IN)
    b1 = jnp.zeros((D_IN,), dtype=jnp.float32)
    W2 = jax.random.normal(k4, (D_IN, D_OUT), dtype=jnp.float32) / np.sqrt(D_IN)
    b2 = jnp.zeros((D_OUT,), dtype=jnp.float32)
    return {"h": h, "edge_index": edge_index, "W1": W1, "b1": b1, "W2": W2, "b2": b2}


def _gcn_layer(h, src, dst, W, b):
    # symmetric ('both') GCN normalization: D_out^{-1/2} on messages, D_in^{-1/2} on aggregate
    ones = jnp.ones((src.shape[0],), dtype=h.dtype)
    deg_out = jnp.zeros((N,), dtype=h.dtype).at[src].add(ones)
    deg_in = jnp.zeros((N,), dtype=h.dtype).at[dst].add(ones)
    inv_sqrt_out = jax.lax.rsqrt(jnp.maximum(deg_out, 1.0))
    inv_sqrt_in = jax.lax.rsqrt(jnp.maximum(deg_in, 1.0))
    msg = jnp.take(h, src, axis=0) * inv_sqrt_out[src][:, None]  # gather + scale
    agg = jnp.zeros((N, h.shape[1]), dtype=h.dtype).at[dst].add(msg)  # scatter-add
    agg = agg * inv_sqrt_in[:, None]
    out = agg @ W + b
    return jax.nn.relu(out)


def reference(h, edge_index, W1, b1, W2, b2):
    src = edge_index[0]
    dst = edge_index[1]
    # GCNEncoder: two stacked GCN layers (dropout inactive in eval mode)
    out1 = _gcn_layer(h, src, dst, W1, b1)
    out2 = _gcn_layer(out1, src, dst, W2, b2)
    return out2

if __name__ == "__main__":
    import jax
    _d = setup_inputs()
    print(jax.jit(kernel)(*tuple(_d.values())))

</pallas_src>

<mosaic_0001>
#map = affine_map<(d0, d1) -> (0, 0, 0)>
#map1 = affine_map<(d0, d1) -> (0)>
module attributes {stable_mosaic.version = 14 : i64} {
  func.func @deg_body(%arg0: i32, %arg1: i32, %arg2: memref<16x160x125xi32, #tpu.memory_space<hbm>>, %arg3: memref<16x160x125xi32, #tpu.memory_space<hbm>>, %arg4: memref<10112xf32, #tpu.memory_space<hbm>>, %arg5: memref<125xf32, #tpu.memory_space<hbm>>, %arg6: memref<2x2x10000xf32, #tpu.memory_space<hbm>>, %arg7: memref<80x125xi32, #tpu.memory_space<vmem>>, %arg8: memref<80x125xi32, #tpu.memory_space<vmem>>, %arg9: memref<125xf32, #tpu.memory_space<vmem>>, %arg10: memref<10000xf32, #tpu.memory_space<vmem>>, %arg11: memref<10112xf32, #tpu.memory_space<vmem_shared>>, %arg12: memref<10112xf32, #tpu.memory_space<vmem_shared>>) attributes {dimension_semantics = [#tpu.dimension_semantics<core_parallel>, #tpu.dimension_semantics<subcore_parallel>], iteration_bounds = array<i64: 2, 16>, scalar_prefetch = 0 : i64, scratch_operands = 6 : i64, tpu.core_type = #tpu.core_type<sc_vector_subcore>, window_params = [{transform_indices = #map}, {transform_indices = #map}, {transform_indices = #map1}, {transform_indices = #map1}, {transform_indices = #map}]} {
    %eq3A = arith.constant 0 : i32
    %eq3A_0 = arith.cmpi eq, %arg1, %eq3A : i32
    %convert_element_type3A = arith.extui %eq3A_0 : i1 to i32
    %cond3A = arith.constant 0 : i32
    %cond3A_1 = arith.cmpi ne, %convert_element_type3A, %cond3A : i32
    scf.if %cond3A_1 {
      "tpu.region"() ({
        %run_scoped3A = tpu.sem_alloc : memref<!tpu.dma_semaphore, #tpu.memory_space<semaphore_mem>>
        tpu.enqueue_dma source(%arg4 : memref<10112xf32, #tpu.memory_space<hbm>>) target(%arg11 : memref<10112xf32, #tpu.memory_space<vmem_shared>>) target_semaphore(%run_scoped3A : memref<!tpu.dma_semaphore, #tpu.memory_space<semaphore_mem>>)
        tpu.wait_dma2 semaphore(%run_scoped3A : memref<!tpu.dma_semaphore, #tpu.memory_space<semaphore_mem>>) src(%arg4 : memref<10112xf32, #tpu.memory_space<hbm>>) dst(%arg11 : memref<10112xf32, #tpu.memory_space<vmem_shared>>)
        tpu.yield
      }) : () -> ()
      "tpu.region"() ({
        %run_scoped3A = tpu.sem_alloc : memref<!tpu.dma_semaphore, #tpu.memory_space<semaphore_mem>>
        tpu.enqueue_dma source(%arg4 : memref<10112xf32, #tpu.memory_space<hbm>>) target(%arg12 : memref<10112xf32, #tpu.memory_space<vmem_shared>>) target_semaphore(%run_scoped3A : memref<!tpu.dma_semaphore, #tpu.memory_space<semaphore_mem>>)
        tpu.wait_dma2 semaphore(%run_scoped3A : memref<!tpu.dma_semaphore, #tpu.memory_space<semaphore_mem>>) src(%arg4 : memref<10112xf32, #tpu.memory_space<hbm>>) dst(%arg12 : memref<10112xf32, #tpu.memory_space<vmem_shared>>)
        tpu.yield
      }) : () -> ()
    } else {
    }
    "tpu.region"() ({
      %run_scoped3A = tpu.sem_alloc : memref<!tpu.dma_semaphore, #tpu.memory_space<semaphore_mem>>
      tpu.enqueue_dma source(%arg5 : memref<125xf32, #tpu.memory_space<hbm>>) target(%arg9 : memref<125xf32, #tpu.memory_space<vmem>>) target_semaphore(%run_scoped3A : memref<!tpu.dma_semaphore, #tpu.memory_space<semaphore_mem>>)
      tpu.wait_dma2 semaphore(%run_scoped3A : memref<!tpu.dma_semaphore, #tpu.memory_space<semaphore_mem>>) src(%arg5 : memref<125xf32, #tpu.memory_space<hbm>>) dst(%arg9 : memref<125xf32, #tpu.memory_space<vmem>>)
      tpu.yield
    }) : () -> ()
    %mul3A = arith.constant 80 : i32
    %mul3A_2 = arith.muli %arg0, %mul3A : i32
    "tpu.region"() ({
      %run_scoped3A = tpu.sem_alloc : memref<!tpu.dma_semaphore, #tpu.memory_space<semaphore_mem>>
      %dma_start3A = arith.constant 0 : i32
      %dma_start3A_16 = tpu.memref_slice %arg2[%arg1, %mul3A_2, %dma_start3A] : memref<16x160x125xi32, #tpu.memory_space<hbm>> -> memref<1x80x125xi32, #tpu.memory_space<hbm>>
      %dma_start3A_17 = tpu.memref_squeeze %dma_start3A_16 : memref<1x80x125xi32, #tpu.memory_space<hbm>> -> memref<80x125xi32, #tpu.memory_space<hbm>>
      %dma_start3A_18 = arith.constant 0 : i32
      %dma_start3A_19 = tpu.memref_slice %arg2[%arg1, %mul3A_2, %dma_start3A_18] : memref<16x160x125xi32, #tpu.memory_space<hbm>> -> memref<1x80x125xi32, #tpu.memory_space<hbm>>
      %dma_start3A_20 = tpu.memref_squeeze %dma_start3A_19 : memref<1x80x125xi32, #tpu.memory_space<hbm>> -> memref<80x125xi32, #tpu.memory_space<hbm>>
      tpu.enqueue_dma source(%dma_start3A_20 : memref<80x125xi32, #tpu.memory_space<hbm>>) target(%arg7 : memref<80x125xi32, #tpu.memory_space<vmem>>) target_semaphore(%run_scoped3A : memref<!tpu.dma_semaphore, #tpu.memory_space<semaphore_mem>>)
      %dma_wait3A = arith.constant 0 : i32
      %dma_wait3A_21 = tpu.memref_slice %arg2[%arg1, %mul3A_2, %dma_wait3A] : memref<16x160x125xi32, #tpu.memory_space<hbm>> -> memref<1x80x125xi32, #tpu.memory_space<hbm>>
      %dma_wait3A_22 = tpu.memref_squeeze %dma_wait3A_21 : memref<1x80x125xi32, #tpu.memory_space<hbm>> -> memref<80x125xi32, #tpu.memory_space<hbm>>
      %dma_wait3A_23 = arith.constant 0 : i32
      %dma_wait3A_24 = tpu.memref_slice %arg2[%arg1, %mul3A_2, %dma_wait3A_23] : memref<16x160x125xi32, #tpu.memory_space<hbm>> -> memref<1x80x125xi32, #tpu.memory_space<hbm>>
      %dma_wait3A_25 = tpu.memref_squeeze %dma_wait3A_24 : memref<1x80x125xi32, #tpu.memory_space<hbm>> -> memref<80x125xi32, #tpu.memory_space<hbm>>
      tpu.wait_dma2 semaphore(%run_scoped3A : memref<!tpu.dma_semaphore, #tpu.memory_space<semaphore_mem>>) src(%dma_wait3A_25 : memref<80x125xi32, #tpu.memory_space<hbm>>) dst(%arg7 : memref<80x125xi32, #tpu.memory_space<vmem>>)
      tpu.yield
    }) : () -> ()
    %mul3A_3 = arith.constant 80 : i32
    %mul3A_4 = arith.muli %arg0, %mul3A_3 : i32
    "tpu.region"() ({
      %run_scoped3A = tpu.sem_alloc : memref<!tpu.dma_semaphore, #tpu.memory_space<semaphore_mem>>
      %dma_start3A = arith.constant 0 : i32
      %dma_start3A_16 = tpu.memref_slice %arg3[%arg1, %mul3A_4, %dma_start3A] : memref<16x160x125xi32, #tpu.memory_space<hbm>> -> memref<1x80x125xi32, #tpu.memory_space<hbm>>
      %dma_start3A_17 = tpu.memref_squeeze %dma_start3A_16 : memref<1x80x125xi32, #tpu.memory_space<hbm>> -> memref<80x125xi32, #tpu.memory_space<hbm>>
      %dma_start3A_18 = arith.constant 0 : i32
      %dma_start3A_19 = tpu.memref_slice %arg3[%arg1, %mul3A_4, %dma_start3A_18] : memref<16x160x125xi32, #tpu.memory_space<hbm>> -> memref<1x80x125xi32, #tpu.memory_space<hbm>>
      %dma_start3A_20 = tpu.memref_squeeze %dma_start3A_19 : memref<1x80x125xi32, #tpu.memory_space<hbm>> -> memref<80x125xi32, #tpu.memory_space<hbm>>
      tpu.enqueue_dma source(%dma_start3A_20 : memref<80x125xi32, #tpu.memory_space<hbm>>) target(%arg8 : memref<80x125xi32, #tpu.memory_space<vmem>>) target_semaphore(%run_scoped3A : memref<!tpu.dma_semaphore, #tpu.memory_space<semaphore_mem>>)
      %dma_wait3A = arith.constant 0 : i32
      %dma_wait3A_21 = tpu.memref_slice %arg3[%arg1, %mul3A_4, %dma_wait3A] : memref<16x160x125xi32, #tpu.memory_space<hbm>> -> memref<1x80x125xi32, #tpu.memory_space<hbm>>
      %dma_wait3A_22 = tpu.memref_squeeze %dma_wait3A_21 : memref<1x80x125xi32, #tpu.memory_space<hbm>> -> memref<80x125xi32, #tpu.memory_space<hbm>>
      %dma_wait3A_23 = arith.constant 0 : i32
      %dma_wait3A_24 = tpu.memref_slice %arg3[%arg1, %mul3A_4, %dma_wait3A_23] : memref<16x160x125xi32, #tpu.memory_space<hbm>> -> memref<1x80x125xi32, #tpu.memory_space<hbm>>
      %dma_wait3A_25 = tpu.memref_squeeze %dma_wait3A_24 : memref<1x80x125xi32, #tpu.memory_space<hbm>> -> memref<80x125xi32, #tpu.memory_space<hbm>>
      tpu.wait_dma2 semaphore(%run_scoped3A : memref<!tpu.dma_semaphore, #tpu.memory_space<semaphore_mem>>) src(%dma_wait3A_25 : memref<80x125xi32, #tpu.memory_space<hbm>>) dst(%arg8 : memref<80x125xi32, #tpu.memory_space<vmem>>)
      tpu.yield
    }) : () -> ()
    %barrier3A = arith.constant 0 : index
    tpu.barrier barrier_id(%barrier3A)
    %scan3A = arith.constant 0 : i32
    %scan3A_5 = arith.constant 0 : i32
    %scan3A_6 = arith.constant 80 : i32
    %scan3A_7 = arith.addi %scan3A_5, %scan3A_6 : i32
    %scan3A_8 = arith.constant 1 : i32
    scf.for %scan3A_16 = %scan3A_5 to %scan3A_7 step %scan3A_8  : i32 {
      "tpu.region"() ({
        %run_scoped3A = tpu.sem_alloc : memref<!tpu.dma_semaphore, #tpu.memory_space<semaphore_mem>>
        %dma_start3A = arith.constant 0 : i32
        %dma_start3A_17 = tpu.memref_slice %arg7[%scan3A_16, %dma_start3A] : memref<80x125xi32, #tpu.memory_space<vmem>> -> memref<1x125xi32, #tpu.memory_space<vmem>>
        %dma_start3A_18 = tpu.memref_squeeze %dma_start3A_17 : memref<1x125xi32, #tpu.memory_space<vmem>> -> memref<125xi32, #tpu.memory_space<vmem>>
        %dma_start3A_19 = arith.constant 0 : i32
        %dma_start3A_20 = tpu.memref_slice %arg11[%dma_start3A_19] : memref<10112xf32, #tpu.memory_space<vmem_shared>> -> memref<10112xf32, #tpu.memory_space<vmem_shared>>
        tpu.enqueue_indirect_dma source(%arg9 : memref<125xf32, #tpu.memory_space<vmem>>) target(%dma_start3A_20 : memref<10112xf32, #tpu.memory_space<vmem_shared>>) offsets(%dma_start3A_18 : memref<125xi32, #tpu.memory_space<vmem>>) semaphore(%run_scoped3A : memref<!tpu.dma_semaphore, #tpu.memory_space<semaphore_mem>>) {add = true}
        %dma_wait3A = arith.constant 0 : i32
        %dma_wait3A_21 = tpu.memref_slice %arg7[%scan3A_16, %dma_wait3A] : memref<80x125xi32, #tpu.memory_space<vmem>> -> memref<1x125xi32, #tpu.memory_space<vmem>>
        %dma_wait3A_22 = tpu.memref_squeeze %dma_wait3A_21 : memref<1x125xi32, #tpu.memory_space<vmem>> -> memref<125xi32, #tpu.memory_space<vmem>>
        %dma_wait3A_23 = arith.constant 0 : i32
        %dma_wait3A_24 = tpu.memref_slice %arg11[%dma_wait3A_23] : memref<10112xf32, #tpu.memory_space<vmem_shared>> -> memref<10112xf32, #tpu.memory_space<vmem_shared>>
        tpu.wait_indirect_dma semaphore(%run_scoped3A : memref<!tpu.dma_semaphore, #tpu.memory_space<semaphore_mem>>) src(%arg9 : memref<125xf32, #tpu.memory_space<vmem>>) dst(%dma_wait3A_24 : memref<10112xf32, #tpu.memory_space<vmem_shared>>)
        tpu.yield
      }) : () -> ()
      "tpu.region"() ({
        %run_scoped3A = tpu.sem_alloc : memref<!tpu.dma_semaphore, #tpu.memory_space<semaphore_mem>>
        %dma_start3A = arith.constant 0 : i32
        %dma_start3A_17 = tpu.memref_slice %arg8[%scan3A_16, %dma_start3A] : memref<80x125xi32, #tpu.memory_space<vmem>> -> memref<1x125xi32, #tpu.memory_space<vmem>>
        %dma_start3A_18 = tpu.memref_squeeze %dma_start3A_17 : memref<1x125xi32, #tpu.memory_space<vmem>> -> memref<125xi32, #tpu.memory_space<vmem>>
        %dma_start3A_19 = arith.constant 0 : i32
        %dma_start3A_20 = tpu.memref_slice %arg12[%dma_start3A_19] : memref<10112xf32, #tpu.memory_space<vmem_shared>> -> memref<10112xf32, #tpu.memory_space<vmem_shared>>
        tpu.enqueue_indirect_dma source(%arg9 : memref<125xf32, #tpu.memory_space<vmem>>) target(%dma_start3A_20 : memref<10112xf32, #tpu.memory_space<vmem_shared>>) offsets(%dma_start3A_18 : memref<125xi32, #tpu.memory_space<vmem>>) semaphore(%run_scoped3A : memref<!tpu.dma_semaphore, #tpu.memory_space<semaphore_mem>>) {add = true}
        %dma_wait3A = arith.constant 0 : i32
        %dma_wait3A_21 = tpu.memref_slice %arg8[%scan3A_16, %dma_wait3A] : memref<80x125xi32, #tpu.memory_space<vmem>> -> memref<1x125xi32, #tpu.memory_space<vmem>>
        %dma_wait3A_22 = tpu.memref_squeeze %dma_wait3A_21 : memref<1x125xi32, #tpu.memory_space<vmem>> -> memref<125xi32, #tpu.memory_space<vmem>>
        %dma_wait3A_23 = arith.constant 0 : i32
        %dma_wait3A_24 = tpu.memref_slice %arg12[%dma_wait3A_23] : memref<10112xf32, #tpu.memory_space<vmem_shared>> -> memref<10112xf32, #tpu.memory_space<vmem_shared>>
        tpu.wait_indirect_dma semaphore(%run_scoped3A : memref<!tpu.dma_semaphore, #tpu.memory_space<semaphore_mem>>) src(%arg9 : memref<125xf32, #tpu.memory_space<vmem>>) dst(%dma_wait3A_24 : memref<10112xf32, #tpu.memory_space<vmem_shared>>)
        tpu.yield
      }) : () -> ()
    }
    %scan3A_9 = arith.constant 80 : i32
    %barrier3A_10 = arith.constant 0 : index
    tpu.barrier barrier_id(%barrier3A_10)
    %eq3A_11 = arith.constant 0 : i32
    %eq3A_12 = arith.cmpi eq, %arg1, %eq3A_11 : i32
    %convert_element_type3A_13 = arith.extui %eq3A_12 : i1 to i32
    %cond3A_14 = arith.constant 0 : i32
    %cond3A_15 = arith.cmpi ne, %convert_element_type3A_13, %cond3A_14 : i32
    scf.if %cond3A_15 {
      "tpu.region"() ({
        %run_scoped3A_17 = tpu.sem_alloc : memref<!tpu.dma_semaphore, #tpu.memory_space<semaphore_mem>>
        %dma_start3A = arith.constant 0 : i32
        %dma_start3A_18 = tpu.memref_slice %arg11[%dma_start3A] : memref<10112xf32, #tpu.memory_space<vmem_shared>> -> memref<10000xf32, #tpu.memory_space<vmem_shared>>
        %dma_start3A_19 = arith.constant 0 : i32
        %dma_start3A_20 = tpu.memref_slice %arg11[%dma_start3A_19] : memref<10112xf32, #tpu.memory_space<vmem_shared>> -> memref<10000xf32, #tpu.memory_space<vmem_shared>>
        tpu.enqueue_dma source(%dma_start3A_20 : memref<10000xf32, #tpu.memory_space<vmem_shared>>) target(%arg10 : memref<10000xf32, #tpu.memory_space<vmem>>) target_semaphore(%run_scoped3A_17 : memref<!tpu.dma_semaphore, #tpu.memory_space<semaphore_mem>>)
        %dma_wait3A = arith.constant 0 : i32
        %dma_wait3A_21 = tpu.memref_slice %arg11[%dma_wait3A] : memref<10112xf32, #tpu.memory_space<vmem_shared>> -> memref<10000xf32, #tpu.memory_space<vmem_shared>>
        %dma_wait3A_22 = arith.constant 0 : i32
        %dma_wait3A_23 = tpu.memref_slice %arg11[%dma_wait3A_22] : memref<10112xf32, #tpu.memory_space<vmem_shared>> -> memref<10000xf32, #tpu.memory_space<vmem_shared>>
        tpu.wait_dma2 semaphore(%run_scoped3A_17 : memref<!tpu.dma_semaphore, #tpu.memory_space<semaphore_mem>>) src(%dma_wait3A_23 : memref<10000xf32, #tpu.memory_space<vmem_shared>>) dst(%arg10 : memref<10000xf32, #tpu.memory_space<vmem>>)
        tpu.yield
      }) : () -> ()
      %run_scoped3A = arith.constant 0 : i32
      "tpu.region"() ({
        %run_scoped3A_17 = tpu.sem_alloc : memref<!tpu.dma_semaphore, #tpu.memory_space<semaphore_mem>>
        %dma_start3A = arith.constant 0 : i32
        %dma_start3A_18 = tpu.memref_slice %arg6[%arg0, %run_scoped3A, %dma_start3A] : memref<2x2x10000xf32, #tpu.memory_space<hbm>> -> memref<1x1x10000xf32, #tpu.memory_space<hbm>>
        %dma_start3A_19 = tpu.memref_squeeze %dma_start3A_18 : memref<1x1x10000xf32, #tpu.memory_space<hbm>> -> memref<10000xf32, #tpu.memory_space<hbm>>
        %dma_start3A_20 = arith.constant 0 : i32
        %dma_start3A_21 = tpu.memref_slice %arg6[%arg0, %run_scoped3A, %dma_start3A_20] : memref<2x2x10000xf32, #tpu.memory_space<hbm>> -> memref<1x1x10000xf32, #tpu.memory_space<hbm>>
        %dma_start3A_22 = tpu.memref_squeeze %dma_start3A_21 : memref<1x1x10000xf32, #tpu.memory_space<hbm>> -> memref<10000xf32, #tpu.memory_space<hbm>>
        tpu.enqueue_dma source(%arg10 : memref<10000xf32, #tpu.memory_space<vmem>>) target(%dma_start3A_22 : memref<10000xf32, #tpu.memory_space<hbm>>) target_semaphore(%run_scoped3A_17 : memref<!tpu.dma_semaphore, #tpu.memory_space<semaphore_mem>>)
        %dma_wait3A = arith.constant 0 : i32
        %dma_wait3A_23 = tpu.memref_slice %arg6[%arg0, %run_scoped3A, %dma_wait3A] : memref<2x2x10000xf32, #tpu.memory_space<hbm>> -> memref<1x1x10000xf32, #tpu.memory_space<hbm>>
        %dma_wait3A_24 = tpu.memref_squeeze %dma_wait3A_23 : memref<1x1x10000xf32, #tpu.memory_space<hbm>> -> memref<10000xf32, #tpu.memory_space<hbm>>
        %dma_wait3A_25 = arith.constant 0 : i32
        %dma_wait3A_26 = tpu.memref_slice %arg6[%arg0, %run_scoped3A, %dma_wait3A_25] : memref<2x2x10000xf32, #tpu.memory_space<hbm>> -> memref<1x1x10000xf32, #tpu.memory_space<hbm>>
        %dma_wait3A_27 = tpu.memref_squeeze %dma_wait3A_26 : memref<1x1x10000xf32, #tpu.memory_space<hbm>> -> memref<10000xf32, #tpu.memory_space<hbm>>
        tpu.wait_dma2 semaphore(%run_scoped3A_17 : memref<!tpu.dma_semaphore, #tpu.memory_space<semaphore_mem>>) src(%arg10 : memref<10000xf32, #tpu.memory_space<vmem>>) dst(%dma_wait3A_27 : memref<10000xf32, #tpu.memory_space<hbm>>)
        tpu.yield
      }) : () -> ()
      "tpu.region"() ({
        %run_scoped3A_17 = tpu.sem_alloc : memref<!tpu.dma_semaphore, #tpu.memory_space<semaphore_mem>>
        %dma_start3A = arith.constant 0 : i32
        %dma_start3A_18 = tpu.memref_slice %arg12[%dma_start3A] : memref<10112xf32, #tpu.memory_space<vmem_shared>> -> memref<10000xf32, #tpu.memory_space<vmem_shared>>
        %dma_start3A_19 = arith.constant 0 : i32
        %dma_start3A_20 = tpu.memref_slice %arg12[%dma_start3A_19] : memref<10112xf32, #tpu.memory_space<vmem_shared>> -> memref<10000xf32, #tpu.memory_space<vmem_shared>>
        tpu.enqueue_dma source(%dma_start3A_20 : memref<10000xf32, #tpu.memory_space<vmem_shared>>) target(%arg10 : memref<10000xf32, #tpu.memory_space<vmem>>) target_semaphore(%run_scoped3A_17 : memref<!tpu.dma_semaphore, #tpu.memory_space<semaphore_mem>>)
        %dma_wait3A = arith.constant 0 : i32
        %dma_wait3A_21 = tpu.memref_slice %arg12[%dma_wait3A] : memref<10112xf32, #tpu.memory_space<vmem_shared>> -> memref<10000xf32, #tpu.memory_space<vmem_shared>>
        %dma_wait3A_22 = arith.constant 0 : i32
        %dma_wait3A_23 = tpu.memref_slice %arg12[%dma_wait3A_22] : memref<10112xf32, #tpu.memory_space<vmem_shared>> -> memref<10000xf32, #tpu.memory_space<vmem_shared>>
        tpu.wait_dma2 semaphore(%run_scoped3A_17 : memref<!tpu.dma_semaphore, #tpu.memory_space<semaphore_mem>>) src(%dma_wait3A_23 : memref<10000xf32, #tpu.memory_space<vmem_shared>>) dst(%arg10 : memref<10000xf32, #tpu.memory_space<vmem>>)
        tpu.yield
      }) : () -> ()
      %run_scoped3A_16 = arith.constant 1 : i32
      "tpu.region"() ({
        %run_scoped3A_17 = tpu.sem_alloc : memref<!tpu.dma_semaphore, #tpu.memory_space<semaphore_mem>>
        %dma_start3A = arith.constant 0 : i32
        %dma_start3A_18 = tpu.memref_slice %arg6[%arg0, %run_scoped3A_16, %dma_start3A] : memref<2x2x10000xf32, #tpu.memory_space<hbm>> -> memref<1x1x10000xf32, #tpu.memory_space<hbm>>
        %dma_start3A_19 = tpu.memref_squeeze %dma_start3A_18 : memref<1x1x10000xf32, #tpu.memory_space<hbm>> -> memref<10000xf32, #tpu.memory_space<hbm>>
        %dma_start3A_20 = arith.constant 0 : i32
        %dma_start3A_21 = tpu.memref_slice %arg6[%arg0, %run_scoped3A_16, %dma_start3A_20] : memref<2x2x10000xf32, #tpu.memory_space<hbm>> -> memref<1x1x10000xf32, #tpu.memory_space<hbm>>
        %dma_start3A_22 = tpu.memref_squeeze %dma_start3A_21 : memref<1x1x10000xf32, #tpu.memory_space<hbm>> -> memref<10000xf32, #tpu.memory_space<hbm>>
        tpu.enqueue_dma source(%arg10 : memref<10000xf32, #tpu.memory_space<vmem>>) target(%dma_start3A_22 : memref<10000xf32, #tpu.memory_space<hbm>>) target_semaphore(%run_scoped3A_17 : memref<!tpu.dma_semaphore, #tpu.memory_space<semaphore_mem>>)
        %dma_wait3A = arith.constant 0 : i32
        %dma_wait3A_23 = tpu.memref_slice %arg6[%arg0, %run_scoped3A_16, %dma_wait3A] : memref<2x2x10000xf32, #tpu.memory_space<hbm>> -> memref<1x1x10000xf32, #tpu.memory_space<hbm>>
        %dma_wait3A_24 = tpu.memref_squeeze %dma_wait3A_23 : memref<1x1x10000xf32, #tpu.memory_space<hbm>> -> memref<10000xf32, #tpu.memory_space<hbm>>
        %dma_wait3A_25 = arith.constant 0 : i32
        %dma_wait3A_26 = tpu.memref_slice %arg6[%arg0, %run_scoped3A_16, %dma_wait3A_25] : memref<2x2x10000xf32, #tpu.memory_space<hbm>> -> memref<1x1x10000xf32, #tpu.memory_space<hbm>>
        %dma_wait3A_27 = tpu.memref_squeeze %dma_wait3A_26 : memref<1x1x10000xf32, #tpu.memory_space<hbm>> -> memref<10000xf32, #tpu.memory_space<hbm>>
        tpu.wait_dma2 semaphore(%run_scoped3A_17 : memref<!tpu.dma_semaphore, #tpu.memory_space<semaphore_mem>>) src(%arg10 : memref<10000xf32, #tpu.memory_space<vmem>>) dst(%dma_wait3A_27 : memref<10000xf32, #tpu.memory_space<hbm>>)
        tpu.yield
      }) : () -> ()
    } else {
    }
    return
  }
}

#map = affine_map<(d0, d1) -> (0, 0, 0)>
#map1 = affine_map<(d0, d1) -> (0, 0)>
module attributes {stable_mosaic.version = 14 : i64} {
  func.func @agg_body(%arg0: i32, %arg1: i32, %arg2: memref<2x10000x64xf32, #tpu.memory_space<hbm>>, %arg3: memref<16x160x125xi32, #tpu.memory_space<hbm>>, %arg4: memref<16x160x125xi32, #tpu.memory_space<hbm>>, %arg5: memref<10112x64xf32, #tpu.memory_space<hbm>>, %arg6: memref<2x10112x64xf32, #tpu.memory_space<hbm>>, %arg7: memref<160x125xi32, #tpu.memory_space<vmem>>, %arg8: memref<160x125xi32, #tpu.memory_space<vmem>>, %arg9: memref<5x125x64xf32, #tpu.memory_space<vmem>>, %arg10: memref<5x!tpu.dma_semaphore, #tpu.memory_space<semaphore_mem>>, %arg11: memref<5x!tpu.dma_semaphore, #tpu.memory_space<semaphore_mem>>, %arg12: memref<10112x64xf32, #tpu.memory_space<vmem_shared>>) attributes {dimension_semantics = [#tpu.dimension_semantics<core_parallel>, #tpu.dimension_semantics<subcore_parallel>], iteration_bounds = array<i64: 2, 16>, scalar_prefetch = 0 : i64, scratch_operands = 6 : i64, tpu.core_type = #tpu.core_type<sc_vector_subcore>, window_params = [{transform_indices = #map}, {transform_indices = #map}, {transform_indices = #map}, {transform_indices = #map1}, {transform_indices = #map}]} {
    %mul3A = arith.constant 632 : i32
    %mul3A_0 = arith.muli %arg1, %mul3A : i32
    %mul3A_1 = arith.constant 632 : i32
    %mul3A_2 = arith.muli %arg1, %mul3A_1 : i32
    "tpu.region"() ({
      %run_scoped3A = tpu.sem_alloc : memref<!tpu.dma_semaphore, #tpu.memory_space<semaphore_mem>>
      %dma_start3A = arith.constant 0 : i32
      %dma_start3A_102 = tpu.memref_slice %arg12[%mul3A_2, %dma_start3A] : memref<10112x64xf32, #tpu.memory_space<vmem_shared>> -> memref<632x64xf32, #tpu.memory_space<vmem_shared>>
      %dma_start3A_103 = arith.constant 0 : i32
      %dma_start3A_104 = tpu.memref_slice %arg5[%mul3A_0, %dma_start3A_103] : memref<10112x64xf32, #tpu.memory_space<hbm>> -> memref<632x64xf32, #tpu.memory_space<hbm>>
      tpu.enqueue_dma source(%dma_start3A_104 : memref<632x64xf32, #tpu.memory_space<hbm>>) target(%dma_start3A_102 : memref<632x64xf32, #tpu.memory_space<vmem_shared>>) target_semaphore(%run_scoped3A : memref<!tpu.dma_semaphore, #tpu.memory_space<semaphore_mem>>)
      %dma_wait3A_105 = arith.constant 0 : i32
      %dma_wait3A_106 = tpu.memref_slice %arg12[%mul3A_2, %dma_wait3A_105] : memref<10112x64xf32, #tpu.memory_space<vmem_shared>> -> memref<632x64xf32, #tpu.memory_space<vmem_shared>>
      %dma_wait3A_107 = arith.constant 0 : i32
      %dma_wait3A_108 = tpu.memref_slice %arg5[%mul3A_0, %dma_wait3A_107] : memref<10112x64xf32, #tpu.memory_space<hbm>> -> memref<632x64xf32, #tpu.memory_space<hbm>>
      tpu.wait_dma2 semaphore(%run_scoped3A : memref<!tpu.dma_semaphore, #tpu.memory_space<semaphore_mem>>) src(%dma_wait3A_108 : memref<632x64xf32, #tpu.memory_space<hbm>>) dst(%dma_wait3A_106 : memref<632x64xf32, #tpu.memory_space<vmem_shared>>)
      tpu.yield
    }) : () -> ()
    "tpu.region"() ({
      %run_scoped3A = tpu.sem_alloc : memref<!tpu.dma_semaphore, #tpu.memory_space<semaphore_mem>>
      %dma_start3A = arith.constant 0 : i32
      %dma_start3A_102 = arith.constant 0 : i32
      %dma_start3A_103 = tpu.memref_slice %arg3[%arg1, %dma_start3A, %dma_start3A_102] : memref<16x160x125xi32, #tpu.memory_space<hbm>> -> memref<1x160x125xi32, #tpu.memory_space<hbm>>
      %dma_start3A_104 = tpu.memref_squeeze %dma_start3A_103 : memref<1x160x125xi32, #tpu.memory_space<hbm>> -> memref<160x125xi32, #tpu.memory_space<hbm>>
      %dma_start3A_105 = arith.constant 0 : i32
      %dma_start3A_106 = arith.constant 0 : i32
      %dma_start3A_107 = tpu.memref_slice %arg3[%arg1, %dma_start3A_105, %dma_start3A_106] : memref<16x160x125xi32, #tpu.memory_space<hbm>> -> memref<1x160x125xi32, #tpu.memory_space<hbm>>
      %dma_start3A_108 = tpu.memref_squeeze %dma_start3A_107 : memref<1x160x125xi32, #tpu.memory_space<hbm>> -> memref<160x125xi32, #tpu.memory_space<hbm>>
      tpu.enqueue_dma source(%dma_start3A_108 : memref<160x125xi32, #tpu.memory_space<hbm>>) target(%arg7 : memref<160x125xi32, #tpu.memory_space<vmem>>) target_semaphore(%run_scoped3A : memref<!tpu.dma_semaphore, #tpu.memory_space<semaphore_mem>>)
      %dma_wait3A_109 = arith.constant 0 : i32
      %dma_wait3A_110 = arith.constant 0 : i32
      %dma_wait3A_111 = tpu.memref_slice %arg3[%arg1, %dma_wait3A_109, %dma_wait3A_110] : memref<16x160x125xi32, #tpu.memory_space<hbm>> -> memref<1x160x125xi32, #tpu.memory_space<hbm>>
      %dma_wait3A_112 = tpu.memref_squeeze %dma_wait3A_111 : memref<1x160x125xi32, #tpu.memory_space<hbm>> -> memref<160x125xi32, #tpu.memory_space<hbm>>
      %dma_wait3A_113 = arith.constant 0 : i32
      %dma_wait3A_114 = arith.constant 0 : i32
      %dma_wait3A_115 = tpu.memref_slice %arg3[%arg1, %dma_wait3A_113, %dma_wait3A_114] : memref<16x160x125xi32, #tpu.memory_space<hbm>> -> memref<1x160x125xi32, #tpu.memory_space<hbm>>
      %dma_wait3A_116 = tpu.memref_squeeze %dma_wait3A_115 : memref<1x160x125xi32, #tpu.memory_space<hbm>> -> memref<160x125xi32, #tpu.memory_space<hbm>>
      tpu.wait_dma2 semaphore(%run_scoped3A : memref<!tpu.dma_semaphore, #tpu.memory_space<semaphore_mem>>) src(%dma_wait3A_116 : memref<160x125xi32, #tpu.memory_space<hbm>>) dst(%arg7 : memref<160x125xi32, #tpu.memory_space<vmem>>)
      tpu.yield
    }) : () -> ()
    "tpu.region"() ({
      %run_scoped3A = tpu.sem_alloc : memref<!tpu.dma_semaphore, #tpu.memory_space<semaphore_mem>>
      %dma_start3A = arith.constant 0 : i32
      %dma_start3A_102 = arith.constant 0 : i32
      %dma_start3A_103 = tpu.memref_slice %arg4[%arg1, %dma_start3A, %dma_start3A_102] : memref<16x160x125xi32, #tpu.memory_space<hbm>> -> memref<1x160x125xi32, #tpu.memory_space<hbm>>
      %dma_start3A_104 = tpu.memref_squeeze %dma_start3A_103 : memref<1x160x125xi32, #tpu.memory_space<hbm>> -> memref<160x125xi32, #tpu.memory_space<hbm>>
      %dma_start3A_105 = arith.constant 0 : i32
      %dma_start3A_106 = arith.constant 0 : i32
      %dma_start3A_107 = tpu.memref_slice %arg4[%arg1, %dma_start3A_105, %dma_start3A_106] : memref<16x160x125xi32, #tpu.memory_space<hbm>> -> memref<1x160x125xi32, #tpu.memory_space<hbm>>
      %dma_start3A_108 = tpu.memref_squeeze %dma_start3A_107 : memref<1x160x125xi32, #tpu.memory_space<hbm>> -> memref<160x125xi32, #tpu.memory_space<hbm>>
      tpu.enqueue_dma source(%dma_start3A_108 : memref<160x125xi32, #tpu.memory_space<hbm>>) target(%arg8 : memref<160x125xi32, #tpu.memory_space<vmem>>) target_semaphore(%run_scoped3A : memref<!tpu.dma_semaphore, #tpu.memory_space<semaphore_mem>>)
      %dma_wait3A_109 = arith.constant 0 : i32
      %dma_wait3A_110 = arith.constant 0 : i32
      %dma_wait3A_111 = tpu.memref_slice %arg4[%arg1, %dma_wait3A_109, %dma_wait3A_110] : memref<16x160x125xi32, #tpu.memory_space<hbm>> -> memref<1x160x125xi32, #tpu.memory_space<hbm>>
      %dma_wait3A_112 = tpu.memref_squeeze %dma_wait3A_111 : memref<1x160x125xi32, #tpu.memory_space<hbm>> -> memref<160x125xi32, #tpu.memory_space<hbm>>
      %dma_wait3A_113 = arith.constant 0 : i32
      %dma_wait3A_114 = arith.constant 0 : i32
      %dma_wait3A_115 = tpu.memref_slice %arg4[%arg1, %dma_wait3A_113, %dma_wait3A_114] : memref<16x160x125xi32, #tpu.memory_space<hbm>> -> memref<1x160x125xi32, #tpu.memory_space<hbm>>
      %dma_wait3A_116 = tpu.memref_squeeze %dma_wait3A_115 : memref<1x160x125xi32, #tpu.memory_space<hbm>> -> memref<160x125xi32, #tpu.memory_space<hbm>>
      tpu.wait_dma2 semaphore(%run_scoped3A : memref<!tpu.dma_semaphore, #tpu.memory_space<semaphore_mem>>) src(%dma_wait3A_116 : memref<160x125xi32, #tpu.memory_space<hbm>>) dst(%arg8 : memref<160x125xi32, #tpu.memory_space<vmem>>)
      tpu.yield
    }) : () -> ()
    %barrier3A = arith.constant 0 : index
    tpu.barrier barrier_id(%barrier3A)
    %scan3A = arith.constant 0 : i32
    %scan3A_3 = arith.constant 0 : i32
    %scan3A_4 = arith.constant 32 : i32
    %scan3A_5 = arith.addi %scan3A_3, %scan3A_4 : i32
    %scan3A_6 = arith.constant 1 : i32
    scf.for %scan3A_102 = %scan3A_3 to %scan3A_5 step %scan3A_6  : i32 {
      %mul3A_103 = arith.constant 5 : i32
      %mul3A_104 = arith.muli %scan3A_102, %mul3A_103 : i32
      %gt3A = arith.constant 0 : i32
      %gt3A_105 = arith.cmpi sgt, %scan3A_102, %gt3A : i32
      %convert_element_type3A = arith.extui %gt3A_105 : i1 to i32
      %cond3A = arith.constant 0 : i32
      %cond3A_106 = arith.cmpi ne, %convert_element_type3A, %cond3A : i32
      scf.if %cond3A_106 {
        %dma_wait3A_405 = arith.constant 0 : i32
        %dma_wait3A_406 = arith.constant 0 : i32
        %dma_wait3A_407 = arith.constant 0 : i32
        %dma_wait3A_408 = arith.constant 0 : i32
        %dma_wait3A_409 = tpu.memref_slice %arg9[%dma_wait3A_405, %dma_wait3A_407, %dma_wait3A_408] : memref<5x125x64xf32, #tpu.memory_space<vmem>> -> memref<1x125x64xf32, #tpu.memory_space<vmem>>
        %dma_wait3A_410 = tpu.memref_squeeze %dma_wait3A_409 : memref<1x125x64xf32, #tpu.memory_space<vmem>> -> memref<125x64xf32, #tpu.memory_space<vmem>>
        %dma_wait3A_411 = arith.constant 0 : i32
        %dma_wait3A_412 = arith.constant 0 : i32
        %dma_wait3A_413 = tpu.memref_slice %arg5[%dma_wait3A_411, %dma_wait3A_412] : memref<10112x64xf32, #tpu.memory_space<hbm>> -> memref<125x64xf32, #tpu.memory_space<hbm>>
        %dma_wait3A_414 = tpu.memref_slice %arg11[%dma_wait3A_406] : memref<5x!tpu.dma_semaphore, #tpu.memory_space<semaphore_mem>> -> memref<1x!tpu.dma_semaphore, #tpu.memory_space<semaphore_mem>>
        %dma_wait3A_415 = tpu.memref_squeeze %dma_wait3A_414 : memref<1x!tpu.dma_semaphore, #tpu.memory_space<semaphore_mem>> -> memref<!tpu.dma_semaphore, #tpu.memory_space<semaphore_mem>>
        %dma_wait3A_416 = arith.constant 0 : i32
        %dma_wait3A_417 = arith.constant 0 : i32
        %dma_wait3A_418 = tpu.memref_slice %arg9[%dma_wait3A_405, %dma_wait3A_416, %dma_wait3A_417] : memref<5x125x64xf32, #tpu.memory_space<vmem>> -> memref<1x125x64xf32, #tpu.memory_space<vmem>>
        %dma_wait3A_419 = tpu.memref_squeeze %dma_wait3A_418 : memref<1x125x64xf32, #tpu.memory_space<vmem>> -> memref<125x64xf32, #tpu.memory_space<vmem>>
        %dma_wait3A_420 = arith.constant 0 : i32
        %dma_wait3A_421 = arith.constant 0 : i32
        %dma_wait3A_422 = tpu.memref_slice %arg5[%dma_wait3A_420, %dma_wait3A_421] : memref<10112x64xf32, #tpu.memory_space<hbm>> -> memref<125x64xf32, #tpu.memory_space<hbm>>
        tpu.wait_dma2 semaphore(%dma_wait3A_415 : memref<!tpu.dma_semaphore, #tpu.memory_space<semaphore_mem>>) src(%dma_wait3A_422 : memref<125x64xf32, #tpu.memory_space<hbm>>) dst(%dma_wait3A_419 : memref<125x64xf32, #tpu.memory_space<vmem>>)
      } else {
      }
      %add3A = arith.constant 0 : i32
      %add3A_107 = arith.addi %mul3A_104, %add3A : i32
      %dma_start3A = arith.constant 0 : i32
      %dma_start3A_108 = arith.constant 0 : i32
      %dma_start3A_109 = arith.constant 0 : i32
      %dma_start3A_110 = arith.constant 0 : i32
      %dma_start3A_111 = tpu.memref_slice %arg9[%dma_start3A, %dma_start3A_109, %dma_start3A_110] : memref<5x125x64xf32, #tpu.memory_space<vmem>> -> memref<1x125x64xf32, #tpu.memory_space<vmem>>
      %dma_start3A_112 = tpu.memref_squeeze %dma_start3A_111 : memref<1x125x64xf32, #tpu.memory_space<vmem>> -> memref<125x64xf32, #tpu.memory_space<vmem>>
      %dma_start3A_113 = arith.constant 0 : i32
      %dma_start3A_114 = tpu.memref_slice %arg7[%add3A_107, %dma_start3A_113] : memref<160x125xi32, #tpu.memory_space<vmem>> -> memref<1x125xi32, #tpu.memory_space<vmem>>
      %dma_start3A_115 = tpu.memref_squeeze %dma_start3A_114 : memref<1x125xi32, #tpu.memory_space<vmem>> -> memref<125xi32, #tpu.memory_space<vmem>>
      %dma_start3A_116 = arith.constant 0 : i32
      %dma_start3A_117 = arith.constant 0 : i32
      %dma_start3A_118 = tpu.memref_slice %arg2[%arg0, %dma_start3A_116, %dma_start3A_117] : memref<2x10000x64xf32, #tpu.memory_space<hbm>> -> memref<1x10000x64xf32, #tpu.memory_space<hbm>>
      %dma_start3A_119 = tpu.memref_squeeze %dma_start3A_118 : memref<1x10000x64xf32, #tpu.memory_space<hbm>> -> memref<10000x64xf32, #tpu.memory_space<hbm>>
      %dma_start3A_120 = arith.constant 0 : i32
      %dma_start3A_121 = arith.constant 0 : i32
      %dma_start3A_122 = tpu.memref_slice %dma_start3A_119[%dma_start3A_120, %dma_start3A_121] : memref<10000x64xf32, #tpu.memory_space<hbm>> -> memref<10000x64xf32, #tpu.memory_space<hbm>>
      %dma_start3A_123 = tpu.memref_slice %arg10[%dma_start3A_108] : memref<5x!tpu.dma_semaphore, #tpu.memory_space<semaphore_mem>> -> memref<1x!tpu.dma_semaphore, #tpu.memory_space<semaphore_mem>>
      %dma_start3A_124 = tpu.memref_squeeze %dma_start3A_123 : memref<1x!tpu.dma_semaphore, #tpu.memory_space<semaphore_mem>> -> memref<!tpu.dma_semaphore, #tpu.memory_space<semaphore_mem>>
      tpu.enqueue_indirect_dma source(%dma_start3A_122 : memref<10000x64xf32, #tpu.memory_space<hbm>>) target(%dma_start3A_112 : memref<125x64xf32, #tpu.memory_space<vmem>>) offsets(%dma_start3A_115 : memref<125xi32, #tpu.memory_space<vmem>>) semaphore(%dma_start3A_124 : memref<!tpu.dma_semaphore, #tpu.memory_space<semaphore_mem>>)
      %gt3A_125 = arith.constant 0 : i32
      %gt3A_126 = arith.cmpi sgt, %scan3A_102, %gt3A_125 : i32
      %convert_element_type3A_127 = arith.extui %gt3A_126 : i1 to i32
      %cond3A_128 = arith.constant 0 : i32
      %cond3A_129 = arith.cmpi ne, %convert_element_type3A_127, %cond3A_128 : i32
      scf.if %cond3A_129 {
        %dma_wait3A_405 = arith.constant 1 : i32
        %dma_wait3A_406 = arith.constant 1 : i32
        %dma_wait3A_407 = arith.constant 0 : i32
        %dma_wait3A_408 = arith.constant 0 : i32
        %dma_wait3A_409 = tpu.memref_slice %arg9[%dma_wait3A_405, %dma_wait3A_407, %dma_wait3A_408] : memref<5x125x64xf32, #tpu.memory_space<vmem>> -> memref<1x125x64xf32, #tpu.memory_space<vmem>>
        %dma_wait3A_410 = tpu.memref_squeeze %dma_wait3A_409 : memref<1x125x64xf32, #tpu.memory_space<vmem>> -> memref<125x64xf32, #tpu.memory_space<vmem>>
        %dma_wait3A_411 = arith.constant 0 : i32
        %dma_wait3A_412 = arith.constant 0 : i32
        %dma_wait3A_413 = tpu.memref_slice %arg5[%dma_wait3A_411, %dma_wait3A_412] : memref<10112x64xf32, #tpu.memory_space<hbm>> -> memref<125x64xf32, #tpu.memory_space<hbm>>
        %dma_wait3A_414 = tpu.memref_slice %arg11[%dma_wait3A_406] : memref<5x!tpu.dma_semaphore, #tpu.memory_space<semaphore_mem>> -> memref<1x!tpu.dma_semaphore, #tpu.memory_space<semaphore_mem>>
        %dma_wait3A_415 = tpu.memref_squeeze %dma_wait3A_414 : memref<1x!tpu.dma_semaphore, #tpu.memory_space<semaphore_mem>> -> memref<!tpu.dma_semaphore, #tpu.memory_space<semaphore_mem>>
        %dma_wait3A_416 = arith.constant 0 : i32
        %dma_wait3A_417 = arith.constant 0 : i32
        %dma_wait3A_418 = tpu.memref_slice %arg9[%dma_wait3A_405, %dma_wait3A_416, %dma_wait3A_417] : memref<5x125x64xf32, #tpu.memory_space<vmem>> -> memref<1x125x64xf32, #tpu.memory_space<vmem>>
        %dma_wait3A_419 = tpu.memref_squeeze %dma_wait3A_418 : memref<1x125x64xf32, #tpu.memory_space<vmem>> -> memref<125x64xf32, #tpu.memory_space<vmem>>
        %dma_wait3A_420 = arith.constant 0 : i32
        %dma_wait3A_421 = arith.constant 0 : i32
        %dma_wait3A_422 = tpu.memref_slice %arg5[%dma_wait3A_420, %dma_wait3A_421] : memref<10112x64xf32, #tpu.memory_space<hbm>> -> memref<125x64xf32, #tpu.memory_space<hbm>>
        tpu.wait_dma2 semaphore(%dma_wait3A_415 : memref<!tpu.dma_semaphore, #tpu.memory_space<semaphore_mem>>) src(%dma_wait3A_422 : memref<125x64xf32, #tpu.memory_space<hbm>>) dst(%dma_wait3A_419 : memref<125x64xf32, #tpu.memory_space<vmem>>)
      } else {
      }
      %add3A_130 = arith.constant 1 : i32
      %add3A_131 = arith.addi %mul3A_104, %add3A_130 : i32
      %dma_start3A_132 = arith.constant 1 : i32
      %dma_start3A_133 = arith.constant 1 : i32
      %dma_start3A_134 = arith.constant 0 : i32
      %dma_start3A_135 = arith.constant 0 : i32
      %dma_start3A_136 = tpu.memref_slice %arg9[%dma_start3A_132, %dma_start3A_134, %dma_start3A_135] : memref<5x125x64xf32, #tpu.memory_space<vmem>> -> memref<1x125x64xf32, #tpu.memory_space<vmem>>
      %dma_start3A_137 = tpu.memref_squeeze %dma_start3A_136 : memref<1x125x64xf32, #tpu.memory_space<vmem>> -> memref<125x64xf32, #tpu.memory_space<vmem>>
      %dma_start3A_138 = arith.constant 0 : i32
      %dma_start3A_139 = tpu.memref_slice %arg7[%add3A_131, %dma_start3A_138] : memref<160x125xi32, #tpu.memory_space<vmem>> -> memref<1x125xi32, #tpu.memory_space<vmem>>
      %dma_start3A_140 = tpu.memref_squeeze %dma_start3A_139 : memref<1x125xi32, #tpu.memory_space<vmem>> -> memref<125xi32, #tpu.memory_space<vmem>>
      %dma_start3A_141 = arith.constant 0 : i32
      %dma_start3A_142 = arith.constant 0 : i32
      %dma_start3A_143 = tpu.memref_slice %arg2[%arg0, %dma_start3A_141, %dma_start3A_142] : memref<2x10000x64xf32, #tpu.memory_space<hbm>> -> memref<1x10000x64xf32, #tpu.memory_space<hbm>>
      %dma_start3A_144 = tpu.memref_squeeze %dma_start3A_143 : memref<1x10000x64xf32, #tpu.memory_space<hbm>> -> memref<10000x64xf32, #tpu.memory_space<hbm>>
      %dma_start3A_145 = arith.constant 0 : i32
      %dma_start3A_146 = arith.constant 0 : i32
      %dma_start3A_147 = tpu.memref_slice %dma_start3A_144[%dma_start3A_145, %dma_start3A_146] : memref<10000x64xf32, #tpu.memory_space<hbm>> -> memref<10000x64xf32, #tpu.memory_space<hbm>>
      %dma_start3A_148 = tpu.memref_slice %arg10[%dma_start3A_133] : memref<5x!tpu.dma_semaphore, #tpu.memory_space<semaphore_mem>> -> memref<1x!tpu.dma_semaphore, #tpu.memory_space<semaphore_mem>>
      %dma_start3A_149 = tpu.memref_squeeze %dma_start3A_148 : memref<1x!tpu.dma_semaphore, #tpu.memory_space<semaphore_mem>> -> memref<!tpu.dma_semaphore, #tpu.memory_space<semaphore_mem>>
      tpu.enqueue_indirect_dma source(%dma_start3A_147 : memref<10000x64xf32, #tpu.memory_space<hbm>>) target(%dma_start3A_137 : memref<125x64xf32, #tpu.memory_space<vmem>>) offsets(%dma_start3A_140 : memref<125xi32, #tpu.memory_space<vmem>>) semaphore(%dma_start3A_149 : memref<!tpu.dma_semaphore, #tpu.memory_space<semaphore_mem>>)
      %gt3A_150 = arith.constant 0 : i32
      %gt3A_151 = arith.cmpi sgt, %scan3A_102, %gt3A_150 : i32
      %convert_element_type3A_152 = arith.extui %gt3A_151 : i1 to i32
      %cond3A_153 = arith.constant 0 : i32
      %cond3A_154 = arith.cmpi ne, %convert_element_type3A_152, %cond3A_153 : i32
      scf.if %cond3A_154 {
        %dma_wait3A_405 = arith.constant 2 : i32
        %dma_wait3A_406 = arith.constant 2 : i32
        %dma_wait3A_407 = arith.constant 0 : i32
        %dma_wait3A_408 = arith.constant 0 : i32
        %dma_wait3A_409 = tpu.memref_slice %arg9[%dma_wait3A_405, %dma_wait3A_407, %dma_wait3A_408] : memref<5x125x64xf32, #tpu.memory_space<vmem>> -> memref<1x125x64xf32, #tpu.memory_space<vmem>>
        %dma_wait3A_410 = tpu.memref_squeeze %dma_wait3A_409 : memref<1x125x64xf32, #tpu.memory_space<vmem>> -> memref<125x64xf32, #tpu.memory_space<vmem>>
        %dma_wait3A_411 = arith.constant 0 : i32
        %dma_wait3A_412 = arith.constant 0 : i32
        %dma_wait3A_413 = tpu.memref_slice %arg5[%dma_wait3A_411, %dma_wait3A_412] : memref<10112x64xf32, #tpu.memory_space<hbm>> -> memref<125x64xf32, #tpu.memory_space<hbm>>
        %dma_wait3A_414 = tpu.memref_slice %arg11[%dma_wait3A_406] : memref<5x!tpu.dma_semaphore, #tpu.memory_space<semaphore_mem>> -> memref<1x!tpu.dma_semaphore, #tpu.memory_space<semaphore_mem>>
        %dma_wait3A_415 = tpu.memref_squeeze %dma_wait3A_414 : memref<1x!tpu.dma_semaphore, #tpu.memory_space<semaphore_mem>> -> memref<!tpu.dma_semaphore, #tpu.memory_space<semaphore_mem>>
        %dma_wait3A_416 = arith.constant 0 : i32
        %dma_wait3A_417 = arith.constant 0 : i32
        %dma_wait3A_418 = tpu.memref_slice %arg9[%dma_wait3A_405, %dma_wait3A_416, %dma_wait3A_417] : memref<5x125x64xf32, #tpu.memory_space<vmem>> -> memref<1x125x64xf32, #tpu.memory_space<vmem>>
        %dma_wait3A_419 = tpu.memref_squeeze %dma_wait3A_418 : memref<1x125x64xf32, #tpu.memory_space<vmem>> -> memref<125x64xf32, #tpu.memory_space<vmem>>
        %dma_wait3A_420 = arith.constant 0 : i32
        %dma_wait3A_421 = arith.constant 0 : i32
        %dma_wait3A_422 = tpu.memref_slice %arg5[%dma_wait3A_420, %dma_wait3A_421] : memref<10112x64xf32, #tpu.memory_space<hbm>> -> memref<125x64xf32, #tpu.memory_space<hbm>>
        tpu.wait_dma2 semaphore(%dma_wait3A_415 : memref<!tpu.dma_semaphore, #tpu.memory_space<semaphore_mem>>) src(%dma_wait3A_422 : memref<125x64xf32, #tpu.memory_space<hbm>>) dst(%dma_wait3A_419 : memref<125x64xf32, #tpu.memory_space<vmem>>)
      } else {
      }
      %add3A_155 = arith.constant 2 : i32
      %add3A_156 = arith.addi %mul3A_104, %add3A_155 : i32
      %dma_start3A_157 = arith.constant 2 : i32
      %dma_start3A_158 = arith.constant 2 : i32
      %dma_start3A_159 = arith.constant 0 : i32
      %dma_start3A_160 = arith.constant 0 : i32
      %dma_start3A_161 = tpu.memref_slice %arg9[%dma_start3A_157, %dma_start3A_159, %dma_start3A_160] : memref<5x125x64xf32, #tpu.memory_space<vmem>> -> memref<1x125x64xf32, #tpu.memory_space<vmem>>
      %dma_start3A_162 = tpu.memref_squeeze %dma_start3A_161 : memref<1x125x64xf32, #tpu.memory_space<vmem>> -> memref<125x64xf32, #tpu.memory_space<vmem>>
      %dma_start3A_163 = arith.constant 0 : i32
      %dma_start3A_164 = tpu.memref_slice %arg7[%add3A_156, %dma_start3A_163] : memref<160x125xi32, #tpu.memory_space<vmem>> -> memref<1x125xi32, #tpu.memory_space<vmem>>
      %dma_start3A_165 = tpu.memref_squeeze %dma_start3A_164 : memref<1x125xi32, #tpu.memory_space<vmem>> -> memref<125xi32, #tpu.memory_space<vmem>>
      %dma_start3A_166 = arith.constant 0 : i32
      %dma_start3A_167 = arith.constant 0 : i32
      %dma_start3A_168 = tpu.memref_slice %arg2[%arg0, %dma_start3A_166, %dma_start3A_167] : memref<2x10000x64xf32, #tpu.memory_space<hbm>> -> memref<1x10000x64xf32, #tpu.memory_space<hbm>>
      %dma_start3A_169 = tpu.memref_squeeze %dma_start3A_168 : memref<1x10000x64xf32, #tpu.memory_space<hbm>> -> memref<10000x64xf32, #tpu.memory_space<hbm>>
      %dma_start3A_170 = arith.constant 0 : i32
      %dma_start3A_171 = arith.constant 0 : i32
      %dma_start3A_172 = tpu.memref_slice %dma_start3A_169[%dma_start3A_170, %dma_start3A_171] : memref<10000x64xf32, #tpu.memory_space<hbm>> -> memref<10000x64xf32, #tpu.memory_space<hbm>>
      %dma_start3A_173 = tpu.memref_slice %arg10[%dma_start3A_158] : memref<5x!tpu.dma_semaphore, #tpu.memory_space<semaphore_mem>> -> memref<1x!tpu.dma_semaphore, #tpu.memory_space<semaphore_mem>>
      %dma_start3A_174 = tpu.memref_squeeze %dma_start3A_173 : memref<1x!tpu.dma_semaphore, #tpu.memory_space<semaphore_mem>> -> memref<!tpu.dma_semaphore, #tpu.memory_space<semaphore_mem>>
      tpu.enqueue_indirect_dma source(%dma_start3A_172 : memref<10000x64xf32, #tpu.memory_space<hbm>>) target(%dma_start3A_162 : memref<125x64xf32, #tpu.memory_space<vmem>>) offsets(%dma_start3A_165 : memref<125xi32, #tpu.memory_space<vmem>>) semaphore(%dma_start3A_174 : memref<!tpu.dma_semaphore, #tpu.memory_space<semaphore_mem>>)
      %gt3A_175 = arith.constant 0 : i32
      %gt3A_176 = arith.cmpi sgt, %scan3A_102, %gt3A_175 : i32
      %convert_element_type3A_177 = arith.extui %gt3A_176 : i1 to i32
      %cond3A_178 = arith.constant 0 : i32
      %cond3A_179 = arith.cmpi ne, %convert_element_type3A_177, %cond3A_178 : i32
      scf.if %cond3A_179 {
        %dma_wait3A_405 = arith.constant 3 : i32
        %dma_wait3A_406 = arith.constant 3 : i32
        %dma_wait3A_407 = arith.constant 0 : i32
        %dma_wait3A_408 = arith.constant 0 : i32
        %dma_wait3A_409 = tpu.memref_slice %arg9[%dma_wait3A_405, %dma_wait3A_407, %dma_wait3A_408] : memref<5x125x64xf32, #tpu.memory_space<vmem>> -> memref<1x125x64xf32, #tpu.memory_space<vmem>>
        %dma_wait3A_410 = tpu.memref_squeeze %dma_wait3A_409 : memref<1x125x64xf32, #tpu.memory_space<vmem>> -> memref<125x64xf32, #tpu.memory_space<vmem>>
        %dma_wait3A_411 = arith.constant 0 : i32
        %dma_wait3A_412 = arith.constant 0 : i32
        %dma_wait3A_413 = tpu.memref_slice %arg5[%dma_wait3A_411, %dma_wait3A_412] : memref<10112x64xf32, #tpu.memory_space<hbm>> -> memref<125x64xf32, #tpu.memory_space<hbm>>
        %dma_wait3A_414 = tpu.memref_slice %arg11[%dma_wait3A_406] : memref<5x!tpu.dma_semaphore, #tpu.memory_space<semaphore_mem>> -> memref<1x!tpu.dma_semaphore, #tpu.memory_space<semaphore_mem>>
        %dma_wait3A_415 = tpu.memref_squeeze %dma_wait3A_414 : memref<1x!tpu.dma_semaphore, #tpu.memory_space<semaphore_mem>> -> memref<!tpu.dma_semaphore, #tpu.memory_space<semaphore_mem>>
        %dma_wait3A_416 = arith.constant 0 : i32
        %dma_wait3A_417 = arith.constant 0 : i32
        %dma_wait3A_418 = tpu.memref_slice %arg9[%dma_wait3A_405, %dma_wait3A_416, %dma_wait3A_417] : memref<5x125x64xf32, #tpu.memory_space<vmem>> -> memref<1x125x64xf32, #tpu.memory_space<vmem>>
        %dma_wait3A_419 = tpu.memref_squeeze %dma_wait3A_418 : memref<1x125x64xf32, #tpu.memory_space<vmem>> -> memref<125x64xf32, #tpu.memory_space<vmem>>
        %dma_wait3A_420 = arith.constant 0 : i32
        %dma_wait3A_421 = arith.constant 0 : i32
        %dma_wait3A_422 = tpu.memref_slice %arg5[%dma_wait3A_420, %dma_wait3A_421] : memref<10112x64xf32, #tpu.memory_space<hbm>> -> memref<125x64xf32, #tpu.memory_space<hbm>>
        tpu.wait_dma2 semaphore(%dma_wait3A_415 : memref<!tpu.dma_semaphore, #tpu.memory_space<semaphore_mem>>) src(%dma_wait3A_422 : memref<125x64xf32, #tpu.memory_space<hbm>>) dst(%dma_wait3A_419 : memref<125x64xf32, #tpu.memory_space<vmem>>)
      } else {
      }
      %add3A_180 = arith.constant 3 : i32
      %add3A_181 = arith.addi %mul3A_104, %add3A_180 : i32
      %dma_start3A_182 = arith.constant 3 : i32
      %dma_start3A_183 = arith.constant 3 : i32
      %dma_start3A_184 = arith.constant 0 : i32
      %dma_start3A_185 = arith.constant 0 : i32
      %dma_start3A_186 = tpu.memref_slice %arg9[%dma_start3A_182, %dma_start3A_184, %dma_start3A_185] : memref<5x125x64xf32, #tpu.memory_space<vmem>> -> memref<1x125x64xf32, #tpu.memory_space<vmem>>
      %dma_start3A_187 = tpu.memref_squeeze %dma_start3A_186 : memref<1x125x64xf32, #tpu.memory_space<vmem>> -> memref<125x64xf32, #tpu.memory_space<vmem>>
      %dma_start3A_188 = arith.constant 0 : i32
      %dma_start3A_189 = tpu.memref_slice %arg7[%add3A_181, %dma_start3A_188] : memref<160x125xi32, #tpu.memory_space<vmem>> -> memref<1x125xi32, #tpu.memory_space<vmem>>
      %dma_start3A_190 = tpu.memref_squeeze %dma_start3A_189 : memref<1x125xi32, #tpu.memory_space<vmem>> -> memref<125xi32, #tpu.memory_space<vmem>>
      %dma_start3A_191 = arith.constant 0 : i32
      %dma_start3A_192 = arith.constant 0 : i32
      %dma_start3A_193 = tpu.memref_slice %arg2[%arg0, %dma_start3A_191, %dma_start3A_192] : memref<2x10000x64xf32, #tpu.memory_space<hbm>> -> memref<1x10000x64xf32, #tpu.memory_space<hbm>>
      %dma_start3A_194 = tpu.memref_squeeze %dma_start3A_193 : memref<1x10000x64xf32, #tpu.memory_space<hbm>> -> memref<10000x64xf32, #tpu.memory_space<hbm>>
      %dma_start3A_195 = arith.constant 0 : i32
      %dma_start3A_196 = arith.constant 0 : i32
      %dma_start3A_197 = tpu.memref_slice %dma_start3A_194[%dma_start3A_195, %dma_start3A_196] : memref<10000x64xf32, #tpu.memory_space<hbm>> -> memref<10000x64xf32, #tpu.memory_space<hbm>>
      %dma_start3A_198 = tpu.memref_slice %arg10[%dma_start3A_183] : memref<5x!tpu.dma_semaphore, #tpu.memory_space<semaphore_mem>> -> memref<1x!tpu.dma_semaphore, #tpu.memory_space<semaphore_mem>>
      %dma_start3A_199 = tpu.memref_squeeze %dma_start3A_198 : memref<1x!tpu.dma_semaphore, #tpu.memory_space<semaphore_mem>> -> memref<!tpu.dma_semaphore, #tpu.memory_space<semaphore_mem>>
      tpu.enqueue_indirect_dma source(%dma_start3A_197 : memref<10000x64xf32, #tpu.memory_space<hbm>>) target(%dma_start3A_187 : memref<125x64xf32, #tpu.memory_space<vmem>>) offsets(%dma_start3A_190 : memref<125xi32, #tpu.memory_space<vmem>>) semaphore(%dma_start3A_199 : memref<!tpu.dma_semaphore, #tpu.memory_space<semaphore_mem>>)
      %gt3A_200 = arith.constant 0 : i32
      %gt3A_201 = arith.cmpi sgt, %scan3A_102, %gt3A_200 : i32
      %convert_element_type3A_202 = arith.extui %gt3A_201 : i1 to i32
      %cond3A_203 = arith.constant 0 : i32
      %cond3A_204 = arith.cmpi ne, %convert_element_type3A_202, %cond3A_203 : i32
      scf.if %cond3A_204 {
        %dma_wait3A_405 = arith.constant 4 : i32
        %dma_wait3A_406 = arith.constant 4 : i32
        %dma_wait3A_407 = arith.constant 0 : i32
        %dma_wait3A_408 = arith.constant 0 : i32
        %dma_wait3A_409 = tpu.memref_slice %arg9[%dma_wait3A_405, %dma_wait3A_407, %dma_wait3A_408] : memref<5x125x64xf32, #tpu.memory_space<vmem>> -> memref<1x125x64xf32, #tpu.memory_space<vmem>>
        %dma_wait3A_410 = tpu.memref_squeeze %dma_wait3A_409 : memref<1x125x64xf32, #tpu.memory_space<vmem>> -> memref<125x64xf32, #tpu.memory_space<vmem>>
        %dma_wait3A_411 = arith.constant 0 : i32
        %dma_wait3A_412 = arith.constant 0 : i32
        %dma_wait3A_413 = tpu.memref_slice %arg5[%dma_wait3A_411, %dma_wait3A_412] : memref<10112x64xf32, #tpu.memory_space<hbm>> -> memref<125x64xf32, #tpu.memory_space<hbm>>
        %dma_wait3A_414 = tpu.memref_slice %arg11[%dma_wait3A_406] : memref<5x!tpu.dma_semaphore, #tpu.memory_space<semaphore_mem>> -> memref<1x!tpu.dma_semaphore, #tpu.memory_space<semaphore_mem>>
        %dma_wait3A_415 = tpu.memref_squeeze %dma_wait3A_414 : memref<1x!tpu.dma_semaphore, #tpu.memory_space<semaphore_mem>> -> memref<!tpu.dma_semaphore, #tpu.memory_space<semaphore_mem>>
        %dma_wait3A_416 = arith.constant 0 : i32
        %dma_wait3A_417 = arith.constant 0 : i32
        %dma_wait3A_418 = tpu.memref_slice %arg9[%dma_wait3A_405, %dma_wait3A_416, %dma_wait3A_417] : memref<5x125x64xf32, #tpu.memory_space<vmem>> -> memref<1x125x64xf32, #tpu.memory_space<vmem>>
        %dma_wait3A_419 = tpu.memref_squeeze %dma_wait3A_418 : memref<1x125x64xf32, #tpu.memory_space<vmem>> -> memref<125x64xf32, #tpu.memory_space<vmem>>
        %dma_wait3A_420 = arith.constant 0 : i32
        %dma_wait3A_421 = arith.constant 0 : i32
        %dma_wait3A_422 = tpu.memref_slice %arg5[%dma_wait3A_420, %dma_wait3A_421] : memref<10112x64xf32, #tpu.memory_space<hbm>> -> memref<125x64xf32, #tpu.memory_space<hbm>>
        tpu.wait_dma2 semaphore(%dma_wait3A_415 : memref<!tpu.dma_semaphore, #tpu.memory_space<semaphore_mem>>) src(%dma_wait3A_422 : memref<125x64xf32, #tpu.memory_space<hbm>>) dst(%dma_wait3A_419 : memref<125x64xf32, #tpu.memory_space<vmem>>)
      } else {
      }
      %add3A_205 = arith.constant 4 : i32
      %add3A_206 = arith.addi %mul3A_104, %add3A_205 : i32
      %dma_start3A_207 = arith.constant 4 : i32
      %dma_start3A_208 = arith.constant 4 : i32
      %dma_start3A_209 = arith.constant 0 : i32
      %dma_start3A_210 = arith.constant 0 : i32
      %dma_start3A_211 = tpu.memref_slice %arg9[%dma_start3A_207, %dma_start3A_209, %dma_start3A_210] : memref<5x125x64xf32, #tpu.memory_space<vmem>> -> memref<1x125x64xf32, #tpu.memory_space<vmem>>
      %dma_start3A_212 = tpu.memref_squeeze %dma_start3A_211 : memref<1x125x64xf32, #tpu.memory_space<vmem>> -> memref<125x64xf32, #tpu.memory_space<vmem>>
      %dma_start3A_213 = arith.constant 0 : i32
      %dma_start3A_214 = tpu.memref_slice %arg7[%add3A_206, %dma_start3A_213] : memref<160x125xi32, #tpu.memory_space<vmem>> -> memref<1x125xi32, #tpu.memory_space<vmem>>
      %dma_start3A_215 = tpu.memref_squeeze %dma_start3A_214 : memref<1x125xi32, #tpu.memory_space<vmem>> -> memref<125xi32, #tpu.memory_space<vmem>>
      %dma_start3A_216 = arith.constant 0 : i32
      %dma_start3A_217 = arith.constant 0 : i32
      %dma_start3A_218 = tpu.memref_slice %arg2[%arg0, %dma_start3A_216, %dma_start3A_217] : memref<2x10000x64xf32, #tpu.memory_space<hbm>> -> memref<1x10000x64xf32, #tpu.memory_space<hbm>>
      %dma_start3A_219 = tpu.memref_squeeze %dma_start3A_218 : memref<1x10000x64xf32, #tpu.memory_space<hbm>> -> memref<10000x64xf32, #tpu.memory_space<hbm>>
      %dma_start3A_220 = arith.constant 0 : i32
      %dma_start3A_221 = arith.constant 0 : i32
      %dma_start3A_222 = tpu.memref_slice %dma_start3A_219[%dma_start3A_220, %dma_start3A_221] : memref<10000x64xf32, #tpu.memory_space<hbm>> -> memref<10000x64xf32, #tpu.memory_space<hbm>>
      %dma_start3A_223 = tpu.memref_slice %arg10[%dma_start3A_208] : memref<5x!tpu.dma_semaphore, #tpu.memory_space<semaphore_mem>> -> memref<1x!tpu.dma_semaphore, #tpu.memory_space<semaphore_mem>>
      %dma_start3A_224 = tpu.memref_squeeze %dma_start3A_223 : memref<1x!tpu.dma_semaphore, #tpu.memory_space<semaphore_mem>> -> memref<!tpu.dma_semaphore, #tpu.memory_space<semaphore_mem>>
      tpu.enqueue_indirect_dma source(%dma_start3A_222 : memref<10000x64xf32, #tpu.memory_space<hbm>>) target(%dma_start3A_212 : memref<125x64xf32, #tpu.memory_space<vmem>>) offsets(%dma_start3A_215 : memref<125xi32, #tpu.memory_space<vmem>>) semaphore(%dma_start3A_224 : memref<!tpu.dma_semaphore, #tpu.memory_space<semaphore_mem>>)
      %add3A_225 = arith.constant 0 : i32
      %add3A_226 = arith.addi %mul3A_104, %add3A_225 : i32
      %dma_wait3A_227 = arith.constant 0 : i32
      %dma_wait3A_228 = arith.constant 0 : i32
      %dma_wait3A_229 = arith.constant 0 : i32
      %dma_wait3A_230 = arith.constant 0 : i32
      %dma_wait3A_231 = tpu.memref_slice %arg9[%dma_wait3A_227, %dma_wait3A_229, %dma_wait3A_230] : memref<5x125x64xf32, #tpu.memory_space<vmem>> -> memref<1x125x64xf32, #tpu.memory_space<vmem>>
      %dma_wait3A_232 = tpu.memref_squeeze %dma_wait3A_231 : memref<1x125x64xf32, #tpu.memory_space<vmem>> -> memref<125x64xf32, #tpu.memory_space<vmem>>
      %dma_wait3A_233 = arith.constant 0 : i32
      %dma_wait3A_234 = tpu.memref_slice %arg7[%add3A_226, %dma_wait3A_233] : memref<160x125xi32, #tpu.memory_space<vmem>> -> memref<1x125xi32, #tpu.memory_space<vmem>>
      %dma_wait3A_235 = tpu.memref_squeeze %dma_wait3A_234 : memref<1x125xi32, #tpu.memory_space<vmem>> -> memref<125xi32, #tpu.memory_space<vmem>>
      %dma_wait3A_236 = arith.constant 0 : i32
      %dma_wait3A_237 = arith.constant 0 : i32
      %dma_wait3A_238 = tpu.memref_slice %arg2[%arg0, %dma_wait3A_236, %dma_wait3A_237] : memref<2x10000x64xf32, #tpu.memory_space<hbm>> -> memref<1x10000x64xf32, #tpu.memory_space<hbm>>
      %dma_wait3A_239 = tpu.memref_squeeze %dma_wait3A_238 : memref<1x10000x64xf32, #tpu.memory_space<hbm>> -> memref<10000x64xf32, #tpu.memory_space<hbm>>
      %dma_wait3A_240 = arith.constant 0 : i32
      %dma_wait3A_241 = arith.constant 0 : i32
      %dma_wait3A_242 = tpu.memref_slice %dma_wait3A_239[%dma_wait3A_240, %dma_wait3A_241] : memref<10000x64xf32, #tpu.memory_space<hbm>> -> memref<10000x64xf32, #tpu.memory_space<hbm>>
      %dma_wait3A_243 = tpu.memref_slice %arg10[%dma_wait3A_228] : memref<5x!tpu.dma_semaphore, #tpu.memory_space<semaphore_mem>> -> memref<1x!tpu.dma_semaphore, #tpu.memory_space<semaphore_mem>>
      %dma_wait3A_244 = tpu.memref_squeeze %dma_wait3A_243 : memref<1x!tpu.dma_semaphore, #tpu.memory_space<semaphore_mem>> -> memref<!tpu.dma_semaphore, #tpu.memory_space<semaphore_mem>>
      tpu.wait_indirect_dma semaphore(%dma_wait3A_244 : memref<!tpu.dma_semaphore, #tpu.memory_space<semaphore_mem>>) src(%dma_wait3A_242 : memref<10000x64xf32, #tpu.memory_space<hbm>>) dst(%dma_wait3A_232 : memref<125x64xf32, #tpu.memory_space<vmem>>)
      %add3A_245 = arith.constant 0 : i32
      %add3A_246 = arith.addi %mul3A_104, %add3A_245 : i32
      %dma_start3A_247 = arith.constant 0 : i32
      %dma_start3A_248 = arith.constant 0 : i32
      %dma_start3A_249 = arith.constant 0 : i32
      %dma_start3A_250 = arith.constant 0 : i32
      %dma_start3A_251 = tpu.memref_slice %arg9[%dma_start3A_247, %dma_start3A_249, %dma_start3A_250] : memref<5x125x64xf32, #tpu.memory_space<vmem>> -> memref<1x125x64xf32, #tpu.memory_space<vmem>>
      %dma_start3A_252 = tpu.memref_squeeze %dma_start3A_251 : memref<1x125x64xf32, #tpu.memory_space<vmem>> -> memref<125x64xf32, #tpu.memory_space<vmem>>
      %dma_start3A_253 = arith.constant 0 : i32
      %dma_start3A_254 = tpu.memref_slice %arg8[%add3A_246, %dma_start3A_253] : memref<160x125xi32, #tpu.memory_space<vmem>> -> memref<1x125xi32, #tpu.memory_space<vmem>>
      %dma_start3A_255 = tpu.memref_squeeze %dma_start3A_254 : memref<1x125xi32, #tpu.memory_space<vmem>> -> memref<125xi32, #tpu.memory_space<vmem>>
      %dma_start3A_256 = arith.constant 0 : i32
      %dma_start3A_257 = arith.constant 0 : i32
      %dma_start3A_258 = tpu.memref_slice %arg12[%dma_start3A_256, %dma_start3A_257] : memref<10112x64xf32, #tpu.memory_space<vmem_shared>> -> memref<10112x64xf32, #tpu.memory_space<vmem_shared>>
      %dma_start3A_259 = tpu.memref_slice %arg11[%dma_start3A_248] : memref<5x!tpu.dma_semaphore, #tpu.memory_space<semaphore_mem>> -> memref<1x!tpu.dma_semaphore, #tpu.memory_space<semaphore_mem>>
      %dma_start3A_260 = tpu.memref_squeeze %dma_start3A_259 : memref<1x!tpu.dma_semaphore, #tpu.memory_space<semaphore_mem>> -> memref<!tpu.dma_semaphore, #tpu.memory_space<semaphore_mem>>
      tpu.enqueue_indirect_dma source(%dma_start3A_252 : memref<125x64xf32, #tpu.memory_space<vmem>>) target(%dma_start3A_258 : memref<10112x64xf32, #tpu.memory_space<vmem_shared>>) offsets(%dma_start3A_255 : memref<125xi32, #tpu.memory_space<vmem>>) semaphore(%dma_start3A_260 : memref<!tpu.dma_semaphore, #tpu.memory_space<semaphore_mem>>) {add = true}
      %add3A_261 = arith.constant 1 : i32
      %add3A_262 = arith.addi %mul3A_104, %add3A_261 : i32
      %dma_wait3A_263 = arith.constant 1 : i32
      %dma_wait3A_264 = arith.constant 1 : i32
      %dma_wait3A_265 = arith.constant 0 : i32
      %dma_wait3A_266 = arith.constant 0 : i32
      %dma_wait3A_267 = tpu.memref_slice %arg9[%dma_wait3A_263, %dma_wait3A_265, %dma_wait3A_266] : memref<5x125x64xf32, #tpu.memory_space<vmem>> -> memref<1x125x64xf32, #tpu.memory_space<vmem>>
      %dma_wait3A_268 = tpu.memref_squeeze %dma_wait3A_267 : memref<1x125x64xf32, #tpu.memory_space<vmem>> -> memref<125x64xf32, #tpu.memory_space<vmem>>
      %dma_wait3A_269 = arith.constant 0 : i32
      %dma_wait3A_270 = tpu.memref_slice %arg7[%add3A_262, %dma_wait3A_269] : memref<160x125xi32, #tpu.memory_space<vmem>> -> memref<1x125xi32, #tpu.memory_space<vmem>>
      %dma_wait3A_271 = tpu.memref_squeeze %dma_wait3A_270 : memref<1x125xi32, #tpu.memory_space<vmem>> -> memref<125xi32, #tpu.memory_space<vmem>>
      %dma_wait3A_272 = arith.constant 0 : i32
      %dma_wait3A_273 = arith.constant 0 : i32
      %dma_wait3A_274 = tpu.memref_slice %arg2[%arg0, %dma_wait3A_272, %dma_wait3A_273] : memref<2x10000x64xf32, #tpu.memory_space<hbm>> -> memref<1x10000x64xf32, #tpu.memory_space<hbm>>
      %dma_wait3A_275 = tpu.memref_squeeze %dma_wait3A_274 : memref<1x10000x64xf32, #tpu.memory_space<hbm>> -> memref<10000x64xf32, #tpu.memory_space<hbm>>
      %dma_wait3A_276 = arith.constant 0 : i32
      %dma_wait3A_277 = arith.constant 0 : i32
      %dma_wait3A_278 = tpu.memref_slice %dma_wait3A_275[%dma_wait3A_276, %dma_wait3A_277] : memref<10000x64xf32, #tpu.memory_space<hbm>> -> memref<10000x64xf32, #tpu.memory_space<hbm>>
      %dma_wait3A_279 = tpu.memref_slice %arg10[%dma_wait3A_264] : memref<5x!tpu.dma_semaphore, #tpu.memory_space<semaphore_mem>> -> memref<1x!tpu.dma_semaphore, #tpu.memory_space<semaphore_mem>>
      %dma_wait3A_280 = tpu.memref_squeeze %dma_wait3A_279 : memref<1x!tpu.dma_semaphore, #tpu.memory_space<semaphore_mem>> -> memref<!tpu.dma_semaphore, #tpu.memory_space<semaphore_mem>>
      tpu.wait_indirect_dma semaphore(%dma_wait3A_280 : memref<!tpu.dma_semaphore, #tpu.memory_space<semaphore_mem>>) src(%dma_wait3A_278 : memref<10000x64xf32, #tpu.memory_space<hbm>>) dst(%dma_wait3A_268 : memref<125x64xf32, #tpu.memory_space<vmem>>)
      %add3A_281 = arith.constant 1 : i32
      %add3A_282 = arith.addi %mul3A_104, %add3A_281 : i32
      %dma_start3A_283 = arith.constant 1 : i32
      %dma_start3A_284 = arith.constant 1 : i32
      %dma_start3A_285 = arith.constant 0 : i32
      %dma_start3A_286 = arith.constant 0 : i32
      %dma_start3A_287 = tpu.memref_slice %arg9[%dma_start3A_283, %dma_start3A_285, %dma_start3A_286] : memref<5x125x64xf32, #tpu.memory_space<vmem>> -> memref<1x125x64xf32, #tpu.memory_space<vmem>>
      %dma_start3A_288 = tpu.memref_squeeze %dma_start3A_287 : memref<1x125x64xf32, #tpu.memory_space<vmem>> -> memref<125x64xf32, #tpu.memory_space<vmem>>
      %dma_start3A_289 = arith.constant 0 : i32
      %dma_start3A_290 = tpu.memref_slice %arg8[%add3A_282, %dma_start3A_289] : memref<160x125xi32, #tpu.memory_space<vmem>> -> memref<1x125xi32, #tpu.memory_space<vmem>>
      %dma_start3A_291 = tpu.memref_squeeze %dma_start3A_290 : memref<1x125xi32, #tpu.memory_space<vmem>> -> memref<125xi32, #tpu.memory_space<vmem>>
      %dma_start3A_292 = arith.constant 0 : i32
      %dma_start3A_293 = arith.constant 0 : i32
      %dma_start3A_294 = tpu.memref_slice %arg12[%dma_start3A_292, %dma_start3A_293] : memref<10112x64xf32, #tpu.memory_space<vmem_shared>> -> memref<10112x64xf32, #tpu.memory_space<vmem_shared>>
      %dma_start3A_295 = tpu.memref_slice %arg11[%dma_start3A_284] : memref<5x!tpu.dma_semaphore, #tpu.memory_space<semaphore_mem>> -> memref<1x!tpu.dma_semaphore, #tpu.memory_space<semaphore_mem>>
      %dma_start3A_296 = tpu.memref_squeeze %dma_start3A_295 : memref<1x!tpu.dma_semaphore, #tpu.memory_space<semaphore_mem>> -> memref<!tpu.dma_semaphore, #tpu.memory_space<semaphore_mem>>
      tpu.enqueue_indirect_dma source(%dma_start3A_288 : memref<125x64xf32, #tpu.memory_space<vmem>>) target(%dma_start3A_294 : memref<10112x64xf32, #tpu.memory_space<vmem_shared>>) offsets(%dma_start3A_291 : memref<125xi32, #tpu.memory_space<vmem>>) semaphore(%dma_start3A_296 : memref<!tpu.dma_semaphore, #tpu.memory_space<semaphore_mem>>) {add = true}
      %add3A_297 = arith.constant 2 : i32
      %add3A_298 = arith.addi %mul3A_104, %add3A_297 : i32
      %dma_wait3A_299 = arith.constant 2 : i32
      %dma_wait3A_300 = arith.constant 2 : i32
      %dma_wait3A_301 = arith.constant 0 : i32
      %dma_wait3A_302 = arith.constant 0 : i32
      %dma_wait3A_303 = tpu.memref_slice %arg9[%dma_wait3A_299, %dma_wait3A_301, %dma_wait3A_302] : memref<5x125x64xf32, #tpu.memory_space<vmem>> -> memref<1x125x64xf32, #tpu.memory_space<vmem>>
      %dma_wait3A_304 = tpu.memref_squeeze %dma_wait3A_303 : memref<1x125x64xf32, #tpu.memory_space<vmem>> -> memref<125x64xf32, #tpu.memory_space<vmem>>
      %dma_wait3A_305 = arith.constant 0 : i32
      %dma_wait3A_306 = tpu.memref_slice %arg7[%add3A_298, %dma_wait3A_305] : memref<160x125xi32, #tpu.memory_space<vmem>> -> memref<1x125xi32, #tpu.memory_space<vmem>>
      %dma_wait3A_307 = tpu.memref_squeeze %dma_wait3A_306 : memref<1x125xi32, #tpu.memory_space<vmem>> -> memref<125xi32, #tpu.memory_space<vmem>>
      %dma_wait3A_308 = arith.constant 0 : i32
      %dma_wait3A_309 = arith.constant 0 : i32
      %dma_wait3A_310 = tpu.memref_slice %arg2[%arg0, %dma_wait3A_308, %dma_wait3A_309] : memref<2x10000x64xf32, #tpu.memory_space<hbm>> -> memref<1x10000x64xf32, #tpu.memory_space<hbm>>
      %dma_wait3A_311 = tpu.memref_squeeze %dma_wait3A_310 : memref<1x10000x64xf32, #tpu.memory_space<hbm>> -> memref<10000x64xf32, #tpu.memory_space<hbm>>
      %dma_wait3A_312 = arith.constant 0 : i32
      %dma_wait3A_313 = arith.constant 0 : i32
      %dma_wait3A_314 = tpu.memref_slice %dma_wait3A_311[%dma_wait3A_312, %dma_wait3A_313] : memref<10000x64xf32, #tpu.memory_space<hbm>> -> memref<10000x64xf32, #tpu.memory_space<hbm>>
      %dma_wait3A_315 = tpu.memref_slice %arg10[%dma_wait3A_300] : memref<5x!tpu.dma_semaphore, #tpu.memory_space<semaphore_mem>> -> memref<1x!tpu.dma_semaphore, #tpu.memory_space<semaphore_mem>>
      %dma_wait3A_316 = tpu.memref_squeeze %dma_wait3A_315 : memref<1x!tpu.dma_semaphore, #tpu.memory_space<semaphore_mem>> -> memref<!tpu.dma_semaphore, #tpu.memory_space<semaphore_mem>>
      tpu.wait_indirect_dma semaphore(%dma_wait3A_316 : memref<!tpu.dma_semaphore, #tpu.memory_space<semaphore_mem>>) src(%dma_wait3A_314 : memref<10000x64xf32, #tpu.memory_space<hbm>>) dst(%dma_wait3A_304 : memref<125x64xf32, #tpu.memory_space<vmem>>)
      %add3A_317 = arith.constant 2 : i32
      %add3A_318 = arith.addi %mul3A_104, %add3A_317 : i32
      %dma_start3A_319 = arith.constant 2 : i32
      %dma_start3A_320 = arith.constant 2 : i32
      %dma_start3A_321 = arith.constant 0 : i32
      %dma_start3A_322 = arith.constant 0 : i32
      %dma_start3A_323 = tpu.memref_slice %arg9[%dma_start3A_319, %dma_start3A_321, %dma_start3A_322] : memref<5x125x64xf32, #tpu.memory_space<vmem>> -> memref<1x125x64xf32, #tpu.memory_space<vmem>>
      %dma_start3A_324 = tpu.memref_squeeze %dma_start3A_323 : memref<1x125x64xf32, #tpu.memory_space<vmem>> -> memref<125x64xf32, #tpu.memory_space<vmem>>
      %dma_start3A_325 = arith.constant 0 : i32
      %dma_start3A_326 = tpu.memref_slice %arg8[%add3A_318, %dma_start3A_325] : memref<160x125xi32, #tpu.memory_space<vmem>> -> memref<1x125xi32, #tpu.memory_space<vmem>>
      %dma_start3A_327 = tpu.memref_squeeze %dma_start3A_326 : memref<1x125xi32, #tpu.memory_space<vmem>> -> memref<125xi32, #tpu.memory_space<vmem>>
      %dma_start3A_328 = arith.constant 0 : i32
      %dma_start3A_329 = arith.constant 0 : i32
      %dma_start3A_330 = tpu.memref_slice %arg12[%dma_start3A_328, %dma_start3A_329] : memref<10112x64xf32, #tpu.memory_space<vmem_shared>> -> memref<10112x64xf32, #tpu.memory_space<vmem_shared>>
      %dma_start3A_331 = tpu.memref_slice %arg11[%dma_start3A_320] : memref<5x!tpu.dma_semaphore, #tpu.memory_space<semaphore_mem>> -> memref<1x!tpu.dma_semaphore, #tpu.memory_space<semaphore_mem>>
      %dma_start3A_332 = tpu.memref_squeeze %dma_start3A_331 : memref<1x!tpu.dma_semaphore, #tpu.memory_space<semaphore_mem>> -> memref<!tpu.dma_semaphore, #tpu.memory_space<semaphore_mem>>
      tpu.enqueue_indirect_dma source(%dma_start3A_324 : memref<125x64xf32, #tpu.memory_space<vmem>>) target(%dma_start3A_330 : memref<10112x64xf32, #tpu.memory_space<vmem_shared>>) offsets(%dma_start3A_327 : memref<125xi32, #tpu.memory_space<vmem>>) semaphore(%dma_start3A_332 : memref<!tpu.dma_semaphore, #tpu.memory_space<semaphore_mem>>) {add = true}
      %add3A_333 = arith.constant 3 : i32
      %add3A_334 = arith.addi %mul3A_104, %add3A_333 : i32
      %dma_wait3A_335 = arith.constant 3 : i32
      %dma_wait3A_336 = arith.constant 3 : i32
      %dma_wait3A_337 = arith.constant 0 : i32
      %dma_wait3A_338 = arith.constant 0 : i32
      %dma_wait3A_339 = tpu.memref_slice %arg9[%dma_wait3A_335, %dma_wait3A_337, %dma_wait3A_338] : memref<5x125x64xf32, #tpu.memory_space<vmem>> -> memref<1x125x64xf32, #tpu.memory_space<vmem>>
      %dma_wait3A_340 = tpu.memref_squeeze %dma_wait3A_339 : memref<1x125x64xf32, #tpu.memory_space<vmem>> -> memref<125x64xf32, #tpu.memory_space<vmem>>
      %dma_wait3A_341 = arith.constant 0 : i32
      %dma_wait3A_342 = tpu.memref_slice %arg7[%add3A_334, %dma_wait3A_341] : memref<160x125xi32, #tpu.memory_space<vmem>> -> memref<1x125xi32, #tpu.memory_space<vmem>>
      %dma_wait3A_343 = tpu.memref_squeeze %dma_wait3A_342 : memref<1x125xi32, #tpu.memory_space<vmem>> -> memref<125xi32, #tpu.memory_space<vmem>>
      %dma_wait3A_344 = arith.constant 0 : i32
      %dma_wait3A_345 = arith.constant 0 : i32
      %dma_wait3A_346 = tpu.memref_slice %arg2[%arg0, %dma_wait3A_344, %dma_wait3A_345] : memref<2x10000x64xf32, #tpu.memory_space<hbm>> -> memref<1x10000x64xf32, #tpu.memory_space<hbm>>
      %dma_wait3A_347 = tpu.memref_squeeze %dma_wait3A_346 : memref<1x10000x64xf32, #tpu.memory_space<hbm>> -> memref<10000x64xf32, #tpu.memory_space<hbm>>
      %dma_wait3A_348 = arith.constant 0 : i32
      %dma_wait3A_349 = arith.constant 0 : i32
      %dma_wait3A_350 = tpu.memref_slice %dma_wait3A_347[%dma_wait3A_348, %dma_wait3A_349] : memref<10000x64xf32, #tpu.memory_space<hbm>> -> memref<10000x64xf32, #tpu.memory_space<hbm>>
      %dma_wait3A_351 = tpu.memref_slice %arg10[%dma_wait3A_336] : memref<5x!tpu.dma_semaphore, #tpu.memory_space<semaphore_mem>> -> memref<1x!tpu.dma_semaphore, #tpu.memory_space<semaphore_mem>>
      %dma_wait3A_352 = tpu.memref_squeeze %dma_wait3A_351 : memref<1x!tpu.dma_semaphore, #tpu.memory_space<semaphore_mem>> -> memref<!tpu.dma_semaphore, #tpu.memory_space<semaphore_mem>>
      tpu.wait_indirect_dma semaphore(%dma_wait3A_352 : memref<!tpu.dma_semaphore, #tpu.memory_space<semaphore_mem>>) src(%dma_wait3A_350 : memref<10000x64xf32, #tpu.memory_space<hbm>>) dst(%dma_wait3A_340 : memref<125x64xf32, #tpu.memory_space<vmem>>)
      %add3A_353 = arith.constant 3 : i32
      %add3A_354 = arith.addi %mul3A_104, %add3A_353 : i32
      %dma_start3A_355 = arith.constant 3 : i32
      %dma_start3A_356 = arith.constant 3 : i32
      %dma_start3A_357 = arith.constant 0 : i32
      %dma_start3A_358 = arith.constant 0 : i32
      %dma_start3A_359 = tpu.memref_slice %arg9[%dma_start3A_355, %dma_start3A_357, %dma_start3A_358] : memref<5x125x64xf32, #tpu.memory_space<vmem>> -> memref<1x125x64xf32, #tpu.memory_space<vmem>>
      %dma_start3A_360 = tpu.memref_squeeze %dma_start3A_359 : memref<1x125x64xf32, #tpu.memory_space<vmem>> -> memref<125x64xf32, #tpu.memory_space<vmem>>
      %dma_start3A_361 = arith.constant 0 : i32
      %dma_start3A_362 = tpu.memref_slice %arg8[%add3A_354, %dma_start3A_361] : memref<160x125xi32, #tpu.memory_space<vmem>> -> memref<1x125xi32, #tpu.memory_space<vmem>>
      %dma_start3A_363 = tpu.memref_squeeze %dma_start3A_362 : memref<1x125xi32, #tpu.memory_space<vmem>> -> memref<125xi32, #tpu.memory_space<vmem>>
      %dma_start3A_364 = arith.constant 0 : i32
      %dma_start3A_365 = arith.constant 0 : i32
      %dma_start3A_366 = tpu.memref_slice %arg12[%dma_start3A_364, %dma_start3A_365] : memref<10112x64xf32, #tpu.memory_space<vmem_shared>> -> memref<10112x64xf32, #tpu.memory_space<vmem_shared>>
      %dma_start3A_367 = tpu.memref_slice %arg11[%dma_start3A_356] : memref<5x!tpu.dma_semaphore, #tpu.memory_space<semaphore_mem>> -> memref<1x!tpu.dma_semaphore, #tpu.memory_space<semaphore_mem>>
      %dma_start3A_368 = tpu.memref_squeeze %dma_start3A_367 : memref<1x!tpu.dma_semaphore, #tpu.memory_space<semaphore_mem>> -> memref<!tpu.dma_semaphore, #tpu.memory_space<semaphore_mem>>
      tpu.enqueue_indirect_dma source(%dma_start3A_360 : memref<125x64xf32, #tpu.memory_space<vmem>>) target(%dma_start3A_366 : memref<10112x64xf32, #tpu.memory_space<vmem_shared>>) offsets(%dma_start3A_363 : memref<125xi32, #tpu.memory_space<vmem>>) semaphore(%dma_start3A_368 : memref<!tpu.dma_semaphore, #tpu.memory_space<semaphore_mem>>) {add = true}
      %add3A_369 = arith.constant 4 : i32
      %add3A_370 = arith.addi %mul3A_104, %add3A_369 : i32
      %dma_wait3A_371 = arith.constant 4 : i32
      %dma_wait3A_372 = arith.constant 4 : i32
      %dma_wait3A_373 = arith.constant 0 : i32
      %dma_wait3A_374 = arith.constant 0 : i32
      %dma_wait3A_375 = tpu.memref_slice %arg9[%dma_wait3A_371, %dma_wait3A_373, %dma_wait3A_374] : memref<5x125x64xf32, #tpu.memory_space<vmem>> -> memref<1x125x64xf32, #tpu.memory_space<vmem>>
      %dma_wait3A_376 = tpu.memref_squeeze %dma_wait3A_375 : memref<1x125x64xf32, #tpu.memory_space<vmem>> -> memref<125x64xf32, #tpu.memory_space<vmem>>
      %dma_wait3A_377 = arith.constant 0 : i32
      %dma_wait3A_378 = tpu.memref_slice %arg7[%add3A_370, %dma_wait3A_377] : memref<160x125xi32, #tpu.memory_space<vmem>> -> memref<1x125xi32, #tpu.memory_space<vmem>>
      %dma_wait3A_379 = tpu.memref_squeeze %dma_wait3A_378 : memref<1x125xi32, #tpu.memory_space<vmem>> -> memref<125xi32, #tpu.memory_space<vmem>>
      %dma_wait3A_380 = arith.constant 0 : i32
      %dma_wait3A_381 = arith.constant 0 : i32
      %dma_wait3A_382 = tpu.memref_slice %arg2[%arg0, %dma_wait3A_380, %dma_wait3A_381] : memref<2x10000x64xf32, #tpu.memory_space<hbm>> -> memref<1x10000x64xf32, #tpu.memory_space<hbm>>
      %dma_wait3A_383 = tpu.memref_squeeze %dma_wait3A_382 : memref<1x10000x64xf32, #tpu.memory_space<hbm>> -> memref<10000x64xf32, #tpu.memory_space<hbm>>
      %dma_wait3A_384 = arith.constant 0 : i32
      %dma_wait3A_385 = arith.constant 0 : i32
      %dma_wait3A_386 = tpu.memref_slice %dma_wait3A_383[%dma_wait3A_384, %dma_wait3A_385] : memref<10000x64xf32, #tpu.memory_space<hbm>> -> memref<10000x64xf32, #tpu.memory_space<hbm>>
      %dma_wait3A_387 = tpu.memref_slice %arg10[%dma_wait3A_372] : memref<5x!tpu.dma_semaphore, #tpu.memory_space<semaphore_mem>> -> memref<1x!tpu.dma_semaphore, #tpu.memory_space<semaphore_mem>>
      %dma_wait3A_388 = tpu.memref_squeeze %dma_wait3A_387 : memref<1x!tpu.dma_semaphore, #tpu.memory_space<semaphore_mem>> -> memref<!tpu.dma_semaphore, #tpu.memory_space<semaphore_mem>>
      tpu.wait_indirect_dma semaphore(%dma_wait3A_388 : memref<!tpu.dma_semaphore, #tpu.memory_space<semaphore_mem>>) src(%dma_wait3A_386 : memref<10000x64xf32, #tpu.memory_space<hbm>>) dst(%dma_wait3A_376 : memref<125x64xf32, #tpu.memory_space<vmem>>)
      %add3A_389 = arith.constant 4 : i32
      %add3A_390 = arith.addi %mul3A_104, %add3A_389 : i32
      %dma_start3A_391 = arith.constant 4 : i32
      %dma_start3A_392 = arith.constant 4 : i32
      %dma_start3A_393 = arith.constant 0 : i32
      %dma_start3A_394 = arith.constant 0 : i32
      %dma_start3A_395 = tpu.memref_slice %arg9[%dma_start3A_391, %dma_start3A_393, %dma_start3A_394] : memref<5x125x64xf32, #tpu.memory_space<vmem>> -> memref<1x125x64xf32, #tpu.memory_space<vmem>>
      %dma_start3A_396 = tpu.memref_squeeze %dma_start3A_395 : memref<1x125x64xf32, #tpu.memory_space<vmem>> -> memref<125x64xf32, #tpu.memory_space<vmem>>
      %dma_start3A_397 = arith.constant 0 : i32
      %dma_start3A_398 = tpu.memref_slice %arg8[%add3A_390, %dma_start3A_397] : memref<160x125xi32, #tpu.memory_space<vmem>> -> memref<1x125xi32, #tpu.memory_space<vmem>>
      %dma_start3A_399 = tpu.memref_squeeze %dma_start3A_398 : memref<1x125xi32, #tpu.memory_space<vmem>> -> memref<125xi32, #tpu.memory_space<vmem>>
      %dma_start3A_400 = arith.constant 0 : i32
      %dma_start3A_401 = arith.constant 0 : i32
      %dma_start3A_402 = tpu.memref_slice %arg12[%dma_start3A_400, %dma_start3A_401] : memref<10112x64xf32, #tpu.memory_space<vmem_shared>> -> memref<10112x64xf32, #tpu.memory_space<vmem_shared>>
      %dma_start3A_403 = tpu.memref_slice %arg11[%dma_start3A_392] : memref<5x!tpu.dma_semaphore, #tpu.memory_space<semaphore_mem>> -> memref<1x!tpu.dma_semaphore, #tpu.memory_space<semaphore_mem>>
      %dma_start3A_404 = tpu.memref_squeeze %dma_start3A_403 : memref<1x!tpu.dma_semaphore, #tpu.memory_space<semaphore_mem>> -> memref<!tpu.dma_semaphore, #tpu.memory_space<semaphore_mem>>
      tpu.enqueue_indirect_dma source(%dma_start3A_396 : memref<125x64xf32, #tpu.memory_space<vmem>>) target(%dma_start3A_402 : memref<10112x64xf32, #tpu.memory_space<vmem_shared>>) offsets(%dma_start3A_399 : memref<125xi32, #tpu.memory_space<vmem>>) semaphore(%dma_start3A_404 : memref<!tpu.dma_semaphore, #tpu.memory_space<semaphore_mem>>) {add = true}
    }
    %scan3A_7 = arith.constant 32 : i32
    %dma_wait3A = arith.constant 0 : i32
    %dma_wait3A_8 = arith.constant 0 : i32
    %dma_wait3A_9 = arith.constant 0 : i32
    %dma_wait3A_10 = arith.constant 0 : i32
    %dma_wait3A_11 = tpu.memref_slice %arg9[%dma_wait3A, %dma_wait3A_9, %dma_wait3A_10] : memref<5x125x64xf32, #tpu.memory_space<vmem>> -> memref<1x125x64xf32, #tpu.memory_space<vmem>>
    %dma_wait3A_12 = tpu.memref_squeeze %dma_wait3A_11 : memref<1x125x64xf32, #tpu.memory_space<vmem>> -> memref<125x64xf32, #tpu.memory_space<vmem>>
    %dma_wait3A_13 = arith.constant 0 : i32
    %dma_wait3A_14 = arith.constant 0 : i32
    %dma_wait3A_15 = tpu.memref_slice %arg5[%dma_wait3A_13, %dma_wait3A_14] : memref<10112x64xf32, #tpu.memory_space<hbm>> -> memref<125x64xf32, #tpu.memory_space<hbm>>
    %dma_wait3A_16 = tpu.memref_slice %arg11[%dma_wait3A_8] : memref<5x!tpu.dma_semaphore, #tpu.memory_space<semaphore_mem>> -> memref<1x!tpu.dma_semaphore, #tpu.memory_space<semaphore_mem>>
    %dma_wait3A_17 = tpu.memref_squeeze %dma_wait3A_16 : memref<1x!tpu.dma_semaphore, #tpu.memory_space<semaphore_mem>> -> memref<!tpu.dma_semaphore, #tpu.memory_space<semaphore_mem>>
    %dma_wait3A_18 = arith.constant 0 : i32
    %dma_wait3A_19 = arith.constant 0 : i32
    %dma_wait3A_20 = tpu.memref_slice %arg9[%dma_wait3A, %dma_wait3A_18, %dma_wait3A_19] : memref<5x125x64xf32, #tpu.memory_space<vmem>> -> memref<1x125x64xf32, #tpu.memory_space<vmem>>
    %dma_wait3A_21 = tpu.memref_squeeze %dma_wait3A_20 : memref<1x125x64xf32, #tpu.memory_space<vmem>> -> memref<125x64xf32, #tpu.memory_space<vmem>>
    %dma_wait3A_22 = arith.constant 0 : i32
    %dma_wait3A_23 = arith.constant 0 : i32
    %dma_wait3A_24 = tpu.memref_slice %arg5[%dma_wait3A_22, %dma_wait3A_23] : memref<10112x64xf32, #tpu.memory_space<hbm>> -> memref<125x64xf32, #tpu.memory_space<hbm>>
    tpu.wait_dma2 semaphore(%dma_wait3A_17 : memref<!tpu.dma_semaphore, #tpu.memory_space<semaphore_mem>>) src(%dma_wait3A_24 : memref<125x64xf32, #tpu.memory_space<hbm>>) dst(%dma_wait3A_21 : memref<125x64xf32, #tpu.memory_space<vmem>>)
    %dma_wait3A_25 = arith.constant 1 : i32
    %dma_wait3A_26 = arith.constant 1 : i32
    %dma_wait3A_27 = arith.constant 0 : i32
    %dma_wait3A_28 = arith.constant 0 : i32
    %dma_wait3A_29 = tpu.memref_slice %arg9[%dma_wait3A_25, %dma_wait3A_27, %dma_wait3A_28] : memref<5x125x64xf32, #tpu.memory_space<vmem>> -> memref<1x125x64xf32, #tpu.memory_space<vmem>>
    %dma_wait3A_30 = tpu.memref_squeeze %dma_wait3A_29 : memref<1x125x64xf32, #tpu.memory_space<vmem>> -> memref<125x64xf32, #tpu.memory_space<vmem>>
    %dma_wait3A_31 = arith.constant 0 : i32
    %dma_wait3A_32 = arith.constant 0 : i32
    %dma_wait3A_33 = tpu.memref_slice %arg5[%dma_wait3A_31, %dma_wait3A_32] : memref<10112x64xf32, #tpu.memory_space<hbm>> -> memref<125x64xf32, #tpu.memory_space<hbm>>
    %dma_wait3A_34 = tpu.memref_slice %arg11[%dma_wait3A_26] : memref<5x!tpu.dma_semaphore, #tpu.memory_space<semaphore_mem>> -> memref<1x!tpu.dma_semaphore, #tpu.memory_space<semaphore_mem>>
    %dma_wait3A_35 = tpu.memref_squeeze %dma_wait3A_34 : memref<1x!tpu.dma_semaphore, #tpu.memory_space<semaphore_mem>> -> memref<!tpu.dma_semaphore, #tpu.memory_space<semaphore_mem>>
    %dma_wait3A_36 = arith.constant 0 : i32
    %dma_wait3A_37 = arith.constant 0 : i32
    %dma_wait3A_38 = tpu.memref_slice %arg9[%dma_wait3A_25, %dma_wait3A_36, %dma_wait3A_37] : memref<5x125x64xf32, #tpu.memory_space<vmem>> -> memref<1x125x64xf32, #tpu.memory_space<vmem>>
    %dma_wait3A_39 = tpu.memref_squeeze %dma_wait3A_38 : memref<1x125x64xf32, #tpu.memory_space<vmem>> -> memref<125x64xf32, #tpu.memory_space<vmem>>
    %dma_wait3A_40 = arith.constant 0 : i32
    %dma_wait3A_41 = arith.constant 0 : i32
    %dma_wait3A_42 = tpu.memref_slice %arg5[%dma_wait3A_40, %dma_wait3A_41] : memref<10112x64xf32, #tpu.memory_space<hbm>> -> memref<125x64xf32, #tpu.memory_space<hbm>>
    tpu.wait_dma2 semaphore(%dma_wait3A_35 : memref<!tpu.dma_semaphore, #tpu.memory_space<semaphore_mem>>) src(%dma_wait3A_42 : memref<125x64xf32, #tpu.memory_space<hbm>>) dst(%dma_wait3A_39 : memref<125x64xf32, #tpu.memory_space<vmem>>)
    %dma_wait3A_43 = arith.constant 2 : i32
    %dma_wait3A_44 = arith.constant 2 : i32
    %dma_wait3A_45 = arith.constant 0 : i32
    %dma_wait3A_46 = arith.constant 0 : i32
    %dma_wait3A_47 = tpu.memref_slice %arg9[%dma_wait3A_43, %dma_wait3A_45, %dma_wait3A_46] : memref<5x125x64xf32, #tpu.memory_space<vmem>> -> memref<1x125x64xf32, #tpu.memory_space<vmem>>
    %dma_wait3A_48 = tpu.memref_squeeze %dma_wait3A_47 : memref<1x125x64xf32, #tpu.memory_space<vmem>> -> memref<125x64xf32, #tpu.memory_space<vmem>>
    %dma_wait3A_49 = arith.constant 0 : i32
    %dma_wait3A_50 = arith.constant 0 : i32
    %dma_wait3A_51 = tpu.memref_slice %arg5[%dma_wait3A_49, %dma_wait3A_50] : memref<10112x64xf32, #tpu.memory_space<hbm>> -> memref<125x64xf32, #tpu.memory_space<hbm>>
    %dma_wait3A_52 = tpu.memref_slice %arg11[%dma_wait3A_44] : memref<5x!tpu.dma_semaphore, #tpu.memory_space<semaphore_mem>> -> memref<1x!tpu.dma_semaphore, #tpu.memory_space<semaphore_mem>>
    %dma_wait3A_53 = tpu.memref_squeeze %dma_wait3A_52 : memref<1x!tpu.dma_semaphore, #tpu.memory_space<semaphore_mem>> -> memref<!tpu.dma_semaphore, #tpu.memory_space<semaphore_mem>>
    %dma_wait3A_54 = arith.constant 0 : i32
    %dma_wait3A_55 = arith.constant 0 : i32
    %dma_wait3A_56 = tpu.memref_slice %arg9[%dma_wait3A_43, %dma_wait3A_54, %dma_wait3A_55] : memref<5x125x64xf32, #tpu.memory_space<vmem>> -> memref<1x125x64xf32, #tpu.memory_space<vmem>>
    %dma_wait3A_57 = tpu.memref_squeeze %dma_wait3A_56 : memref<1x125x64xf32, #tpu.memory_space<vmem>> -> memref<125x64xf32, #tpu.memory_space<vmem>>
    %dma_wait3A_58 = arith.constant 0 : i32
    %dma_wait3A_59 = arith.constant 0 : i32
    %dma_wait3A_60 = tpu.memref_slice %arg5[%dma_wait3A_58, %dma_wait3A_59] : memref<10112x64xf32, #tpu.memory_space<hbm>> -> memref<125x64xf32, #tpu.memory_space<hbm>>
    tpu.wait_dma2 semaphore(%dma_wait3A_53 : memref<!tpu.dma_semaphore, #tpu.memory_space<semaphore_mem>>) src(%dma_wait3A_60 : memref<125x64xf32, #tpu.memory_space<hbm>>) dst(%dma_wait3A_57 : memref<125x64xf32, #tpu.memory_space<vmem>>)
    %dma_wait3A_61 = arith.constant 3 : i32
    %dma_wait3A_62 = arith.constant 3 : i32
    %dma_wait3A_63 = arith.constant 0 : i32
    %dma_wait3A_64 = arith.constant 0 : i32
    %dma_wait3A_65 = tpu.memref_slice %arg9[%dma_wait3A_61, %dma_wait3A_63, %dma_wait3A_64] : memref<5x125x64xf32, #tpu.memory_space<vmem>> -> memref<1x125x64xf32, #tpu.memory_space<vmem>>
    %dma_wait3A_66 = tpu.memref_squeeze %dma_wait3A_65 : memref<1x125x64xf32, #tpu.memory_space<vmem>> -> memref<125x64xf32, #tpu.memory_space<vmem>>
    %dma_wait3A_67 = arith.constant 0 : i32
    %dma_wait3A_68 = arith.constant 0 : i32
    %dma_wait3A_69 = tpu.memref_slice %arg5[%dma_wait3A_67, %dma_wait3A_68] : memref<10112x64xf32, #tpu.memory_space<hbm>> -> memref<125x64xf32, #tpu.memory_space<hbm>>
    %dma_wait3A_70 = tpu.memref_slice %arg11[%dma_wait3A_62] : memref<5x!tpu.dma_semaphore, #tpu.memory_space<semaphore_mem>> -> memref<1x!tpu.dma_semaphore, #tpu.memory_space<semaphore_mem>>
    %dma_wait3A_71 = tpu.memref_squeeze %dma_wait3A_70 : memref<1x!tpu.dma_semaphore, #tpu.memory_space<semaphore_mem>> -> memref<!tpu.dma_semaphore, #tpu.memory_space<semaphore_mem>>
    %dma_wait3A_72 = arith.constant 0 : i32
    %dma_wait3A_73 = arith.constant 0 : i32
    %dma_wait3A_74 = tpu.memref_slice %arg9[%dma_wait3A_61, %dma_wait3A_72, %dma_wait3A_73] : memref<5x125x64xf32, #tpu.memory_space<vmem>> -> memref<1x125x64xf32, #tpu.memory_space<vmem>>
    %dma_wait3A_75 = tpu.memref_squeeze %dma_wait3A_74 : memref<1x125x64xf32, #tpu.memory_space<vmem>> -> memref<125x64xf32, #tpu.memory_space<vmem>>
    %dma_wait3A_76 = arith.constant 0 : i32
    %dma_wait3A_77 = arith.constant 0 : i32
    %dma_wait3A_78 = tpu.memref_slice %arg5[%dma_wait3A_76, %dma_wait3A_77] : memref<10112x64xf32, #tpu.memory_space<hbm>> -> memref<125x64xf32, #tpu.memory_space<hbm>>
    tpu.wait_dma2 semaphore(%dma_wait3A_71 : memref<!tpu.dma_semaphore, #tpu.memory_space<semaphore_mem>>) src(%dma_wait3A_78 : memref<125x64xf32, #tpu.memory_space<hbm>>) dst(%dma_wait3A_75 : memref<125x64xf32, #tpu.memory_space<vmem>>)
    %dma_wait3A_79 = arith.constant 4 : i32
    %dma_wait3A_80 = arith.constant 4 : i32
    %dma_wait3A_81 = arith.constant 0 : i32
    %dma_wait3A_82 = arith.constant 0 : i32
    %dma_wait3A_83 = tpu.memref_slice %arg9[%dma_wait3A_79, %dma_wait3A_81, %dma_wait3A_82] : memref<5x125x64xf32, #tpu.memory_space<vmem>> -> memref<1x125x64xf32, #tpu.memory_space<vmem>>
    %dma_wait3A_84 = tpu.memref_squeeze %dma_wait3A_83 : memref<1x125x64xf32, #tpu.memory_space<vmem>> -> memref<125x64xf32, #tpu.memory_space<vmem>>
    %dma_wait3A_85 = arith.constant 0 : i32
    %dma_wait3A_86 = arith.constant 0 : i32
    %dma_wait3A_87 = tpu.memref_slice %arg5[%dma_wait3A_85, %dma_wait3A_86] : memref<10112x64xf32, #tpu.memory_space<hbm>> -> memref<125x64xf32, #tpu.memory_space<hbm>>
    %dma_wait3A_88 = tpu.memref_slice %arg11[%dma_wait3A_80] : memref<5x!tpu.dma_semaphore, #tpu.memory_space<semaphore_mem>> -> memref<1x!tpu.dma_semaphore, #tpu.memory_space<semaphore_mem>>
    %dma_wait3A_89 = tpu.memref_squeeze %dma_wait3A_88 : memref<1x!tpu.dma_semaphore, #tpu.memory_space<semaphore_mem>> -> memref<!tpu.dma_semaphore, #tpu.memory_space<semaphore_mem>>
    %dma_wait3A_90 = arith.constant 0 : i32
    %dma_wait3A_91 = arith.constant 0 : i32
    %dma_wait3A_92 = tpu.memref_slice %arg9[%dma_wait3A_79, %dma_wait3A_90, %dma_wait3A_91] : memref<5x125x64xf32, #tpu.memory_space<vmem>> -> memref<1x125x64xf32, #tpu.memory_space<vmem>>
    %dma_wait3A_93 = tpu.memref_squeeze %dma_wait3A_92 : memref<1x125x64xf32, #tpu.memory_space<vmem>> -> memref<125x64xf32, #tpu.memory_space<vmem>>
    %dma_wait3A_94 = arith.constant 0 : i32
    %dma_wait3A_95 = arith.constant 0 : i32
    %dma_wait3A_96 = tpu.memref_slice %arg5[%dma_wait3A_94, %dma_wait3A_95] : memref<10112x64xf32, #tpu.memory_space<hbm>> -> memref<125x64xf32, #tpu.memory_space<hbm>>
    tpu.wait_dma2 semaphore(%dma_wait3A_89 : memref<!tpu.dma_semaphore, #tpu.memory_space<semaphore_mem>>) src(%dma_wait3A_96 : memref<125x64xf32, #tpu.memory_space<hbm>>) dst(%dma_wait3A_93 : memref<125x64xf32, #tpu.memory_space<vmem>>)
    %barrier3A_97 = arith.constant 0 : index
    tpu.barrier barrier_id(%barrier3A_97)
    %mul3A_98 = arith.constant 632 : i32
    %mul3A_99 = arith.muli %arg1, %mul3A_98 : i32
    %mul3A_100 = arith.constant 632 : i32
    %mul3A_101 = arith.muli %arg1, %mul3A_100 : i32
    "tpu.region"() ({
      %run_scoped3A = tpu.sem_alloc : memref<!tpu.dma_semaphore, #tpu.memory_space<semaphore_mem>>
      %dma_start3A = arith.constant 0 : i32
      %dma_start3A_102 = tpu.memref_slice %arg6[%arg0, %mul3A_101, %dma_start3A] : memref<2x10112x64xf32, #tpu.memory_space<hbm>> -> memref<1x632x64xf32, #tpu.memory_space<hbm>>
      %dma_start3A_103 = tpu.memref_squeeze %dma_start3A_102 : memref<1x632x64xf32, #tpu.memory_space<hbm>> -> memref<632x64xf32, #tpu.memory_space<hbm>>
      %dma_start3A_104 = arith.constant 0 : i32
      %dma_start3A_105 = tpu.memref_slice %arg12[%mul3A_99, %dma_start3A_104] : memref<10112x64xf32, #tpu.memory_space<vmem_shared>> -> memref<632x64xf32, #tpu.memory_space<vmem_shared>>
      tpu.enqueue_dma source(%dma_start3A_105 : memref<632x64xf32, #tpu.memory_space<vmem_shared>>) target(%dma_start3A_103 : memref<632x64xf32, #tpu.memory_space<hbm>>) target_semaphore(%run_scoped3A : memref<!tpu.dma_semaphore, #tpu.memory_space<semaphore_mem>>)
      %dma_wait3A_106 = arith.constant 0 : i32
      %dma_wait3A_107 = tpu.memref_slice %arg6[%arg0, %mul3A_101, %dma_wait3A_106] : memref<2x10112x64xf32, #tpu.memory_space<hbm>> -> memref<1x632x64xf32, #tpu.memory_space<hbm>>
      %dma_wait3A_108 = tpu.memref_squeeze %dma_wait3A_107 : memref<1x632x64xf32, #tpu.memory_space<hbm>> -> memref<632x64xf32, #tpu.memory_space<hbm>>
      %dma_wait3A_109 = arith.constant 0 : i32
      %dma_wait3A_110 = tpu.memref_slice %arg12[%mul3A_99, %dma_wait3A_109] : memref<10112x64xf32, #tpu.memory_space<vmem_shared>> -> memref<632x64xf32, #tpu.memory_space<vmem_shared>>
      tpu.wait_dma2 semaphore(%run_scoped3A : memref<!tpu.dma_semaphore, #tpu.memory_space<semaphore_mem>>) src(%dma_wait3A_110 : memref<632x64xf32, #tpu.memory_space<vmem_shared>>) dst(%dma_wait3A_108 : memref<632x64xf32, #tpu.memory_space<hbm>>)
      tpu.yield
    }) : () -> ()
    return
  }
}

#map = affine_map<(d0, d1) -> (0, 0, 0)>
#map1 = affine_map<(d0, d1) -> (0, 0)>
module attributes {stable_mosaic.version = 14 : i64} {
  func.func @agg_body(%arg0: i32, %arg1: i32, %arg2: memref<2x10000x64xf32, #tpu.memory_space<hbm>>, %arg3: memref<16x160x125xi32, #tpu.memory_space<hbm>>, %arg4: memref<16x160x125xi32, #tpu.memory_space<hbm>>, %arg5: memref<10112x64xf32, #tpu.memory_space<hbm>>, %arg6: memref<2x10112x64xf32, #tpu.memory_space<hbm>>, %arg7: memref<160x125xi32, #tpu.memory_space<vmem>>, %arg8: memref<160x125xi32, #tpu.memory_space<vmem>>, %arg9: memref<5x125x64xf32, #tpu.memory_space<vmem>>, %arg10: memref<5x!tpu.dma_semaphore, #tpu.memory_space<semaphore_mem>>, %arg11: memref<5x!tpu.dma_semaphore, #tpu.memory_space<semaphore_mem>>, %arg12: memref<10112x64xf32, #tpu.memory_space<vmem_shared>>) attributes {dimension_semantics = [#tpu.dimension_semantics<core_parallel>, #tpu.dimension_semantics<subcore_parallel>], iteration_bounds = array<i64: 2, 16>, scalar_prefetch = 0 : i64, scratch_operands = 6 : i64, tpu.core_type = #tpu.core_type<sc_vector_subcore>, window_params = [{transform_indices = #map}, {transform_indices = #map}, {transform_indices = #map}, {transform_indices = #map1}, {transform_indices = #map}]} {
    %mul3A = arith.constant 632 : i32
    %mul3A_0 = arith.muli %arg1, %mul3A : i32
    %mul3A_1 = arith.constant 632 : i32
    %mul3A_2 = arith.muli %arg1, %mul3A_1 : i32
    "tpu.region"() ({
      %run_scoped3A = tpu.sem_alloc : memref<!tpu.dma_semaphore, #tpu.memory_space<semaphore_mem>>
      %dma_start3A = arith.constant 0 : i32
      %dma_start3A_102 = tpu.memref_slice %arg12[%mul3A_2, %dma_start3A] : memref<10112x64xf32, #tpu.memory_space<vmem_shared>> -> memref<632x64xf32, #tpu.memory_space<vmem_shared>>
      %dma_start3A_103 = arith.constant 0 : i32
      %dma_start3A_104 = tpu.memref_slice %arg5[%mul3A_0, %dma_start3A_103] : memref<10112x64xf32, #tpu.memory_space<hbm>> -> memref<632x64xf32, #tpu.memory_space<hbm>>
      tpu.enqueue_dma source(%dma_start3A_104 : memref<632x64xf32, #tpu.memory_space<hbm>>) target(%dma_start3A_102 : memref<632x64xf32, #tpu.memory_space<vmem_shared>>) target_semaphore(%run_scoped3A : memref<!tpu.dma_semaphore, #tpu.memory_space<semaphore_mem>>)
      %dma_wait3A_105 = arith.constant 0 : i32
      %dma_wait3A_106 = tpu.memref_slice %arg12[%mul3A_2, %dma_wait3A_105] : memref<10112x64xf32, #tpu.memory_space<vmem_shared>> -> memref<632x64xf32, #tpu.memory_space<vmem_shared>>
      %dma_wait3A_107 = arith.constant 0 : i32
      %dma_wait3A_108 = tpu.memref_slice %arg5[%mul3A_0, %dma_wait3A_107] : memref<10112x64xf32, #tpu.memory_space<hbm>> -> memref<632x64xf32, #tpu.memory_space<hbm>>
      tpu.wait_dma2 semaphore(%run_scoped3A : memref<!tpu.dma_semaphore, #tpu.memory_space<semaphore_mem>>) src(%dma_wait3A_108 : memref<632x64xf32, #tpu.memory_space<hbm>>) dst(%dma_wait3A_106 : memref<632x64xf32, #tpu.memory_space<vmem_shared>>)
      tpu.yield
    }) : () -> ()
    "tpu.region"() ({
      %run_scoped3A = tpu.sem_alloc : memref<!tpu.dma_semaphore, #tpu.memory_space<semaphore_mem>>
      %dma_start3A = arith.constant 0 : i32
      %dma_start3A_102 = arith.constant 0 : i32
      %dma_start3A_103 = tpu.memref_slice %arg3[%arg1, %dma_start3A, %dma_start3A_102] : memref<16x160x125xi32, #tpu.memory_space<hbm>> -> memref<1x160x125xi32, #tpu.memory_space<hbm>>
      %dma_start3A_104 = tpu.memref_squeeze %dma_start3A_103 : memref<1x160x125xi32, #tpu.memory_space<hbm>> -> memref<160x125xi32, #tpu.memory_space<hbm>>
      %dma_start3A_105 = arith.constant 0 : i32
      %dma_start3A_106 = arith.constant 0 : i32
      %dma_start3A_107 = tpu.memref_slice %arg3[%arg1, %dma_start3A_105, %dma_start3A_106] : memref<16x160x125xi32, #tpu.memory_space<hbm>> -> memref<1x160x125xi32, #tpu.memory_space<hbm>>
      %dma_start3A_108 = tpu.memref_squeeze %dma_start3A_107 : memref<1x160x125xi32, #tpu.memory_space<hbm>> -> memref<160x125xi32, #tpu.memory_space<hbm>>
      tpu.enqueue_dma source(%dma_start3A_108 : memref<160x125xi32, #tpu.memory_space<hbm>>) target(%arg7 : memref<160x125xi32, #tpu.memory_space<vmem>>) target_semaphore(%run_scoped3A : memref<!tpu.dma_semaphore, #tpu.memory_space<semaphore_mem>>)
      %dma_wait3A_109 = arith.constant 0 : i32
      %dma_wait3A_110 = arith.constant 0 : i32
      %dma_wait3A_111 = tpu.memref_slice %arg3[%arg1, %dma_wait3A_109, %dma_wait3A_110] : memref<16x160x125xi32, #tpu.memory_space<hbm>> -> memref<1x160x125xi32, #tpu.memory_space<hbm>>
      %dma_wait3A_112 = tpu.memref_squeeze %dma_wait3A_111 : memref<1x160x125xi32, #tpu.memory_space<hbm>> -> memref<160x125xi32, #tpu.memory_space<hbm>>
      %dma_wait3A_113 = arith.constant 0 : i32
      %dma_wait3A_114 = arith.constant 0 : i32
      %dma_wait3A_115 = tpu.memref_slice %arg3[%arg1, %dma_wait3A_113, %dma_wait3A_114] : memref<16x160x125xi32, #tpu.memory_space<hbm>> -> memref<1x160x125xi32, #tpu.memory_space<hbm>>
      %dma_wait3A_116 = tpu.memref_squeeze %dma_wait3A_115 : memref<1x160x125xi32, #tpu.memory_space<hbm>> -> memref<160x125xi32, #tpu.memory_space<hbm>>
      tpu.wait_dma2 semaphore(%run_scoped3A : memref<!tpu.dma_semaphore, #tpu.memory_space<semaphore_mem>>) src(%dma_wait3A_116 : memref<160x125xi32, #tpu.memory_space<hbm>>) dst(%arg7 : memref<160x125xi32, #tpu.memory_space<vmem>>)
      tpu.yield
    }) : () -> ()
    "tpu.region"() ({
      %run_scoped3A = tpu.sem_alloc : memref<!tpu.dma_semaphore, #tpu.memory_space<semaphore_mem>>
      %dma_start3A = arith.constant 0 : i32
      %dma_start3A_102 = arith.constant 0 : i32
      %dma_start3A_103 = tpu.memref_slice %arg4[%arg1, %dma_start3A, %dma_start3A_102] : memref<16x160x125xi32, #tpu.memory_space<hbm>> -> memref<1x160x125xi32, #tpu.memory_space<hbm>>
      %dma_start3A_104 = tpu.memref_squeeze %dma_start3A_103 : memref<1x160x125xi32, #tpu.memory_space<hbm>> -> memref<160x125xi32, #tpu.memory_space<hbm>>
      %dma_start3A_105 = arith.constant 0 : i32
      %dma_start3A_106 = arith.constant 0 : i32
      %dma_start3A_107 = tpu.memref_slice %arg4[%arg1, %dma_start3A_105, %dma_start3A_106] : memref<16x160x125xi32, #tpu.memory_space<hbm>> -> memref<1x160x125xi32, #tpu.memory_space<hbm>>
      %dma_start3A_108 = tpu.memref_squeeze %dma_start3A_107 : memref<1x160x125xi32, #tpu.memory_space<hbm>> -> memref<160x125xi32, #tpu.memory_space<hbm>>
      tpu.enqueue_dma source(%dma_start3A_108 : memref<160x125xi32, #tpu.memory_space<hbm>>) target(%arg8 : memref<160x125xi32, #tpu.memory_space<vmem>>) target_semaphore(%run_scoped3A : memref<!tpu.dma_semaphore, #tpu.memory_space<semaphore_mem>>)
      %dma_wait3A_109 = arith.constant 0 : i32
      %dma_wait3A_110 = arith.constant 0 : i32
      %dma_wait3A_111 = tpu.memref_slice %arg4[%arg1, %dma_wait3A_109, %dma_wait3A_110] : memref<16x160x125xi32, #tpu.memory_space<hbm>> -> memref<1x160x125xi32, #tpu.memory_space<hbm>>
      %dma_wait3A_112 = tpu.memref_squeeze %dma_wait3A_111 : memref<1x160x125xi32, #tpu.memory_space<hbm>> -> memref<160x125xi32, #tpu.memory_space<hbm>>
      %dma_wait3A_113 = arith.constant 0 : i32
      %dma_wait3A_114 = arith.constant 0 : i32
      %dma_wait3A_115 = tpu.memref_slice %arg4[%arg1, %dma_wait3A_113, %dma_wait3A_114] : memref<16x160x125xi32, #tpu.memory_space<hbm>> -> memref<1x160x125xi32, #tpu.memory_space<hbm>>
      %dma_wait3A_116 = tpu.memref_squeeze %dma_wait3A_115 : memref<1x160x125xi32, #tpu.memory_space<hbm>> -> memref<160x125xi32, #tpu.memory_space<hbm>>
      tpu.wait_dma2 semaphore(%run_scoped3A : memref<!tpu.dma_semaphore, #tpu.memory_space<semaphore_mem>>) src(%dma_wait3A_116 : memref<160x125xi32, #tpu.memory_space<hbm>>) dst(%arg8 : memref<160x125xi32, #tpu.memory_space<vmem>>)
      tpu.yield
    }) : () -> ()
    %barrier3A = arith.constant 0 : index
    tpu.barrier barrier_id(%barrier3A)
    %scan3A = arith.constant 0 : i32
    %scan3A_3 = arith.constant 0 : i32
    %scan3A_4 = arith.constant 32 : i32
    %scan3A_5 = arith.addi %scan3A_3, %scan3A_4 : i32
    %scan3A_6 = arith.constant 1 : i32
    scf.for %scan3A_102 = %scan3A_3 to %scan3A_5 step %scan3A_6  : i32 {
      %mul3A_103 = arith.constant 5 : i32
      %mul3A_104 = arith.muli %scan3A_102, %mul3A_103 : i32
      %gt3A = arith.constant 0 : i32
      %gt3A_105 = arith.cmpi sgt, %scan3A_102, %gt3A : i32
      %convert_element_type3A = arith.extui %gt3A_105 : i1 to i32
      %cond3A = arith.constant 0 : i32
      %cond3A_106 = arith.cmpi ne, %convert_element_type3A, %cond3A : i32
      scf.if %cond3A_106 {
        %dma_wait3A_405 = arith.constant 0 : i32
        %dma_wait3A_406 = arith.constant 0 : i32
        %dma_wait3A_407 = arith.constant 0 : i32
        %dma_wait3A_408 = arith.constant 0 : i32
        %dma_wait3A_409 = tpu.memref_slice %arg9[%dma_wait3A_405, %dma_wait3A_407, %dma_wait3A_408] : memref<5x125x64xf32, #tpu.memory_space<vmem>> -> memref<1x125x64xf32, #tpu.memory_space<vmem>>
        %dma_wait3A_410 = tpu.memref_squeeze %dma_wait3A_409 : memref<1x125x64xf32, #tpu.memory_space<vmem>> -> memref<125x64xf32, #tpu.memory_space<vmem>>
        %dma_wait3A_411 = arith.constant 0 : i32
        %dma_wait3A_412 = arith.constant 0 : i32
        %dma_wait3A_413 = tpu.memref_slice %arg5[%dma_wait3A_411, %dma_wait3A_412] : memref<10112x64xf32, #tpu.memory_space<hbm>> -> memref<125x64xf32, #tpu.memory_space<hbm>>
        %dma_wait3A_414 = tpu.memref_slice %arg11[%dma_wait3A_406] : memref<5x!tpu.dma_semaphore, #tpu.memory_space<semaphore_mem>> -> memref<1x!tpu.dma_semaphore, #tpu.memory_space<semaphore_mem>>
        %dma_wait3A_415 = tpu.memref_squeeze %dma_wait3A_414 : memref<1x!tpu.dma_semaphore, #tpu.memory_space<semaphore_mem>> -> memref<!tpu.dma_semaphore, #tpu.memory_space<semaphore_mem>>
        %dma_wait3A_416 = arith.constant 0 : i32
        %dma_wait3A_417 = arith.constant 0 : i32
        %dma_wait3A_418 = tpu.memref_slice %arg9[%dma_wait3A_405, %dma_wait3A_416, %dma_wait3A_417] : memref<5x125x64xf32, #tpu.memory_space<vmem>> -> memref<1x125x64xf32, #tpu.memory_space<vmem>>
        %dma_wait3A_419 = tpu.memref_squeeze %dma_wait3A_418 : memref<1x125x64xf32, #tpu.memory_space<vmem>> -> memref<125x64xf32, #tpu.memory_space<vmem>>
        %dma_wait3A_420 = arith.constant 0 : i32
        %dma_wait3A_421 = arith.constant 0 : i32
        %dma_wait3A_422 = tpu.memref_slice %arg5[%dma_wait3A_420, %dma_wait3A_421] : memref<10112x64xf32, #tpu.memory_space<hbm>> -> memref<125x64xf32, #tpu.memory_space<hbm>>
        tpu.wait_dma2 semaphore(%dma_wait3A_415 : memref<!tpu.dma_semaphore, #tpu.memory_space<semaphore_mem>>) src(%dma_wait3A_422 : memref<125x64xf32, #tpu.memory_space<hbm>>) dst(%dma_wait3A_419 : memref<125x64xf32, #tpu.memory_space<vmem>>)
      } else {
      }
      %add3A = arith.constant 0 : i32
      %add3A_107 = arith.addi %mul3A_104, %add3A : i32
      %dma_start3A = arith.constant 0 : i32
      %dma_start3A_108 = arith.constant 0 : i32
      %dma_start3A_109 = arith.constant 0 : i32
      %dma_start3A_110 = arith.constant 0 : i32
      %dma_start3A_111 = tpu.memref_slice %arg9[%dma_start3A, %dma_start3A_109, %dma_start3A_110] : memref<5x125x64xf32, #tpu.memory_space<vmem>> -> memref<1x125x64xf32, #tpu.memory_space<vmem>>
      %dma_start3A_112 = tpu.memref_squeeze %dma_start3A_111 : memref<1x125x64xf32, #tpu.memory_space<vmem>> -> memref<125x64xf32, #tpu.memory_space<vmem>>
      %dma_start3A_113 = arith.constant 0 : i32
      %dma_start3A_114 = tpu.memref_slice %arg7[%add3A_107, %dma_start3A_113] : memref<160x125xi32, #tpu.memory_space<vmem>> -> memref<1x125xi32, #tpu.memory_space<vmem>>
      %dma_start3A_115 = tpu.memref_squeeze %dma_start3A_114 : memref<1x125xi32, #tpu.memory_space<vmem>> -> memref<125xi32, #tpu.memory_space<vmem>>
      %dma_start3A_116 = arith.constant 0 : i32
      %dma_start3A_117 = arith.constant 0 : i32
      %dma_start3A_118 = tpu.memref_slice %arg2[%arg0, %dma_start3A_116, %dma_start3A_117] : memref<2x10000x64xf32, #tpu.memory_space<hbm>> -> memref<1x10000x64xf32, #tpu.memory_space<hbm>>
      %dma_start3A_119 = tpu.memref_squeeze %dma_start3A_118 : memref<1x10000x64xf32, #tpu.memory_space<hbm>> -> memref<10000x64xf32, #tpu.memory_space<hbm>>
      %dma_start3A_120 = arith.constant 0 : i32
      %dma_start3A_121 = arith.constant 0 : i32
      %dma_start3A_122 = tpu.memref_slice %dma_start3A_119[%dma_start3A_120, %dma_start3A_121] : memref<10000x64xf32, #tpu.memory_space<hbm>> -> memref<10000x64xf32, #tpu.memory_space<hbm>>
      %dma_start3A_123 = tpu.memref_slice %arg10[%dma_start3A_108] : memref<5x!tpu.dma_semaphore, #tpu.memory_space<semaphore_mem>> -> memref<1x!tpu.dma_semaphore, #tpu.memory_space<semaphore_mem>>
      %dma_start3A_124 = tpu.memref_squeeze %dma_start3A_123 : memref<1x!tpu.dma_semaphore, #tpu.memory_space<semaphore_mem>> -> memref<!tpu.dma_semaphore, #tpu.memory_space<semaphore_mem>>
      tpu.enqueue_indirect_dma source(%dma_start3A_122 : memref<10000x64xf32, #tpu.memory_space<hbm>>) target(%dma_start3A_112 : memref<125x64xf32, #tpu.memory_space<vmem>>) offsets(%dma_start3A_115 : memref<125xi32, #tpu.memory_space<vmem>>) semaphore(%dma_start3A_124 : memref<!tpu.dma_semaphore, #tpu.memory_space<semaphore_mem>>)
      %gt3A_125 = arith.constant 0 : i32
      %gt3A_126 = arith.cmpi sgt, %scan3A_102, %gt3A_125 : i32
      %convert_element_type3A_127 = arith.extui %gt3A_126 : i1 to i32
      %cond3A_128 = arith.constant 0 : i32
      %cond3A_129 = arith.cmpi ne, %convert_element_type3A_127, %cond3A_128 : i32
      scf.if %cond3A_129 {
        %dma_wait3A_405 = arith.constant 1 : i32
        %dma_wait3A_406 = arith.constant 1 : i32
        %dma_wait3A_407 = arith.constant 0 : i32
        %dma_wait3A_408 = arith.constant 0 : i32
        %dma_wait3A_409 = tpu.memref_slice %arg9[%dma_wait3A_405, %dma_wait3A_407, %dma_wait3A_408] : memref<5x125x64xf32, #tpu.memory_space<vmem>> -> memref<1x125x64xf32, #tpu.memory_space<vmem>>
        %dma_wait3A_410 = tpu.memref_squeeze %dma_wait3A_409 : memref<1x125x64xf32, #tpu.memory_space<vmem>> -> memref<125x64xf32, #tpu.memory_space<vmem>>
        %dma_wait3A_411 = arith.constant 0 : i32
        %dma_wait3A_412 = arith.constant 0 : i32
        %dma_wait3A_413 = tpu.memref_slice %arg5[%dma_wait3A_411, %dma_wait3A_412] : memref<10112x64xf32, #tpu.memory_space<hbm>> -> memref<125x64xf32, #tpu.memory_space<hbm>>
        %dma_wait3A_414 = tpu.memref_slice %arg11[%dma_wait3A_406] : memref<5x!tpu.dma_semaphore, #tpu.memory_space<semaphore_mem>> -> memref<1x!tpu.dma_semaphore, #tpu.memory_space<semaphore_mem>>
        %dma_wait3A_415 = tpu.memref_squeeze %dma_wait3A_414 : memref<1x!tpu.dma_semaphore, #tpu.memory_space<semaphore_mem>> -> memref<!tpu.dma_semaphore, #tpu.memory_space<semaphore_mem>>
        %dma_wait3A_416 = arith.constant 0 : i32
        %dma_wait3A_417 = arith.constant 0 : i32
        %dma_wait3A_418 = tpu.memref_slice %arg9[%dma_wait3A_405, %dma_wait3A_416, %dma_wait3A_417] : memref<5x125x64xf32, #tpu.memory_space<vmem>> -> memref<1x125x64xf32, #tpu.memory_space<vmem>>
        %dma_wait3A_419 = tpu.memref_squeeze %dma_wait3A_418 : memref<1x125x64xf32, #tpu.memory_space<vmem>> -> memref<125x64xf32, #tpu.memory_space<vmem>>
        %dma_wait3A_420 = arith.constant 0 : i32
        %dma_wait3A_421 = arith.constant 0 : i32
        %dma_wait3A_422 = tpu.memref_slice %arg5[%dma_wait3A_420, %dma_wait3A_421] : memref<10112x64xf32, #tpu.memory_space<hbm>> -> memref<125x64xf32, #tpu.memory_space<hbm>>
        tpu.wait_dma2 semaphore(%dma_wait3A_415 : memref<!tpu.dma_semaphore, #tpu.memory_space<semaphore_mem>>) src(%dma_wait3A_422 : memref<125x64xf32, #tpu.memory_space<hbm>>) dst(%dma_wait3A_419 : memref<125x64xf32, #tpu.memory_space<vmem>>)
      } else {
      }
      %add3A_130 = arith.constant 1 : i32
      %add3A_131 = arith.addi %mul3A_104, %add3A_130 : i32
      %dma_start3A_132 = arith.constant 1 : i32
      %dma_start3A_133 = arith.constant 1 : i32
      %dma_start3A_134 = arith.constant 0 : i32
      %dma_start3A_135 = arith.constant 0 : i32
      %dma_start3A_136 = tpu.memref_slice %arg9[%dma_start3A_132, %dma_start3A_134, %dma_start3A_135] : memref<5x125x64xf32, #tpu.memory_space<vmem>> -> memref<1x125x64xf32, #tpu.memory_space<vmem>>
      %dma_start3A_137 = tpu.memref_squeeze %dma_start3A_136 : memref<1x125x64xf32, #tpu.memory_space<vmem>> -> memref<125x64xf32, #tpu.memory_space<vmem>>
      %dma_start3A_138 = arith.constant 0 : i32
      %dma_start3A_139 = tpu.memref_slice %arg7[%add3A_131, %dma_start3A_138] : memref<160x125xi32, #tpu.memory_space<vmem>> -> memref<1x125xi32, #tpu.memory_space<vmem>>
      %dma_start3A_140 = tpu.memref_squeeze %dma_start3A_139 : memref<1x125xi32, #tpu.memory_space<vmem>> -> memref<125xi32, #tpu.memory_space<vmem>>
      %dma_start3A_141 = arith.constant 0 : i32
      %dma_start3A_142 = arith.constant 0 : i32
      %dma_start3A_143 = tpu.memref_slice %arg2[%arg0, %dma_start3A_141, %dma_start3A_142] : memref<2x10000x64xf32, #tpu.memory_space<hbm>> -> memref<1x10000x64xf32, #tpu.memory_space<hbm>>
      %dma_start3A_144 = tpu.memref_squeeze %dma_start3A_143 : memref<1x10000x64xf32, #tpu.memory_space<hbm>> -> memref<10000x64xf32, #tpu.memory_space<hbm>>
      %dma_start3A_145 = arith.constant 0 : i32
      %dma_start3A_146 = arith.constant 0 : i32
      %dma_start3A_147 = tpu.memref_slice %dma_start3A_144[%dma_start3A_145, %dma_start3A_146] : memref<10000x64xf32, #tpu.memory_space<hbm>> -> memref<10000x64xf32, #tpu.memory_space<hbm>>
      %dma_start3A_148 = tpu.memref_slice %arg10[%dma_start3A_133] : memref<5x!tpu.dma_semaphore, #tpu.memory_space<semaphore_mem>> -> memref<1x!tpu.dma_semaphore, #tpu.memory_space<semaphore_mem>>
      %dma_start3A_149 = tpu.memref_squeeze %dma_start3A_148 : memref<1x!tpu.dma_semaphore, #tpu.memory_space<semaphore_mem>> -> memref<!tpu.dma_semaphore, #tpu.memory_space<semaphore_mem>>
      tpu.enqueue_indirect_dma source(%dma_start3A_147 : memref<10000x64xf32, #tpu.memory_space<hbm>>) target(%dma_start3A_137 : memref<125x64xf32, #tpu.memory_space<vmem>>) offsets(%dma_start3A_140 : memref<125xi32, #tpu.memory_space<vmem>>) semaphore(%dma_start3A_149 : memref<!tpu.dma_semaphore, #tpu.memory_space<semaphore_mem>>)
      %gt3A_150 = arith.constant 0 : i32
      %gt3A_151 = arith.cmpi sgt, %scan3A_102, %gt3A_150 : i32
      %convert_element_type3A_152 = arith.extui %gt3A_151 : i1 to i32
      %cond3A_153 = arith.constant 0 : i32
      %cond3A_154 = arith.cmpi ne, %convert_element_type3A_152, %cond3A_153 : i32
      scf.if %cond3A_154 {
        %dma_wait3A_405 = arith.constant 2 : i32
        %dma_wait3A_406 = arith.constant 2 : i32
        %dma_wait3A_407 = arith.constant 0 : i32
        %dma_wait3A_408 = arith.constant 0 : i32
        %dma_wait3A_409 = tpu.memref_slice %arg9[%dma_wait3A_405, %dma_wait3A_407, %dma_wait3A_408] : memref<5x125x64xf32, #tpu.memory_space<vmem>> -> memref<1x125x64xf32, #tpu.memory_space<vmem>>
        %dma_wait3A_410 = tpu.memref_squeeze %dma_wait3A_409 : memref<1x125x64xf32, #tpu.memory_space<vmem>> -> memref<125x64xf32, #tpu.memory_space<vmem>>
        %dma_wait3A_411 = arith.constant 0 : i32
        %dma_wait3A_412 = arith.constant 0 : i32
        %dma_wait3A_413 = tpu.memref_slice %arg5[%dma_wait3A_411, %dma_wait3A_412] : memref<10112x64xf32, #tpu.memory_space<hbm>> -> memref<125x64xf32, #tpu.memory_space<hbm>>
        %dma_wait3A_414 = tpu.memref_slice %arg11[%dma_wait3A_406] : memref<5x!tpu.dma_semaphore, #tpu.memory_space<semaphore_mem>> -> memref<1x!tpu.dma_semaphore, #tpu.memory_space<semaphore_mem>>
        %dma_wait3A_415 = tpu.memref_squeeze %dma_wait3A_414 : memref<1x!tpu.dma_semaphore, #tpu.memory_space<semaphore_mem>> -> memref<!tpu.dma_semaphore, #tpu.memory_space<semaphore_mem>>
        %dma_wait3A_416 = arith.constant 0 : i32
        %dma_wait3A_417 = arith.constant 0 : i32
        %dma_wait3A_418 = tpu.memref_slice %arg9[%dma_wait3A_405, %dma_wait3A_416, %dma_wait3A_417] : memref<5x125x64xf32, #tpu.memory_space<vmem>> -> memref<1x125x64xf32, #tpu.memory_space<vmem>>
        %dma_wait3A_419 = tpu.memref_squeeze %dma_wait3A_418 : memref<1x125x64xf32, #tpu.memory_space<vmem>> -> memref<125x64xf32, #tpu.memory_space<vmem>>
        %dma_wait3A_420 = arith.constant 0 : i32
        %dma_wait3A_421 = arith.constant 0 : i32
        %dma_wait3A_422 = tpu.memref_slice %arg5[%dma_wait3A_420, %dma_wait3A_421] : memref<10112x64xf32, #tpu.memory_space<hbm>> -> memref<125x64xf32, #tpu.memory_space<hbm>>
        tpu.wait_dma2 semaphore(%dma_wait3A_415 : memref<!tpu.dma_semaphore, #tpu.memory_space<semaphore_mem>>) src(%dma_wait3A_422 : memref<125x64xf32, #tpu.memory_space<hbm>>) dst(%dma_wait3A_419 : memref<125x64xf32, #tpu.memory_space<vmem>>)
      } else {
      }
      %add3A_155 = arith.constant 2 : i32
      %add3A_156 = arith.addi %mul3A_104, %add3A_155 : i32
      %dma_start3A_157 = arith.constant 2 : i32
      %dma_start3A_158 = arith.constant 2 : i32
      %dma_start3A_159 = arith.constant 0 : i32
      %dma_start3A_160 = arith.constant 0 : i32
      %dma_start3A_161 = tpu.memref_slice %arg9[%dma_start3A_157, %dma_start3A_159, %dma_start3A_160] : memref<5x125x64xf32, #tpu.memory_space<vmem>> -> memref<1x125x64xf32, #tpu.memory_space<vmem>>
      %dma_start3A_162 = tpu.memref_squeeze %dma_start3A_161 : memref<1x125x64xf32, #tpu.memory_space<vmem>> -> memref<125x64xf32, #tpu.memory_space<vmem>>
      %dma_start3A_163 = arith.constant 0 : i32
      %dma_start3A_164 = tpu.memref_slice %arg7[%add3A_156, %dma_start3A_163] : memref<160x125xi32, #tpu.memory_space<vmem>> -> memref<1x125xi32, #tpu.memory_space<vmem>>
      %dma_start3A_165 = tpu.memref_squeeze %dma_start3A_164 : memref<1x125xi32, #tpu.memory_space<vmem>> -> memref<125xi32, #tpu.memory_space<vmem>>
      %dma_start3A_166 = arith.constant 0 : i32
      %dma_start3A_167 = arith.constant 0 : i32
      %dma_start3A_168 = tpu.memref_slice %arg2[%arg0, %dma_start3A_166, %dma_start3A_167] : memref<2x10000x64xf32, #tpu.memory_space<hbm>> -> memref<1x10000x64xf32, #tpu.memory_space<hbm>>
      %dma_start3A_169 = tpu.memref_squeeze %dma_start3A_168 : memref<1x10000x64xf32, #tpu.memory_space<hbm>> -> memref<10000x64xf32, #tpu.memory_space<hbm>>
      %dma_start3A_170 = arith.constant 0 : i32
      %dma_start3A_171 = arith.constant 0 : i32
      %dma_start3A_172 = tpu.memref_slice %dma_start3A_169[%dma_start3A_170, %dma_start3A_171] : memref<10000x64xf32, #tpu.memory_space<hbm>> -> memref<10000x64xf32, #tpu.memory_space<hbm>>
      %dma_start3A_173 = tpu.memref_slice %arg10[%dma_start3A_158] : memref<5x!tpu.dma_semaphore, #tpu.memory_space<semaphore_mem>> -> memref<1x!tpu.dma_semaphore, #tpu.memory_space<semaphore_mem>>
      %dma_start3A_174 = tpu.memref_squeeze %dma_start3A_173 : memref<1x!tpu.dma_semaphore, #tpu.memory_space<semaphore_mem>> -> memref<!tpu.dma_semaphore, #tpu.memory_space<semaphore_mem>>
      tpu.enqueue_indirect_dma source(%dma_start3A_172 : memref<10000x64xf32, #tpu.memory_space<hbm>>) target(%dma_start3A_162 : memref<125x64xf32, #tpu.memory_space<vmem>>) offsets(%dma_start3A_165 : memref<125xi32, #tpu.memory_space<vmem>>) semaphore(%dma_start3A_174 : memref<!tpu.dma_semaphore, #tpu.memory_space<semaphore_mem>>)
      %gt3A_175 = arith.constant 0 : i32
      %gt3A_176 = arith.cmpi sgt, %scan3A_102, %gt3A_175 : i32
      %convert_element_type3A_177 = arith.extui %gt3A_176 : i1 to i32
      %cond3A_178 = arith.constant 0 : i32
      %cond3A_179 = arith.cmpi ne, %convert_element_type3A_177, %cond3A_178 : i32
      scf.if %cond3A_179 {
        %dma_wait3A_405 = arith.constant 3 : i32
        %dma_wait3A_406 = arith.constant 3 : i32
        %dma_wait3A_407 = arith.constant 0 : i32
        %dma_wait3A_408 = arith.constant 0 : i32
        %dma_wait3A_409 = tpu.memref_slice %arg9[%dma_wait3A_405, %dma_wait3A_407, %dma_wait3A_408] : memref<5x125x64xf32, #tpu.memory_space<vmem>> -> memref<1x125x64xf32, #tpu.memory_space<vmem>>
        %dma_wait3A_410 = tpu.memref_squeeze %dma_wait3A_409 : memref<1x125x64xf32, #tpu.memory_space<vmem>> -> memref<125x64xf32, #tpu.memory_space<vmem>>
        %dma_wait3A_411 = arith.constant 0 : i32
        %dma_wait3A_412 = arith.constant 0 : i32
        %dma_wait3A_413 = tpu.memref_slice %arg5[%dma_wait3A_411, %dma_wait3A_412] : memref<10112x64xf32, #tpu.memory_space<hbm>> -> memref<125x64xf32, #tpu.memory_space<hbm>>
        %dma_wait3A_414 = tpu.memref_slice %arg11[%dma_wait3A_406] : memref<5x!tpu.dma_semaphore, #tpu.memory_space<semaphore_mem>> -> memref<1x!tpu.dma_semaphore, #tpu.memory_space<semaphore_mem>>
        %dma_wait3A_415 = tpu.memref_squeeze %dma_wait3A_414 : memref<1x!tpu.dma_semaphore, #tpu.memory_space<semaphore_mem>> -> memref<!tpu.dma_semaphore, #tpu.memory_space<semaphore_mem>>
        %dma_wait3A_416 = arith.constant 0 : i32
        %dma_wait3A_417 = arith.constant 0 : i32
        %dma_wait3A_418 = tpu.memref_slice %arg9[%dma_wait3A_405, %dma_wait3A_416, %dma_wait3A_417] : memref<5x125x64xf32, #tpu.memory_space<vmem>> -> memref<1x125x64xf32, #tpu.memory_space<vmem>>
        %dma_wait3A_419 = tpu.memref_squeeze %dma_wait3A_418 : memref<1x125x64xf32, #tpu.memory_space<vmem>> -> memref<125x64xf32, #tpu.memory_space<vmem>>
        %dma_wait3A_420 = arith.constant 0 : i32
        %dma_wait3A_421 = arith.constant 0 : i32
        %dma_wait3A_422 = tpu.memref_slice %arg5[%dma_wait3A_420, %dma_wait3A_421] : memref<10112x64xf32, #tpu.memory_space<hbm>> -> memref<125x64xf32, #tpu.memory_space<hbm>>
        tpu.wait_dma2 semaphore(%dma_wait3A_415 : memref<!tpu.dma_semaphore, #tpu.memory_space<semaphore_mem>>) src(%dma_wait3A_422 : memref<125x64xf32, #tpu.memory_space<hbm>>) dst(%dma_wait3A_419 : memref<125x64xf32, #tpu.memory_space<vmem>>)
      } else {
      }
      %add3A_180 = arith.constant 3 : i32
      %add3A_181 = arith.addi %mul3A_104, %add3A_180 : i32
      %dma_start3A_182 = arith.constant 3 : i32
      %dma_start3A_183 = arith.constant 3 : i32
      %dma_start3A_184 = arith.constant 0 : i32
      %dma_start3A_185 = arith.constant 0 : i32
      %dma_start3A_186 = tpu.memref_slice %arg9[%dma_start3A_182, %dma_start3A_184, %dma_start3A_185] : memref<5x125x64xf32, #tpu.memory_space<vmem>> -> memref<1x125x64xf32, #tpu.memory_space<vmem>>
      %dma_start3A_187 = tpu.memref_squeeze %dma_start3A_186 : memref<1x125x64xf32, #tpu.memory_space<vmem>> -> memref<125x64xf32, #tpu.memory_space<vmem>>
      %dma_start3A_188 = arith.constant 0 : i32
      %dma_start3A_189 = tpu.memref_slice %arg7[%add3A_181, %dma_start3A_188] : memref<160x125xi32, #tpu.memory_space<vmem>> -> memref<1x125xi32, #tpu.memory_space<vmem>>
      %dma_start3A_190 = tpu.memref_squeeze %dma_start3A_189 : memref<1x125xi32, #tpu.memory_space<vmem>> -> memref<125xi32, #tpu.memory_space<vmem>>
      %dma_start3A_191 = arith.constant 0 : i32
      %dma_start3A_192 = arith.constant 0 : i32
      %dma_start3A_193 = tpu.memref_slice %arg2[%arg0, %dma_start3A_191, %dma_start3A_192] : memref<2x10000x64xf32, #tpu.memory_space<hbm>> -> memref<1x10000x64xf32, #tpu.memory_space<hbm>>
      %dma_start3A_194 = tpu.memref_squeeze %dma_start3A_193 : memref<1x10000x64xf32, #tpu.memory_space<hbm>> -> memref<10000x64xf32, #tpu.memory_space<hbm>>
      %dma_start3A_195 = arith.constant 0 : i32
      %dma_start3A_196 = arith.constant 0 : i32
      %dma_start3A_197 = tpu.memref_slice %dma_start3A_194[%dma_start3A_195, %dma_start3A_196] : memref<10000x64xf32, #tpu.memory_space<hbm>> -> memref<10000x64xf32, #tpu.memory_space<hbm>>
      %dma_start3A_198 = tpu.memref_slice %arg10[%dma_start3A_183] : memref<5x!tpu.dma_semaphore, #tpu.memory_space<semaphore_mem>> -> memref<1x!tpu.dma_semaphore, #tpu.memory_space<semaphore_mem>>
      %dma_start3A_199 = tpu.memref_squeeze %dma_start3A_198 : memref<1x!tpu.dma_semaphore, #tpu.memory_space<semaphore_mem>> -> memref<!tpu.dma_semaphore, #tpu.memory_space<semaphore_mem>>
      tpu.enqueue_indirect_dma source(%dma_start3A_197 : memref<10000x64xf32, #tpu.memory_space<hbm>>) target(%dma_start3A_187 : memref<125x64xf32, #tpu.memory_space<vmem>>) offsets(%dma_start3A_190 : memref<125xi32, #tpu.memory_space<vmem>>) semaphore(%dma_start3A_199 : memref<!tpu.dma_semaphore, #tpu.memory_space<semaphore_mem>>)
      %gt3A_200 = arith.constant 0 : i32
      %gt3A_201 = arith.cmpi sgt, %scan3A_102, %gt3A_200 : i32
      %convert_element_type3A_202 = arith.extui %gt3A_201 : i1 to i32
      %cond3A_203 = arith.constant 0 : i32
      %cond3A_204 = arith.cmpi ne, %convert_element_type3A_202, %cond3A_203 : i32
      scf.if %cond3A_204 {
        %dma_wait3A_405 = arith.constant 4 : i32
        %dma_wait3A_406 = arith.constant 4 : i32
        %dma_wait3A_407 = arith.constant 0 : i32
        %dma_wait3A_408 = arith.constant 0 : i32
        %dma_wait3A_409 = tpu.memref_slice %arg9[%dma_wait3A_405, %dma_wait3A_407, %dma_wait3A_408] : memref<5x125x64xf32, #tpu.memory_space<vmem>> -> memref<1x125x64xf32, #tpu.memory_space<vmem>>
        %dma_wait3A_410 = tpu.memref_squeeze %dma_wait3A_409 : memref<1x125x64xf32, #tpu.memory_space<vmem>> -> memref<125x64xf32, #tpu.memory_space<vmem>>
        %dma_wait3A_411 = arith.constant 0 : i32
        %dma_wait3A_412 = arith.constant 0 : i32
        %dma_wait3A_413 = tpu.memref_slice %arg5[%dma_wait3A_411, %dma_wait3A_412] : memref<10112x64xf32, #tpu.memory_space<hbm>> -> memref<125x64xf32, #tpu.memory_space<hbm>>
        %dma_wait3A_414 = tpu.memref_slice %arg11[%dma_wait3A_406] : memref<5x!tpu.dma_semaphore, #tpu.memory_space<semaphore_mem>> -> memref<1x!tpu.dma_semaphore, #tpu.memory_space<semaphore_mem>>
        %dma_wait3A_415 = tpu.memref_squeeze %dma_wait3A_414 : memref<1x!tpu.dma_semaphore, #tpu.memory_space<semaphore_mem>> -> memref<!tpu.dma_semaphore, #tpu.memory_space<semaphore_mem>>
        %dma_wait3A_416 = arith.constant 0 : i32
        %dma_wait3A_417 = arith.constant 0 : i32
        %dma_wait3A_418 = tpu.memref_slice %arg9[%dma_wait3A_405, %dma_wait3A_416, %dma_wait3A_417] : memref<5x125x64xf32, #tpu.memory_space<vmem>> -> memref<1x125x64xf32, #tpu.memory_space<vmem>>
        %dma_wait3A_419 = tpu.memref_squeeze %dma_wait3A_418 : memref<1x125x64xf32, #tpu.memory_space<vmem>> -> memref<125x64xf32, #tpu.memory_space<vmem>>
        %dma_wait3A_420 = arith.constant 0 : i32
        %dma_wait3A_421 = arith.constant 0 : i32
        %dma_wait3A_422 = tpu.memref_slice %arg5[%dma_wait3A_420, %dma_wait3A_421] : memref<10112x64xf32, #tpu.memory_space<hbm>> -> memref<125x64xf32, #tpu.memory_space<hbm>>
        tpu.wait_dma2 semaphore(%dma_wait3A_415 : memref<!tpu.dma_semaphore, #tpu.memory_space<semaphore_mem>>) src(%dma_wait3A_422 : memref<125x64xf32, #tpu.memory_space<hbm>>) dst(%dma_wait3A_419 : memref<125x64xf32, #tpu.memory_space<vmem>>)
      } else {
      }
      %add3A_205 = arith.constant 4 : i32
      %add3A_206 = arith.addi %mul3A_104, %add3A_205 : i32
      %dma_start3A_207 = arith.constant 4 : i32
      %dma_start3A_208 = arith.constant 4 : i32
      %dma_start3A_209 = arith.constant 0 : i32
      %dma_start3A_210 = arith.constant 0 : i32
      %dma_start3A_211 = tpu.memref_slice %arg9[%dma_start3A_207, %dma_start3A_209, %dma_start3A_210] : memref<5x125x64xf32, #tpu.memory_space<vmem>> -> memref<1x125x64xf32, #tpu.memory_space<vmem>>
      %dma_start3A_212 = tpu.memref_squeeze %dma_start3A_211 : memref<1x125x64xf32, #tpu.memory_space<vmem>> -> memref<125x64xf32, #tpu.memory_space<vmem>>
      %dma_start3A_213 = arith.constant 0 : i32
      %dma_start3A_214 = tpu.memref_slice %arg7[%add3A_206, %dma_start3A_213] : memref<160x125xi32, #tpu.memory_space<vmem>> -> memref<1x125xi32, #tpu.memory_space<vmem>>
      %dma_start3A_215 = tpu.memref_squeeze %dma_start3A_214 : memref<1x125xi32, #tpu.memory_space<vmem>> -> memref<125xi32, #tpu.memory_space<vmem>>
      %dma_start3A_216 = arith.constant 0 : i32
      %dma_start3A_217 = arith.constant 0 : i32
      %dma_start3A_218 = tpu.memref_slice %arg2[%arg0, %dma_start3A_216, %dma_start3A_217] : memref<2x10000x64xf32, #tpu.memory_space<hbm>> -> memref<1x10000x64xf32, #tpu.memory_space<hbm>>
      %dma_start3A_219 = tpu.memref_squeeze %dma_start3A_218 : memref<1x10000x64xf32, #tpu.memory_space<hbm>> -> memref<10000x64xf32, #tpu.memory_space<hbm>>
      %dma_start3A_220 = arith.constant 0 : i32
      %dma_start3A_221 = arith.constant 0 : i32
      %dma_start3A_222 = tpu.memref_slice %dma_start3A_219[%dma_start3A_220, %dma_start3A_221] : memref<10000x64xf32, #tpu.memory_space<hbm>> -> memref<10000x64xf32, #tpu.memory_space<hbm>>
      %dma_start3A_223 = tpu.memref_slice %arg10[%dma_start3A_208] : memref<5x!tpu.dma_semaphore, #tpu.memory_space<semaphore_mem>> -> memref<1x!tpu.dma_semaphore, #tpu.memory_space<semaphore_mem>>
      %dma_start3A_224 = tpu.memref_squeeze %dma_start3A_223 : memref<1x!tpu.dma_semaphore, #tpu.memory_space<semaphore_mem>> -> memref<!tpu.dma_semaphore, #tpu.memory_space<semaphore_mem>>
      tpu.enqueue_indirect_dma source(%dma_start3A_222 : memref<10000x64xf32, #tpu.memory_space<hbm>>) target(%dma_start3A_212 : memref<125x64xf32, #tpu.memory_space<vmem>>) offsets(%dma_start3A_215 : memref<125xi32, #tpu.memory_space<vmem>>) semaphore(%dma_start3A_224 : memref<!tpu.dma_semaphore, #tpu.memory_space<semaphore_mem>>)
      %add3A_225 = arith.constant 0 : i32
      %add3A_226 = arith.addi %mul3A_104, %add3A_225 : i32
      %dma_wait3A_227 = arith.constant 0 : i32
      %dma_wait3A_228 = arith.constant 0 : i32
      %dma_wait3A_229 = arith.constant 0 : i32
      %dma_wait3A_230 = arith.constant 0 : i32
      %dma_wait3A_231 = tpu.memref_slice %arg9[%dma_wait3A_227, %dma_wait3A_229, %dma_wait3A_230] : memref<5x125x64xf32, #tpu.memory_space<vmem>> -> memref<1x125x64xf32, #tpu.memory_space<vmem>>
      %dma_wait3A_232 = tpu.memref_squeeze %dma_wait3A_231 : memref<1x125x64xf32, #tpu.memory_space<vmem>> -> memref<125x64xf32, #tpu.memory_space<vmem>>
      %dma_wait3A_233 = arith.constant 0 : i32
      %dma_wait3A_234 = tpu.memref_slice %arg7[%add3A_226, %dma_wait3A_233] : memref<160x125xi32, #tpu.memory_space<vmem>> -> memref<1x125xi32, #tpu.memory_space<vmem>>
      %dma_wait3A_235 = tpu.memref_squeeze %dma_wait3A_234 : memref<1x125xi32, #tpu.memory_space<vmem>> -> memref<125xi32, #tpu.memory_space<vmem>>
      %dma_wait3A_236 = arith.constant 0 : i32
      %dma_wait3A_237 = arith.constant 0 : i32
      %dma_wait3A_238 = tpu.memref_slice %arg2[%arg0, %dma_wait3A_236, %dma_wait3A_237] : memref<2x10000x64xf32, #tpu.memory_space<hbm>> -> memref<1x10000x64xf32, #tpu.memory_space<hbm>>
      %dma_wait3A_239 = tpu.memref_squeeze %dma_wait3A_238 : memref<1x10000x64xf32, #tpu.memory_space<hbm>> -> memref<10000x64xf32, #tpu.memory_space<hbm>>
      %dma_wait3A_240 = arith.constant 0 : i32
      %dma_wait3A_241 = arith.constant 0 : i32
      %dma_wait3A_242 = tpu.memref_slice %dma_wait3A_239[%dma_wait3A_240, %dma_wait3A_241] : memref<10000x64xf32, #tpu.memory_space<hbm>> -> memref<10000x64xf32, #tpu.memory_space<hbm>>
      %dma_wait3A_243 = tpu.memref_slice %arg10[%dma_wait3A_228] : memref<5x!tpu.dma_semaphore, #tpu.memory_space<semaphore_mem>> -> memref<1x!tpu.dma_semaphore, #tpu.memory_space<semaphore_mem>>
      %dma_wait3A_244 = tpu.memref_squeeze %dma_wait3A_243 : memref<1x!tpu.dma_semaphore, #tpu.memory_space<semaphore_mem>> -> memref<!tpu.dma_semaphore, #tpu.memory_space<semaphore_mem>>
      tpu.wait_indirect_dma semaphore(%dma_wait3A_244 : memref<!tpu.dma_semaphore, #tpu.memory_space<semaphore_mem>>) src(%dma_wait3A_242 : memref<10000x64xf32, #tpu.memory_space<hbm>>) dst(%dma_wait3A_232 : memref<125x64xf32, #tpu.memory_space<vmem>>)
      %add3A_245 = arith.constant 0 : i32
      %add3A_246 = arith.addi %mul3A_104, %add3A_245 : i32
      %dma_start3A_247 = arith.constant 0 : i32
      %dma_start3A_248 = arith.constant 0 : i32
      %dma_start3A_249 = arith.constant 0 : i32
      %dma_start3A_250 = arith.constant 0 : i32
      %dma_start3A_251 = tpu.memref_slice %arg9[%dma_start3A_247, %dma_start3A_249, %dma_start3A_250] : memref<5x125x64xf32, #tpu.memory_space<vmem>> -> memref<1x125x64xf32, #tpu.memory_space<vmem>>
      %dma_start3A_252 = tpu.memref_squeeze %dma_start3A_251 : memref<1x125x64xf32, #tpu.memory_space<vmem>> -> memref<125x64xf32, #tpu.memory_space<vmem>>
      %dma_start3A_253 = arith.constant 0 : i32
      %dma_start3A_254 = tpu.memref_slice %arg8[%add3A_246, %dma_start3A_253] : memref<160x125xi32, #tpu.memory_space<vmem>> -> memref<1x125xi32, #tpu.memory_space<vmem>>
      %dma_start3A_255 = tpu.memref_squeeze %dma_start3A_254 : memref<1x125xi32, #tpu.memory_space<vmem>> -> memref<125xi32, #tpu.memory_space<vmem>>
      %dma_start3A_256 = arith.constant 0 : i32
      %dma_start3A_257 = arith.constant 0 : i32
      %dma_start3A_258 = tpu.memref_slice %arg12[%dma_start3A_256, %dma_start3A_257] : memref<10112x64xf32, #tpu.memory_space<vmem_shared>> -> memref<10112x64xf32, #tpu.memory_space<vmem_shared>>
      %dma_start3A_259 = tpu.memref_slice %arg11[%dma_start3A_248] : memref<5x!tpu.dma_semaphore, #tpu.memory_space<semaphore_mem>> -> memref<1x!tpu.dma_semaphore, #tpu.memory_space<semaphore_mem>>
      %dma_start3A_260 = tpu.memref_squeeze %dma_start3A_259 : memref<1x!tpu.dma_semaphore, #tpu.memory_space<semaphore_mem>> -> memref<!tpu.dma_semaphore, #tpu.memory_space<semaphore_mem>>
      tpu.enqueue_indirect_dma source(%dma_start3A_252 : memref<125x64xf32, #tpu.memory_space<vmem>>) target(%dma_start3A_258 : memref<10112x64xf32, #tpu.memory_space<vmem_shared>>) offsets(%dma_start3A_255 : memref<125xi32, #tpu.memory_space<vmem>>) semaphore(%dma_start3A_260 : memref<!tpu.dma_semaphore, #tpu.memory_space<semaphore_mem>>) {add = true}
      %add3A_261 = arith.constant 1 : i32
      %add3A_262 = arith.addi %mul3A_104, %add3A_261 : i32
      %dma_wait3A_263 = arith.constant 1 : i32
      %dma_wait3A_264 = arith.constant 1 : i32
      %dma_wait3A_265 = arith.constant 0 : i32
      %dma_wait3A_266 = arith.constant 0 : i32
      %dma_wait3A_267 = tpu.memref_slice %arg9[%dma_wait3A_263, %dma_wait3A_265, %dma_wait3A_266] : memref<5x125x64xf32, #tpu.memory_space<vmem>> -> memref<1x125x64xf32, #tpu.memory_space<vmem>>
      %dma_wait3A_268 = tpu.memref_squeeze %dma_wait3A_267 : memref<1x125x64xf32, #tpu.memory_space<vmem>> -> memref<125x64xf32, #tpu.memory_space<vmem>>
      %dma_wait3A_269 = arith.constant 0 : i32
      %dma_wait3A_270 = tpu.memref_slice %arg7[%add3A_262, %dma_wait3A_269] : memref<160x125xi32, #tpu.memory_space<vmem>> -> memref<1x125xi32, #tpu.memory_space<vmem>>
      %dma_wait3A_271 = tpu.memref_squeeze %dma_wait3A_270 : memref<1x125xi32, #tpu.memory_space<vmem>> -> memref<125xi32, #tpu.memory_space<vmem>>
      %dma_wait3A_272 = arith.constant 0 : i32
      %dma_wait3A_273 = arith.constant 0 : i32
      %dma_wait3A_274 = tpu.memref_slice %arg2[%arg0, %dma_wait3A_272, %dma_wait3A_273] : memref<2x10000x64xf32, #tpu.memory_space<hbm>> -> memref<1x10000x64xf32, #tpu.memory_space<hbm>>
      %dma_wait3A_275 = tpu.memref_squeeze %dma_wait3A_274 : memref<1x10000x64xf32, #tpu.memory_space<hbm>> -> memref<10000x64xf32, #tpu.memory_space<hbm>>
      %dma_wait3A_276 = arith.constant 0 : i32
      %dma_wait3A_277 = arith.constant 0 : i32
      %dma_wait3A_278 = tpu.memref_slice %dma_wait3A_275[%dma_wait3A_276, %dma_wait3A_277] : memref<10000x64xf32, #tpu.memory_space<hbm>> -> memref<10000x64xf32, #tpu.memory_space<hbm>>
      %dma_wait3A_279 = tpu.memref_slice %arg10[%dma_wait3A_264] : memref<5x!tpu.dma_semaphore, #tpu.memory_space<semaphore_mem>> -> memref<1x!tpu.dma_semaphore, #tpu.memory_space<semaphore_mem>>
      %dma_wait3A_280 = tpu.memref_squeeze %dma_wait3A_279 : memref<1x!tpu.dma_semaphore, #tpu.memory_space<semaphore_mem>> -> memref<!tpu.dma_semaphore, #tpu.memory_space<semaphore_mem>>
      tpu.wait_indirect_dma semaphore(%dma_wait3A_280 : memref<!tpu.dma_semaphore, #tpu.memory_space<semaphore_mem>>) src(%dma_wait3A_278 : memref<10000x64xf32, #tpu.memory_space<hbm>>) dst(%dma_wait3A_268 : memref<125x64xf32, #tpu.memory_space<vmem>>)
      %add3A_281 = arith.constant 1 : i32
      %add3A_282 = arith.addi %mul3A_104, %add3A_281 : i32
      %dma_start3A_283 = arith.constant 1 : i32
      %dma_start3A_284 = arith.constant 1 : i32
      %dma_start3A_285 = arith.constant 0 : i32
      %dma_start3A_286 = arith.constant 0 : i32
      %dma_start3A_287 = tpu.memref_slice %arg9[%dma_start3A_283, %dma_start3A_285, %dma_start3A_286] : memref<5x125x64xf32, #tpu.memory_space<vmem>> -> memref<1x125x64xf32, #tpu.memory_space<vmem>>
      %dma_start3A_288 = tpu.memref_squeeze %dma_start3A_287 : memref<1x125x64xf32, #tpu.memory_space<vmem>> -> memref<125x64xf32, #tpu.memory_space<vmem>>
      %dma_start3A_289 = arith.constant 0 : i32
      %dma_start3A_290 = tpu.memref_slice %arg8[%add3A_282, %dma_start3A_289] : memref<160x125xi32, #tpu.memory_space<vmem>> -> memref<1x125xi32, #tpu.memory_space<vmem>>
      %dma_start3A_291 = tpu.memref_squeeze %dma_start3A_290 : memref<1x125xi32, #tpu.memory_space<vmem>> -> memref<125xi32, #tpu.memory_space<vmem>>
      %dma_start3A_292 = arith.constant 0 : i32
      %dma_start3A_293 = arith.constant 0 : i32
      %dma_start3A_294 = tpu.memref_slice %arg12[%dma_start3A_292, %dma_start3A_293] : memref<10112x64xf32, #tpu.memory_space<vmem_shared>> -> memref<10112x64xf32, #tpu.memory_space<vmem_shared>>
      %dma_start3A_295 = tpu.memref_slice %arg11[%dma_start3A_284] : memref<5x!tpu.dma_semaphore, #tpu.memory_space<semaphore_mem>> -> memref<1x!tpu.dma_semaphore, #tpu.memory_space<semaphore_mem>>
      %dma_start3A_296 = tpu.memref_squeeze %dma_start3A_295 : memref<1x!tpu.dma_semaphore, #tpu.memory_space<semaphore_mem>> -> memref<!tpu.dma_semaphore, #tpu.memory_space<semaphore_mem>>
      tpu.enqueue_indirect_dma source(%dma_start3A_288 : memref<125x64xf32, #tpu.memory_space<vmem>>) target(%dma_start3A_294 : memref<10112x64xf32, #tpu.memory_space<vmem_shared>>) offsets(%dma_start3A_291 : memref<125xi32, #tpu.memory_space<vmem>>) semaphore(%dma_start3A_296 : memref<!tpu.dma_semaphore, #tpu.memory_space<semaphore_mem>>) {add = true}
      %add3A_297 = arith.constant 2 : i32
      %add3A_298 = arith.addi %mul3A_104, %add3A_297 : i32
      %dma_wait3A_299 = arith.constant 2 : i32
      %dma_wait3A_300 = arith.constant 2 : i32
      %dma_wait3A_301 = arith.constant 0 : i32
      %dma_wait3A_302 = arith.constant 0 : i32
      %dma_wait3A_303 = tpu.memref_slice %arg9[%dma_wait3A_299, %dma_wait3A_301, %dma_wait3A_302] : memref<5x125x64xf32, #tpu.memory_space<vmem>> -> memref<1x125x64xf32, #tpu.memory_space<vmem>>
      %dma_wait3A_304 = tpu.memref_squeeze %dma_wait3A_303 : memref<1x125x64xf32, #tpu.memory_space<vmem>> -> memref<125x64xf32, #tpu.memory_space<vmem>>
      %dma_wait3A_305 = arith.constant 0 : i32
      %dma_wait3A_306 = tpu.memref_slice %arg7[%add3A_298, %dma_wait3A_305] : memref<160x125xi32, #tpu.memory_space<vmem>> -> memref<1x125xi32, #tpu.memory_space<vmem>>
      %dma_wait3A_307 = tpu.memref_squeeze %dma_wait3A_306 : memref<1x125xi32, #tpu.memory_space<vmem>> -> memref<125xi32, #tpu.memory_space<vmem>>
      %dma_wait3A_308 = arith.constant 0 : i32
      %dma_wait3A_309 = arith.constant 0 : i32
      %dma_wait3A_310 = tpu.memref_slice %arg2[%arg0, %dma_wait3A_308, %dma_wait3A_309] : memref<2x10000x64xf32, #tpu.memory_space<hbm>> -> memref<1x10000x64xf32, #tpu.memory_space<hbm>>
      %dma_wait3A_311 = tpu.memref_squeeze %dma_wait3A_310 : memref<1x10000x64xf32, #tpu.memory_space<hbm>> -> memref<10000x64xf32, #tpu.memory_space<hbm>>
      %dma_wait3A_312 = arith.constant 0 : i32
      %dma_wait3A_313 = arith.constant 0 : i32
      %dma_wait3A_314 = tpu.memref_slice %dma_wait3A_311[%dma_wait3A_312, %dma_wait3A_313] : memref<10000x64xf32, #tpu.memory_space<hbm>> -> memref<10000x64xf32, #tpu.memory_space<hbm>>
      %dma_wait3A_315 = tpu.memref_slice %arg10[%dma_wait3A_300] : memref<5x!tpu.dma_semaphore, #tpu.memory_space<semaphore_mem>> -> memref<1x!tpu.dma_semaphore, #tpu.memory_space<semaphore_mem>>
      %dma_wait3A_316 = tpu.memref_squeeze %dma_wait3A_315 : memref<1x!tpu.dma_semaphore, #tpu.memory_space<semaphore_mem>> -> memref<!tpu.dma_semaphore, #tpu.memory_space<semaphore_mem>>
      tpu.wait_indirect_dma semaphore(%dma_wait3A_316 : memref<!tpu.dma_semaphore, #tpu.memory_space<semaphore_mem>>) src(%dma_wait3A_314 : memref<10000x64xf32, #tpu.memory_space<hbm>>) dst(%dma_wait3A_304 : memref<125x64xf32, #tpu.memory_space<vmem>>)
      %add3A_317 = arith.constant 2 : i32
      %add3A_318 = arith.addi %mul3A_104, %add3A_317 : i32
      %dma_start3A_319 = arith.constant 2 : i32
      %dma_start3A_320 = arith.constant 2 : i32
      %dma_start3A_321 = arith.constant 0 : i32
      %dma_start3A_322 = arith.constant 0 : i32
      %dma_start3A_323 = tpu.memref_slice %arg9[%dma_start3A_319, %dma_start3A_321, %dma_start3A_322] : memref<5x125x64xf32, #tpu.memory_space<vmem>> -> memref<1x125x64xf32, #tpu.memory_space<vmem>>
      %dma_start3A_324 = tpu.memref_squeeze %dma_start3A_323 : memref<1x125x64xf32, #tpu.memory_space<vmem>> -> memref<125x64xf32, #tpu.memory_space<vmem>>
      %dma_start3A_325 = arith.constant 0 : i32
      %dma_start3A_326 = tpu.memref_slice %arg8[%add3A_318, %dma_start3A_325] : memref<160x125xi32, #tpu.memory_space<vmem>> -> memref<1x125xi32, #tpu.memory_space<vmem>>
      %dma_start3A_327 = tpu.memref_squeeze %dma_start3A_326 : memref<1x125xi32, #tpu.memory_space<vmem>> -> memref<125xi32, #tpu.memory_space<vmem>>
      %dma_start3A_328 = arith.constant 0 : i32
      %dma_start3A_329 = arith.constant 0 : i32
      %dma_start3A_330 = tpu.memref_slice %arg12[%dma_start3A_328, %dma_start3A_329] : memref<10112x64xf32, #tpu.memory_space<vmem_shared>> -> memref<10112x64xf32, #tpu.memory_space<vmem_shared>>
      %dma_start3A_331 = tpu.memref_slice %arg11[%dma_start3A_320] : memref<5x!tpu.dma_semaphore, #tpu.memory_space<semaphore_mem>> -> memref<1x!tpu.dma_semaphore, #tpu.memory_space<semaphore_mem>>
      %dma_start3A_332 = tpu.memref_squeeze %dma_start3A_331 : memref<1x!tpu.dma_semaphore, #tpu.memory_space<semaphore_mem>> -> memref<!tpu.dma_semaphore, #tpu.memory_space<semaphore_mem>>
      tpu.enqueue_indirect_dma source(%dma_start3A_324 : memref<125x64xf32, #tpu.memory_space<vmem>>) target(%dma_start3A_330 : memref<10112x64xf32, #tpu.memory_space<vmem_shared>>) offsets(%dma_start3A_327 : memref<125xi32, #tpu.memory_space<vmem>>) semaphore(%dma_start3A_332 : memref<!tpu.dma_semaphore, #tpu.memory_space<semaphore_mem>>) {add = true}
      %add3A_333 = arith.constant 3 : i32
      %add3A_334 = arith.addi %mul3A_104, %add3A_333 : i32
      %dma_wait3A_335 = arith.constant 3 : i32
      %dma_wait3A_336 = arith.constant 3 : i32
      %dma_wait3A_337 = arith.constant 0 : i32
      %dma_wait3A_338 = arith.constant 0 : i32
      %dma_wait3A_339 = tpu.memref_slice %arg9[%dma_wait3A_335, %dma_wait3A_337, %dma_wait3A_338] : memref<5x125x64xf32, #tpu.memory_space<vmem>> -> memref<1x125x64xf32, #tpu.memory_space<vmem>>
      %dma_wait3A_340 = tpu.memref_squeeze %dma_wait3A_339 : memref<1x125x64xf32, #tpu.memory_space<vmem>> -> memref<125x64xf32, #tpu.memory_space<vmem>>
      %dma_wait3A_341 = arith.constant 0 : i32
      %dma_wait3A_342 = tpu.memref_slice %arg7[%add3A_334, %dma_wait3A_341] : memref<160x125xi32, #tpu.memory_space<vmem>> -> memref<1x125xi32, #tpu.memory_space<vmem>>
      %dma_wait3A_343 = tpu.memref_squeeze %dma_wait3A_342 : memref<1x125xi32, #tpu.memory_space<vmem>> -> memref<125xi32, #tpu.memory_space<vmem>>
      %dma_wait3A_344 = arith.constant 0 : i32
      %dma_wait3A_345 = arith.constant 0 : i32
      %dma_wait3A_346 = tpu.memref_slice %arg2[%arg0, %dma_wait3A_344, %dma_wait3A_345] : memref<2x10000x64xf32, #tpu.memory_space<hbm>> -> memref<1x10000x64xf32, #tpu.memory_space<hbm>>
      %dma_wait3A_347 = tpu.memref_squeeze %dma_wait3A_346 : memref<1x10000x64xf32, #tpu.memory_space<hbm>> -> memref<10000x64xf32, #tpu.memory_space<hbm>>
      %dma_wait3A_348 = arith.constant 0 : i32
      %dma_wait3A_349 = arith.constant 0 : i32
      %dma_wait3A_350 = tpu.memref_slice %dma_wait3A_347[%dma_wait3A_348, %dma_wait3A_349] : memref<10000x64xf32, #tpu.memory_space<hbm>> -> memref<10000x64xf32, #tpu.memory_space<hbm>>
      %dma_wait3A_351 = tpu.memref_slice %arg10[%dma_wait3A_336] : memref<5x!tpu.dma_semaphore, #tpu.memory_space<semaphore_mem>> -> memref<1x!tpu.dma_semaphore, #tpu.memory_space<semaphore_mem>>
      %dma_wait3A_352 = tpu.memref_squeeze %dma_wait3A_351 : memref<1x!tpu.dma_semaphore, #tpu.memory_space<semaphore_mem>> -> memref<!tpu.dma_semaphore, #tpu.memory_space<semaphore_mem>>
      tpu.wait_indirect_dma semaphore(%dma_wait3A_352 : memref<!tpu.dma_semaphore, #tpu.memory_space<semaphore_mem>>) src(%dma_wait3A_350 : memref<10000x64xf32, #tpu.memory_space<hbm>>) dst(%dma_wait3A_340 : memref<125x64xf32, #tpu.memory_space<vmem>>)
      %add3A_353 = arith.constant 3 : i32
      %add3A_354 = arith.addi %mul3A_104, %add3A_353 : i32
      %dma_start3A_355 = arith.constant 3 : i32
      %dma_start3A_356 = arith.constant 3 : i32
      %dma_start3A_357 = arith.constant 0 : i32
      %dma_start3A_358 = arith.constant 0 : i32
      %dma_start3A_359 = tpu.memref_slice %arg9[%dma_start3A_355, %dma_start3A_357, %dma_start3A_358] : memref<5x125x64xf32, #tpu.memory_space<vmem>> -> memref<1x125x64xf32, #tpu.memory_space<vmem>>
      %dma_start3A_360 = tpu.memref_squeeze %dma_start3A_359 : memref<1x125x64xf32, #tpu.memory_space<vmem>> -> memref<125x64xf32, #tpu.memory_space<vmem>>
      %dma_start3A_361 = arith.constant 0 : i32
      %dma_start3A_362 = tpu.memref_slice %arg8[%add3A_354, %dma_start3A_361] : memref<160x125xi32, #tpu.memory_space<vmem>> -> memref<1x125xi32, #tpu.memory_space<vmem>>
      %dma_start3A_363 = tpu.memref_squeeze %dma_start3A_362 : memref<1x125xi32, #tpu.memory_space<vmem>> -> memref<125xi32, #tpu.memory_space<vmem>>
      %dma_start3A_364 = arith.constant 0 : i32
      %dma_start3A_365 = arith.constant 0 : i32
      %dma_start3A_366 = tpu.memref_slice %arg12[%dma_start3A_364, %dma_start3A_365] : memref<10112x64xf32, #tpu.memory_space<vmem_shared>> -> memref<10112x64xf32, #tpu.memory_space<vmem_shared>>
      %dma_start3A_367 = tpu.memref_slice %arg11[%dma_start3A_356] : memref<5x!tpu.dma_semaphore, #tpu.memory_space<semaphore_mem>> -> memref<1x!tpu.dma_semaphore, #tpu.memory_space<semaphore_mem>>
      %dma_start3A_368 = tpu.memref_squeeze %dma_start3A_367 : memref<1x!tpu.dma_semaphore, #tpu.memory_space<semaphore_mem>> -> memref<!tpu.dma_semaphore, #tpu.memory_space<semaphore_mem>>
      tpu.enqueue_indirect_dma source(%dma_start3A_360 : memref<125x64xf32, #tpu.memory_space<vmem>>) target(%dma_start3A_366 : memref<10112x64xf32, #tpu.memory_space<vmem_shared>>) offsets(%dma_start3A_363 : memref<125xi32, #tpu.memory_space<vmem>>) semaphore(%dma_start3A_368 : memref<!tpu.dma_semaphore, #tpu.memory_space<semaphore_mem>>) {add = true}
      %add3A_369 = arith.constant 4 : i32
      %add3A_370 = arith.addi %mul3A_104, %add3A_369 : i32
      %dma_wait3A_371 = arith.constant 4 : i32
      %dma_wait3A_372 = arith.constant 4 : i32
      %dma_wait3A_373 = arith.constant 0 : i32
      %dma_wait3A_374 = arith.constant 0 : i32
      %dma_wait3A_375 = tpu.memref_slice %arg9[%dma_wait3A_371, %dma_wait3A_373, %dma_wait3A_374] : memref<5x125x64xf32, #tpu.memory_space<vmem>> -> memref<1x125x64xf32, #tpu.memory_space<vmem>>
      %dma_wait3A_376 = tpu.memref_squeeze %dma_wait3A_375 : memref<1x125x64xf32, #tpu.memory_space<vmem>> -> memref<125x64xf32, #tpu.memory_space<vmem>>
      %dma_wait3A_377 = arith.constant 0 : i32
      %dma_wait3A_378 = tpu.memref_slice %arg7[%add3A_370, %dma_wait3A_377] : memref<160x125xi32, #tpu.memory_space<vmem>> -> memref<1x125xi32, #tpu.memory_space<vmem>>
      %dma_wait3A_379 = tpu.memref_squeeze %dma_wait3A_378 : memref<1x125xi32, #tpu.memory_space<vmem>> -> memref<125xi32, #tpu.memory_space<vmem>>
      %dma_wait3A_380 = arith.constant 0 : i32
      %dma_wait3A_381 = arith.constant 0 : i32
      %dma_wait3A_382 = tpu.memref_slice %arg2[%arg0, %dma_wait3A_380, %dma_wait3A_381] : memref<2x10000x64xf32, #tpu.memory_space<hbm>> -> memref<1x10000x64xf32, #tpu.memory_space<hbm>>
      %dma_wait3A_383 = tpu.memref_squeeze %dma_wait3A_382 : memref<1x10000x64xf32, #tpu.memory_space<hbm>> -> memref<10000x64xf32, #tpu.memory_space<hbm>>
      %dma_wait3A_384 = arith.constant 0 : i32
      %dma_wait3A_385 = arith.constant 0 : i32
      %dma_wait3A_386 = tpu.memref_slice %dma_wait3A_383[%dma_wait3A_384, %dma_wait3A_385] : memref<10000x64xf32, #tpu.memory_space<hbm>> -> memref<10000x64xf32, #tpu.memory_space<hbm>>
      %dma_wait3A_387 = tpu.memref_slice %arg10[%dma_wait3A_372] : memref<5x!tpu.dma_semaphore, #tpu.memory_space<semaphore_mem>> -> memref<1x!tpu.dma_semaphore, #tpu.memory_space<semaphore_mem>>
      %dma_wait3A_388 = tpu.memref_squeeze %dma_wait3A_387 : memref<1x!tpu.dma_semaphore, #tpu.memory_space<semaphore_mem>> -> memref<!tpu.dma_semaphore, #tpu.memory_space<semaphore_mem>>
      tpu.wait_indirect_dma semaphore(%dma_wait3A_388 : memref<!tpu.dma_semaphore, #tpu.memory_space<semaphore_mem>>) src(%dma_wait3A_386 : memref<10000x64xf32, #tpu.memory_space<hbm>>) dst(%dma_wait3A_376 : memref<125x64xf32, #tpu.memory_space<vmem>>)
      %add3A_389 = arith.constant 4 : i32
      %add3A_390 = arith.addi %mul3A_104, %add3A_389 : i32
      %dma_start3A_391 = arith.constant 4 : i32
      %dma_start3A_392 = arith.constant 4 : i32
      %dma_start3A_393 = arith.constant 0 : i32
      %dma_start3A_394 = arith.constant 0 : i32
      %dma_start3A_395 = tpu.memref_slice %arg9[%dma_start3A_391, %dma_start3A_393, %dma_start3A_394] : memref<5x125x64xf32, #tpu.memory_space<vmem>> -> memref<1x125x64xf32, #tpu.memory_space<vmem>>
      %dma_start3A_396 = tpu.memref_squeeze %dma_start3A_395 : memref<1x125x64xf32, #tpu.memory_space<vmem>> -> memref<125x64xf32, #tpu.memory_space<vmem>>
      %dma_start3A_397 = arith.constant 0 : i32
      %dma_start3A_398 = tpu.memref_slice %arg8[%add3A_390, %dma_start3A_397] : memref<160x125xi32, #tpu.memory_space<vmem>> -> memref<1x125xi32, #tpu.memory_space<vmem>>
      %dma_start3A_399 = tpu.memref_squeeze %dma_start3A_398 : memref<1x125xi32, #tpu.memory_space<vmem>> -> memref<125xi32, #tpu.memory_space<vmem>>
      %dma_start3A_400 = arith.constant 0 : i32
      %dma_start3A_401 = arith.constant 0 : i32
      %dma_start3A_402 = tpu.memref_slice %arg12[%dma_start3A_400, %dma_start3A_401] : memref<10112x64xf32, #tpu.memory_space<vmem_shared>> -> memref<10112x64xf32, #tpu.memory_space<vmem_shared>>
      %dma_start3A_403 = tpu.memref_slice %arg11[%dma_start3A_392] : memref<5x!tpu.dma_semaphore, #tpu.memory_space<semaphore_mem>> -> memref<1x!tpu.dma_semaphore, #tpu.memory_space<semaphore_mem>>
      %dma_start3A_404 = tpu.memref_squeeze %dma_start3A_403 : memref<1x!tpu.dma_semaphore, #tpu.memory_space<semaphore_mem>> -> memref<!tpu.dma_semaphore, #tpu.memory_space<semaphore_mem>>
      tpu.enqueue_indirect_dma source(%dma_start3A_396 : memref<125x64xf32, #tpu.memory_space<vmem>>) target(%dma_start3A_402 : memref<10112x64xf32, #tpu.memory_space<vmem_shared>>) offsets(%dma_start3A_399 : memref<125xi32, #tpu.memory_space<vmem>>) semaphore(%dma_start3A_404 : memref<!tpu.dma_semaphore, #tpu.memory_space<semaphore_mem>>) {add = true}
    }
    %scan3A_7 = arith.constant 32 : i32
    %dma_wait3A = arith.constant 0 : i32
    %dma_wait3A_8 = arith.constant 0 : i32
    %dma_wait3A_9 = arith.constant 0 : i32
    %dma_wait3A_10 = arith.constant 0 : i32
    %dma_wait3A_11 = tpu.memref_slice %arg9[%dma_wait3A, %dma_wait3A_9, %dma_wait3A_10] : memref<5x125x64xf32, #tpu.memory_space<vmem>> -> memref<1x125x64xf32, #tpu.memory_space<vmem>>
    %dma_wait3A_12 = tpu.memref_squeeze %dma_wait3A_11 : memref<1x125x64xf32, #tpu.memory_space<vmem>> -> memref<125x64xf32, #tpu.memory_space<vmem>>
    %dma_wait3A_13 = arith.constant 0 : i32
    %dma_wait3A_14 = arith.constant 0 : i32
    %dma_wait3A_15 = tpu.memref_slice %arg5[%dma_wait3A_13, %dma_wait3A_14] : memref<10112x64xf32, #tpu.memory_space<hbm>> -> memref<125x64xf32, #tpu.memory_space<hbm>>
    %dma_wait3A_16 = tpu.memref_slice %arg11[%dma_wait3A_8] : memref<5x!tpu.dma_semaphore, #tpu.memory_space<semaphore_mem>> -> memref<1x!tpu.dma_semaphore, #tpu.memory_space<semaphore_mem>>
    %dma_wait3A_17 = tpu.memref_squeeze %dma_wait3A_16 : memref<1x!tpu.dma_semaphore, #tpu.memory_space<semaphore_mem>> -> memref<!tpu.dma_semaphore, #tpu.memory_space<semaphore_mem>>
    %dma_wait3A_18 = arith.constant 0 : i32
    %dma_wait3A_19 = arith.constant 0 : i32
    %dma_wait3A_20 = tpu.memref_slice %arg9[%dma_wait3A, %dma_wait3A_18, %dma_wait3A_19] : memref<5x125x64xf32, #tpu.memory_space<vmem>> -> memref<1x125x64xf32, #tpu.memory_space<vmem>>
    %dma_wait3A_21 = tpu.memref_squeeze %dma_wait3A_20 : memref<1x125x64xf32, #tpu.memory_space<vmem>> -> memref<125x64xf32, #tpu.memory_space<vmem>>
    %dma_wait3A_22 = arith.constant 0 : i32
    %dma_wait3A_23 = arith.constant 0 : i32
    %dma_wait3A_24 = tpu.memref_slice %arg5[%dma_wait3A_22, %dma_wait3A_23] : memref<10112x64xf32, #tpu.memory_space<hbm>> -> memref<125x64xf32, #tpu.memory_space<hbm>>
    tpu.wait_dma2 semaphore(%dma_wait3A_17 : memref<!tpu.dma_semaphore, #tpu.memory_space<semaphore_mem>>) src(%dma_wait3A_24 : memref<125x64xf32, #tpu.memory_space<hbm>>) dst(%dma_wait3A_21 : memref<125x64xf32, #tpu.memory_space<vmem>>)
    %dma_wait3A_25 = arith.constant 1 : i32
    %dma_wait3A_26 = arith.constant 1 : i32
    %dma_wait3A_27 = arith.constant 0 : i32
    %dma_wait3A_28 = arith.constant 0 : i32
    %dma_wait3A_29 = tpu.memref_slice %arg9[%dma_wait3A_25, %dma_wait3A_27, %dma_wait3A_28] : memref<5x125x64xf32, #tpu.memory_space<vmem>> -> memref<1x125x64xf32, #tpu.memory_space<vmem>>
    %dma_wait3A_30 = tpu.memref_squeeze %dma_wait3A_29 : memref<1x125x64xf32, #tpu.memory_space<vmem>> -> memref<125x64xf32, #tpu.memory_space<vmem>>
    %dma_wait3A_31 = arith.constant 0 : i32
    %dma_wait3A_32 = arith.constant 0 : i32
    %dma_wait3A_33 = tpu.memref_slice %arg5[%dma_wait3A_31, %dma_wait3A_32] : memref<10112x64xf32, #tpu.memory_space<hbm>> -> memref<125x64xf32, #tpu.memory_space<hbm>>
    %dma_wait3A_34 = tpu.memref_slice %arg11[%dma_wait3A_26] : memref<5x!tpu.dma_semaphore, #tpu.memory_space<semaphore_mem>> -> memref<1x!tpu.dma_semaphore, #tpu.memory_space<semaphore_mem>>
    %dma_wait3A_35 = tpu.memref_squeeze %dma_wait3A_34 : memref<1x!tpu.dma_semaphore, #tpu.memory_space<semaphore_mem>> -> memref<!tpu.dma_semaphore, #tpu.memory_space<semaphore_mem>>
    %dma_wait3A_36 = arith.constant 0 : i32
    %dma_wait3A_37 = arith.constant 0 : i32
    %dma_wait3A_38 = tpu.memref_slice %arg9[%dma_wait3A_25, %dma_wait3A_36, %dma_wait3A_37] : memref<5x125x64xf32, #tpu.memory_space<vmem>> -> memref<1x125x64xf32, #tpu.memory_space<vmem>>
    %dma_wait3A_39 = tpu.memref_squeeze %dma_wait3A_38 : memref<1x125x64xf32, #tpu.memory_space<vmem>> -> memref<125x64xf32, #tpu.memory_space<vmem>>
    %dma_wait3A_40 = arith.constant 0 : i32
    %dma_wait3A_41 = arith.constant 0 : i32
    %dma_wait3A_42 = tpu.memref_slice %arg5[%dma_wait3A_40, %dma_wait3A_41] : memref<10112x64xf32, #tpu.memory_space<hbm>> -> memref<125x64xf32, #tpu.memory_space<hbm>>
    tpu.wait_dma2 semaphore(%dma_wait3A_35 : memref<!tpu.dma_semaphore, #tpu.memory_space<semaphore_mem>>) src(%dma_wait3A_42 : memref<125x64xf32, #tpu.memory_space<hbm>>) dst(%dma_wait3A_39 : memref<125x64xf32, #tpu.memory_space<vmem>>)
    %dma_wait3A_43 = arith.constant 2 : i32
    %dma_wait3A_44 = arith.constant 2 : i32
    %dma_wait3A_45 = arith.constant 0 : i32
    %dma_wait3A_46 = arith.constant 0 : i32
    %dma_wait3A_47 = tpu.memref_slice %arg9[%dma_wait3A_43, %dma_wait3A_45, %dma_wait3A_46] : memref<5x125x64xf32, #tpu.memory_space<vmem>> -> memref<1x125x64xf32, #tpu.memory_space<vmem>>
    %dma_wait3A_48 = tpu.memref_squeeze %dma_wait3A_47 : memref<1x125x64xf32, #tpu.memory_space<vmem>> -> memref<125x64xf32, #tpu.memory_space<vmem>>
    %dma_wait3A_49 = arith.constant 0 : i32
    %dma_wait3A_50 = arith.constant 0 : i32
    %dma_wait3A_51 = tpu.memref_slice %arg5[%dma_wait3A_49, %dma_wait3A_50] : memref<10112x64xf32, #tpu.memory_space<hbm>> -> memref<125x64xf32, #tpu.memory_space<hbm>>
    %dma_wait3A_52 = tpu.memref_slice %arg11[%dma_wait3A_44] : memref<5x!tpu.dma_semaphore, #tpu.memory_space<semaphore_mem>> -> memref<1x!tpu.dma_semaphore, #tpu.memory_space<semaphore_mem>>
    %dma_wait3A_53 = tpu.memref_squeeze %dma_wait3A_52 : memref<1x!tpu.dma_semaphore, #tpu.memory_space<semaphore_mem>> -> memref<!tpu.dma_semaphore, #tpu.memory_space<semaphore_mem>>
    %dma_wait3A_54 = arith.constant 0 : i32
    %dma_wait3A_55 = arith.constant 0 : i32
    %dma_wait3A_56 = tpu.memref_slice %arg9[%dma_wait3A_43, %dma_wait3A_54, %dma_wait3A_55] : memref<5x125x64xf32, #tpu.memory_space<vmem>> -> memref<1x125x64xf32, #tpu.memory_space<vmem>>
    %dma_wait3A_57 = tpu.memref_squeeze %dma_wait3A_56 : memref<1x125x64xf32, #tpu.memory_space<vmem>> -> memref<125x64xf32, #tpu.memory_space<vmem>>
    %dma_wait3A_58 = arith.constant 0 : i32
    %dma_wait3A_59 = arith.constant 0 : i32
    %dma_wait3A_60 = tpu.memref_slice %arg5[%dma_wait3A_58, %dma_wait3A_59] : memref<10112x64xf32, #tpu.memory_space<hbm>> -> memref<125x64xf32, #tpu.memory_space<hbm>>
    tpu.wait_dma2 semaphore(%dma_wait3A_53 : memref<!tpu.dma_semaphore, #tpu.memory_space<semaphore_mem>>) src(%dma_wait3A_60 : memref<125x64xf32, #tpu.memory_space<hbm>>) dst(%dma_wait3A_57 : memref<125x64xf32, #tpu.memory_space<vmem>>)
    %dma_wait3A_61 = arith.constant 3 : i32
    %dma_wait3A_62 = arith.constant 3 : i32
    %dma_wait3A_63 = arith.constant 0 : i32
    %dma_wait3A_64 = arith.constant 0 : i32
    %dma_wait3A_65 = tpu.memref_slice %arg9[%dma_wait3A_61, %dma_wait3A_63, %dma_wait3A_64] : memref<5x125x64xf32, #tpu.memory_space<vmem>> -> memref<1x125x64xf32, #tpu.memory_space<vmem>>
    %dma_wait3A_66 = tpu.memref_squeeze %dma_wait3A_65 : memref<1x125x64xf32, #tpu.memory_space<vmem>> -> memref<125x64xf32, #tpu.memory_space<vmem>>
    %dma_wait3A_67 = arith.constant 0 : i32
    %dma_wait3A_68 = arith.constant 0 : i32
    %dma_wait3A_69 = tpu.memref_slice %arg5[%dma_wait3A_67, %dma_wait3A_68] : memref<10112x64xf32, #tpu.memory_space<hbm>> -> memref<125x64xf32, #tpu.memory_space<hbm>>
    %dma_wait3A_70 = tpu.memref_slice %arg11[%dma_wait3A_62] : memref<5x!tpu.dma_semaphore, #tpu.memory_space<semaphore_mem>> -> memref<1x!tpu.dma_semaphore, #tpu.memory_space<semaphore_mem>>
    %dma_wait3A_71 = tpu.memref_squeeze %dma_wait3A_70 : memref<1x!tpu.dma_semaphore, #tpu.memory_space<semaphore_mem>> -> memref<!tpu.dma_semaphore, #tpu.memory_space<semaphore_mem>>
    %dma_wait3A_72 = arith.constant 0 : i32
    %dma_wait3A_73 = arith.constant 0 : i32
    %dma_wait3A_74 = tpu.memref_slice %arg9[%dma_wait3A_61, %dma_wait3A_72, %dma_wait3A_73] : memref<5x125x64xf32, #tpu.memory_space<vmem>> -> memref<1x125x64xf32, #tpu.memory_space<vmem>>
    %dma_wait3A_75 = tpu.memref_squeeze %dma_wait3A_74 : memref<1x125x64xf32, #tpu.memory_space<vmem>> -> memref<125x64xf32, #tpu.memory_space<vmem>>
    %dma_wait3A_76 = arith.constant 0 : i32
    %dma_wait3A_77 = arith.constant 0 : i32
    %dma_wait3A_78 = tpu.memref_slice %arg5[%dma_wait3A_76, %dma_wait3A_77] : memref<10112x64xf32, #tpu.memory_space<hbm>> -> memref<125x64xf32, #tpu.memory_space<hbm>>
    tpu.wait_dma2 semaphore(%dma_wait3A_71 : memref<!tpu.dma_semaphore, #tpu.memory_space<semaphore_mem>>) src(%dma_wait3A_78 : memref<125x64xf32, #tpu.memory_space<hbm>>) dst(%dma_wait3A_75 : memref<125x64xf32, #tpu.memory_space<vmem>>)
    %dma_wait3A_79 = arith.constant 4 : i32
    %dma_wait3A_80 = arith.constant 4 : i32
    %dma_wait3A_81 = arith.constant 0 : i32
    %dma_wait3A_82 = arith.constant 0 : i32
    %dma_wait3A_83 = tpu.memref_slice %arg9[%dma_wait3A_79, %dma_wait3A_81, %dma_wait3A_82] : memref<5x125x64xf32, #tpu.memory_space<vmem>> -> memref<1x125x64xf32, #tpu.memory_space<vmem>>
    %dma_wait3A_84 = tpu.memref_squeeze %dma_wait3A_83 : memref<1x125x64xf32, #tpu.memory_space<vmem>> -> memref<125x64xf32, #tpu.memory_space<vmem>>
    %dma_wait3A_85 = arith.constant 0 : i32
    %dma_wait3A_86 = arith.constant 0 : i32
    %dma_wait3A_87 = tpu.memref_slice %arg5[%dma_wait3A_85, %dma_wait3A_86] : memref<10112x64xf32, #tpu.memory_space<hbm>> -> memref<125x64xf32, #tpu.memory_space<hbm>>
    %dma_wait3A_88 = tpu.memref_slice %arg11[%dma_wait3A_80] : memref<5x!tpu.dma_semaphore, #tpu.memory_space<semaphore_mem>> -> memref<1x!tpu.dma_semaphore, #tpu.memory_space<semaphore_mem>>
    %dma_wait3A_89 = tpu.memref_squeeze %dma_wait3A_88 : memref<1x!tpu.dma_semaphore, #tpu.memory_space<semaphore_mem>> -> memref<!tpu.dma_semaphore, #tpu.memory_space<semaphore_mem>>
    %dma_wait3A_90 = arith.constant 0 : i32
    %dma_wait3A_91 = arith.constant 0 : i32
    %dma_wait3A_92 = tpu.memref_slice %arg9[%dma_wait3A_79, %dma_wait3A_90, %dma_wait3A_91] : memref<5x125x64xf32, #tpu.memory_space<vmem>> -> memref<1x125x64xf32, #tpu.memory_space<vmem>>
    %dma_wait3A_93 = tpu.memref_squeeze %dma_wait3A_92 : memref<1x125x64xf32, #tpu.memory_space<vmem>> -> memref<125x64xf32, #tpu.memory_space<vmem>>
    %dma_wait3A_94 = arith.constant 0 : i32
    %dma_wait3A_95 = arith.constant 0 : i32
    %dma_wait3A_96 = tpu.memref_slice %arg5[%dma_wait3A_94, %dma_wait3A_95] : memref<10112x64xf32, #tpu.memory_space<hbm>> -> memref<125x64xf32, #tpu.memory_space<hbm>>
    tpu.wait_dma2 semaphore(%dma_wait3A_89 : memref<!tpu.dma_semaphore, #tpu.memory_space<semaphore_mem>>) src(%dma_wait3A_96 : memref<125x64xf32, #tpu.memory_space<hbm>>) dst(%dma_wait3A_93 : memref<125x64xf32, #tpu.memory_space<vmem>>)
    %barrier3A_97 = arith.constant 0 : index
    tpu.barrier barrier_id(%barrier3A_97)
    %mul3A_98 = arith.constant 632 : i32
    %mul3A_99 = arith.muli %arg1, %mul3A_98 : i32
    %mul3A_100 = arith.constant 632 : i32
    %mul3A_101 = arith.muli %arg1, %mul3A_100 : i32
    "tpu.region"() ({
      %run_scoped3A = tpu.sem_alloc : memref<!tpu.dma_semaphore, #tpu.memory_space<semaphore_mem>>
      %dma_start3A = arith.constant 0 : i32
      %dma_start3A_102 = tpu.memref_slice %arg6[%arg0, %mul3A_101, %dma_start3A] : memref<2x10112x64xf32, #tpu.memory_space<hbm>> -> memref<1x632x64xf32, #tpu.memory_space<hbm>>
      %dma_start3A_103 = tpu.memref_squeeze %dma_start3A_102 : memref<1x632x64xf32, #tpu.memory_space<hbm>> -> memref<632x64xf32, #tpu.memory_space<hbm>>
      %dma_start3A_104 = arith.constant 0 : i32
      %dma_start3A_105 = tpu.memref_slice %arg12[%mul3A_99, %dma_start3A_104] : memref<10112x64xf32, #tpu.memory_space<vmem_shared>> -> memref<632x64xf32, #tpu.memory_space<vmem_shared>>
      tpu.enqueue_dma source(%dma_start3A_105 : memref<632x64xf32, #tpu.memory_space<vmem_shared>>) target(%dma_start3A_103 : memref<632x64xf32, #tpu.memory_space<hbm>>) target_semaphore(%run_scoped3A : memref<!tpu.dma_semaphore, #tpu.memory_space<semaphore_mem>>)
      %dma_wait3A_106 = arith.constant 0 : i32
      %dma_wait3A_107 = tpu.memref_slice %arg6[%arg0, %mul3A_101, %dma_wait3A_106] : memref<2x10112x64xf32, #tpu.memory_space<hbm>> -> memref<1x632x64xf32, #tpu.memory_space<hbm>>
      %dma_wait3A_108 = tpu.memref_squeeze %dma_wait3A_107 : memref<1x632x64xf32, #tpu.memory_space<hbm>> -> memref<632x64xf32, #tpu.memory_space<hbm>>
      %dma_wait3A_109 = arith.constant 0 : i32
      %dma_wait3A_110 = tpu.memref_slice %arg12[%mul3A_99, %dma_wait3A_109] : memref<10112x64xf32, #tpu.memory_space<vmem_shared>> -> memref<632x64xf32, #tpu.memory_space<vmem_shared>>
      tpu.wait_dma2 semaphore(%run_scoped3A : memref<!tpu.dma_semaphore, #tpu.memory_space<semaphore_mem>>) src(%dma_wait3A_110 : memref<632x64xf32, #tpu.memory_space<vmem_shared>>) dst(%dma_wait3A_108 : memref<632x64xf32, #tpu.memory_space<hbm>>)
      tpu.yield
    }) : () -> ()
    return
  }
}

module attributes {stable_mosaic.version = 14 : i64} {
  func.func @mm0_body(%arg0: i32, %arg1: memref<2000x128xf32, #tpu.memory_space<vmem>>, %arg2: memref<128x128xf32, #tpu.memory_space<vmem>>, %arg3: memref<2000x128xf32, #tpu.memory_space<vmem>>) attributes {dimension_semantics = [#tpu.dimension_semantics<arbitrary>], iteration_bounds = array<i64: 5>, scalar_prefetch = 0 : i64, scratch_operands = 0 : i64, tpu.core_type = #tpu.core_type<tc>, window_params = [{transform_indices = @transform_0, window_bounds = array<i64: 2000, 128>}, {pipeline_mode = #tpu.pipeline_mode<synchronous>, transform_indices = @transform_1, window_bounds = array<i64: 128, 128>}, {transform_indices = @transform_2, window_bounds = array<i64: 2000, 128>}]} {
    %get3A = arith.constant 0 : index
    %get3A_0 = arith.constant 0 : index
    %get3A_1 = vector.load %arg1[%get3A, %get3A_0] : memref<2000x128xf32, #tpu.memory_space<vmem>>, vector<2000x128xf32>
    %get3A_2 = arith.constant 0 : index
    %get3A_3 = arith.constant 0 : index
    %get3A_4 = vector.load %arg2[%get3A_2, %get3A_3] : memref<128x128xf32, #tpu.memory_space<vmem>>, vector<128x128xf32>
    %dot_general3A = arith.constant dense<0.000000e+00> : vector<2000x128xf32>
    %dot_general3A_5 = tpu.matmul %get3A_1, %get3A_4, %dot_general3A {dimension_numbers = #tpu.dot_dimension_numbers<[1], [0], [0], [1], [0, 0, 1, 1], [], []>, transpose_lhs_hint = false} : vector<2000x128xf32>, vector<128x128xf32>, vector<2000x128xf32> -> vector<2000x128xf32>
    %swap3A = arith.constant 0 : index
    %swap3A_6 = arith.constant 0 : index
    %swap3A_7 = vector.load %arg3[%swap3A, %swap3A_6] : memref<2000x128xf32, #tpu.memory_space<vmem>>, vector<2000x128xf32>
    tpu.vector_store %arg3[%swap3A, %swap3A_6], %dot_general3A_5 {strides = array<i32>} : memref<2000x128xf32, #tpu.memory_space<vmem>>, vector<2000x128xf32>,
    return
  }
  func.func @transform_0(%arg0: i32) -> (i32, i32) {
    %c0_i32 = arith.constant 0 : i32
    %c0_i32_0 = arith.constant 0 : i32
    return %arg0, %c0_i32 : i32, i32
  }
  func.func @transform_1(%arg0: i32) -> (i32, i32) {
    %c0_i32 = arith.constant 0 : i32
    %c0_i32_0 = arith.constant 0 : i32
    %c0_i32_1 = arith.constant 0 : i32
    return %c0_i32, %c0_i32_0 : i32, i32
  }
  func.func @transform_2(%arg0: i32) -> (i32, i32) {
    %c0_i32 = arith.constant 0 : i32
    %c0_i32_0 = arith.constant 0 : i32
    return %arg0, %c0_i32 : i32, i32
  }
}

module attributes {stable_mosaic.version = 14 : i64} {
  func.func @scale_body(%arg0: i32, %arg1: memref<2000x128xf32, #tpu.memory_space<vmem>>, %arg2: memref<2000x4xf32, #tpu.memory_space<vmem>>, %arg3: memref<2x2000x64xf32, #tpu.memory_space<vmem>>, %arg4: memref<2000x1xf32, #tpu.memory_space<vmem>>, %arg5: memref<2000x1xf32, #tpu.memory_space<vmem>>) attributes {dimension_semantics = [#tpu.dimension_semantics<arbitrary>], iteration_bounds = array<i64: 5>, scalar_prefetch = 0 : i64, scratch_operands = 0 : i64, tpu.core_type = #tpu.core_type<tc>, window_params = [{transform_indices = @transform_0, window_bounds = array<i64: 2000, 128>}, {transform_indices = @transform_1, window_bounds = array<i64: 2000, 4>}, {transform_indices = @transform_2, window_bounds = array<i64: 2, 2000, 64>}, {transform_indices = @transform_3, window_bounds = array<i64: 2000, 1>}, {transform_indices = @transform_4, window_bounds = array<i64: 2000, 1>}]} {
    %get3A = arith.constant 0 : index
    %get3A_0 = arith.constant 0 : index
    %get3A_1 = vector.load %arg2[%get3A, %get3A_0] : memref<2000x4xf32, #tpu.memory_space<vmem>>, vector<2000x4xf32>
    %slice3A = vector.extract_strided_slice %get3A_1 {offsets = [0, 0], sizes = [2000, 1], strides = [1, 1]} : vector<2000x4xf32> to vector<2000x1xf32>
    %slice3A_2 = vector.extract_strided_slice %get3A_1 {offsets = [0, 2], sizes = [2000, 1], strides = [1, 1]} : vector<2000x4xf32> to vector<2000x1xf32>
    %add3A = arith.addf %slice3A, %slice3A_2 : vector<2000x1xf32>
    %slice3A_3 = vector.extract_strided_slice %get3A_1 {offsets = [0, 1], sizes = [2000, 1], strides = [1, 1]} : vector<2000x4xf32> to vector<2000x1xf32>
    %slice3A_4 = vector.extract_strided_slice %get3A_1 {offsets = [0, 3], sizes = [2000, 1], strides = [1, 1]} : vector<2000x4xf32> to vector<2000x1xf32>
    %add3A_5 = arith.addf %slice3A_3, %slice3A_4 : vector<2000x1xf32>
    %max3A = arith.constant 1.000000e+00 : f32
    %max3A_6 = vector.broadcast %max3A : f32 to vector<2000x1xf32>
    %max3A_7 = arith.maximumf %add3A, %max3A_6 : vector<2000x1xf32>
    %rsqrt3A = math.rsqrt %max3A_7 : vector<2000x1xf32>
    %max3A_8 = arith.constant 1.000000e+00 : f32
    %max3A_9 = vector.broadcast %max3A_8 : f32 to vector<2000x1xf32>
    %max3A_10 = arith.maximumf %add3A_5, %max3A_9 : vector<2000x1xf32>
    %rsqrt3A_11 = math.rsqrt %max3A_10 : vector<2000x1xf32>
    %get3A_12 = arith.constant 0 : index
    %get3A_13 = arith.constant 0 : index
    %get3A_14 = vector.load %arg1[%get3A_12, %get3A_13] : memref<2000x128xf32, #tpu.memory_space<vmem>>, vector<2000x128xf32>
    %mul3A = vector.broadcast %rsqrt3A : vector<2000x1xf32> to vector<2000x128xf32>
    %mul3A_15 = arith.mulf %get3A_14, %mul3A : vector<2000x128xf32>
    %slice3A_16 = vector.extract_strided_slice %mul3A_15 {offsets = [0, 0], sizes = [2000, 64], strides = [1, 1]} : vector<2000x128xf32> to vector<2000x64xf32>
    %swap3A = arith.constant 0 : index
    %swap3A_17 = arith.constant 0 : index
    %swap3A_18 = arith.constant 0 : index
    %swap3A_19 = vector.load %arg3[%swap3A, %swap3A_17, %swap3A_18] : memref<2x2000x64xf32, #tpu.memory_space<vmem>>, vector<1x2000x64xf32>
    %swap3A_20 = vector.shape_cast %swap3A_19 : vector<1x2000x64xf32> to vector<2000x64xf32>
    %swap3A_21 = vector.shape_cast %slice3A_16 : vector<2000x64xf32> to vector<1x2000x64xf32>
    tpu.vector_store %arg3[%swap3A, %swap3A_17, %swap3A_18], %swap3A_21 {strides = array<i32>} : memref<2x2000x64xf32, #tpu.memory_space<vmem>>, vector<1x2000x64xf32>,
    %slice3A_22 = vector.extract_strided_slice %mul3A_15 {offsets = [0, 64], sizes = [2000, 64], strides = [1, 1]} : vector<2000x128xf32> to vector<2000x64xf32>
    %swap3A_23 = arith.constant 1 : index
    %swap3A_24 = arith.constant 0 : index
    %swap3A_25 = arith.constant 0 : index
    %swap3A_26 = vector.load %arg3[%swap3A_23, %swap3A_24, %swap3A_25] : memref<2x2000x64xf32, #tpu.memory_space<vmem>>, vector<1x2000x64xf32>
    %swap3A_27 = vector.shape_cast %swap3A_26 : vector<1x2000x64xf32> to vector<2000x64xf32>
    %swap3A_28 = vector.shape_cast %slice3A_22 : vector<2000x64xf32> to vector<1x2000x64xf32>
    tpu.vector_store %arg3[%swap3A_23, %swap3A_24, %swap3A_25], %swap3A_28 {strides = array<i32>} : memref<2x2000x64xf32, #tpu.memory_space<vmem>>, vector<1x2000x64xf32>,
    %swap3A_29 = arith.constant 0 : index
    %swap3A_30 = arith.constant 0 : index
    %swap3A_31 = vector.load %arg4[%swap3A_29, %swap3A_30] : memref<2000x1xf32, #tpu.memory_space<vmem>>, vector<2000x1xf32>
    tpu.vector_store %arg4[%swap3A_29, %swap3A_30], %rsqrt3A_11 {strides = array<i32>} : memref<2000x1xf32, #tpu.memory_space<vmem>>, vector<2000x1xf32>,
    %swap3A_32 = arith.constant 0 : index
    %swap3A_33 = arith.constant 0 : index
    %swap3A_34 = vector.load %arg5[%swap3A_32, %swap3A_33] : memref<2000x1xf32, #tpu.memory_space<vmem>>, vector<2000x1xf32>
    tpu.vector_store %arg5[%swap3A_32, %swap3A_33], %rsqrt3A {strides = array<i32>} : memref<2000x1xf32, #tpu.memory_space<vmem>>, vector<2000x1xf32>,
    return
  }
  func.func @transform_0(%arg0: i32) -> (i32, i32) {
    %c0_i32 = arith.constant 0 : i32
    %c0_i32_0 = arith.constant 0 : i32
    return %arg0, %c0_i32 : i32, i32
  }
  func.func @transform_1(%arg0: i32) -> (i32, i32) {
    %c0_i32 = arith.constant 0 : i32
    %c0_i32_0 = arith.constant 0 : i32
    return %arg0, %c0_i32 : i32, i32
  }
  func.func @transform_2(%arg0: i32) -> (i32, i32, i32) {
    %c0_i32 = arith.constant 0 : i32
    %c0_i32_0 = arith.constant 0 : i32
    %c0_i32_1 = arith.constant 0 : i32
    return %c0_i32, %arg0, %c0_i32_0 : i32, i32, i32
  }
  func.func @transform_3(%arg0: i32) -> (i32, i32) {
    %c0_i32 = arith.constant 0 : i32
    %c0_i32_0 = arith.constant 0 : i32
    return %arg0, %c0_i32 : i32, i32
  }
  func.func @transform_4(%arg0: i32) -> (i32, i32) {
    %c0_i32 = arith.constant 0 : i32
    %c0_i32_0 = arith.constant 0 : i32
    return %arg0, %c0_i32 : i32, i32
  }
}

module attributes {stable_mosaic.version = 14 : i64} {
  func.func @mid_body(%arg0: i32, %arg1: memref<2x2000x64xf32, #tpu.memory_space<vmem>>, %arg2: memref<2000x1xf32, #tpu.memory_space<vmem>>, %arg3: memref<2000x1xf32, #tpu.memory_space<vmem>>, %arg4: memref<128x128xf32, #tpu.memory_space<vmem>>, %arg5: memref<1x128xf32, #tpu.memory_space<vmem>>, %arg6: memref<2x2000x64xf32, #tpu.memory_space<vmem>>) attributes {dimension_semantics = [#tpu.dimension_semantics<arbitrary>], iteration_bounds = array<i64: 5>, scalar_prefetch = 0 : i64, scratch_operands = 0 : i64, tpu.core_type = #tpu.core_type<tc>, window_params = [{transform_indices = @transform_0, window_bounds = array<i64: 2, 2000, 64>}, {transform_indices = @transform_1, window_bounds = array<i64: 2000, 1>}, {transform_indices = @transform_2, window_bounds = array<i64: 2000, 1>}, {pipeline_mode = #tpu.pipeline_mode<synchronous>, transform_indices = @transform_3, window_bounds = array<i64: 128, 128>}, {pipeline_mode = #tpu.pipeline_mode<synchronous>, transform_indices = @transform_4, window_bounds = array<i64: 1, 128>}, {transform_indices = @transform_5, window_bounds = array<i64: 2, 2000, 64>}]} {
    %get3A = arith.constant 0 : index
    %get3A_0 = arith.constant 0 : index
    %get3A_1 = arith.constant 0 : index
    %get3A_2 = vector.load %arg1[%get3A, %get3A_0, %get3A_1] : memref<2x2000x64xf32, #tpu.memory_space<vmem>>, vector<1x2000x64xf32>
    %get3A_3 = vector.shape_cast %get3A_2 : vector<1x2000x64xf32> to vector<2000x64xf32>
    %get3A_4 = arith.constant 1 : index
    %get3A_5 = arith.constant 0 : index
    %get3A_6 = arith.constant 0 : index
    %get3A_7 = vector.load %arg1[%get3A_4, %get3A_5, %get3A_6] : memref<2x2000x64xf32, #tpu.memory_space<vmem>>, vector<1x2000x64xf32>
    %get3A_8 = vector.shape_cast %get3A_7 : vector<1x2000x64xf32> to vector<2000x64xf32>
    %concatenate3A = tpu.concatenate %get3A_3, %get3A_8 in 1 : vector<2000x64xf32>, vector<2000x64xf32> -> vector<2000x128xf32>
    %get3A_9 = arith.constant 0 : index
    %get3A_10 = arith.constant 0 : index
    %get3A_11 = vector.load %arg2[%get3A_9, %get3A_10] : memref<2000x1xf32, #tpu.memory_space<vmem>>, vector<2000x1xf32>
    %mul3A = vector.broadcast %get3A_11 : vector<2000x1xf32> to vector<2000x128xf32>
    %mul3A_12 = arith.mulf %concatenate3A, %mul3A : vector<2000x128xf32>
    %get3A_13 = arith.constant 0 : index
    %get3A_14 = arith.constant 0 : index
    %get3A_15 = vector.load %arg5[%get3A_13, %get3A_14] : memref<1x128xf32, #tpu.memory_space<vmem>>, vector<1x128xf32>
    %add3A = vector.broadcast %get3A_15 : vector<1x128xf32> to vector<2000x128xf32>
    %add3A_16 = arith.addf %mul3A_12, %add3A : vector<2000x128xf32>
    %max3A = arith.constant 0.000000e+00 : f32
    %max3A_17 = vector.broadcast %max3A : f32 to vector<2000x128xf32>
    %max3A_18 = arith.maximumf %add3A_16, %max3A_17 : vector<2000x128xf32>
    %get3A_19 = arith.constant 0 : index
    %get3A_20 = arith.constant 0 : index
    %get3A_21 = vector.load %arg4[%get3A_19, %get3A_20] : memref<128x128xf32, #tpu.memory_space<vmem>>, vector<128x128xf32>
    %dot_general3A = arith.constant dense<0.000000e+00> : vector<2000x128xf32>
    %dot_general3A_22 = tpu.matmul %max3A_18, %get3A_21, %dot_general3A {dimension_numbers = #tpu.dot_dimension_numbers<[1], [0], [0], [1], [0, 0, 1, 1], [], []>, transpose_lhs_hint = false} : vector<2000x128xf32>, vector<128x128xf32>, vector<2000x128xf32> -> vector<2000x128xf32>
    %get3A_23 = arith.constant 0 : index
    %get3A_24 = arith.constant 0 : index
    %get3A_25 = vector.load %arg3[%get3A_23, %get3A_24] : memref<2000x1xf32, #tpu.memory_space<vmem>>, vector<2000x1xf32>
    %mul3A_26 = vector.broadcast %get3A_25 : vector<2000x1xf32> to vector<2000x128xf32>
    %mul3A_27 = arith.mulf %dot_general3A_22, %mul3A_26 : vector<2000x128xf32>
    %slice3A = vector.extract_strided_slice %mul3A_27 {offsets = [0, 0], sizes = [2000, 64], strides = [1, 1]} : vector<2000x128xf32> to vector<2000x64xf32>
    %swap3A = arith.constant 0 : index
    %swap3A_28 = arith.constant 0 : index
    %swap3A_29 = arith.constant 0 : index
    %swap3A_30 = vector.load %arg6[%swap3A, %swap3A_28, %swap3A_29] : memref<2x2000x64xf32, #tpu.memory_space<vmem>>, vector<1x2000x64xf32>
    %swap3A_31 = vector.shape_cast %swap3A_30 : vector<1x2000x64xf32> to vector<2000x64xf32>
    %swap3A_32 = vector.shape_cast %slice3A : vector<2000x64xf32> to vector<1x2000x64xf32>
    tpu.vector_store %arg6[%swap3A, %swap3A_28, %swap3A_29], %swap3A_32 {strides = array<i32>} : memref<2x2000x64xf32, #tpu.memory_space<vmem>>, vector<1x2000x64xf32>,
    %slice3A_33 = vector.extract_strided_slice %mul3A_27 {offsets = [0, 64], sizes = [2000, 64], strides = [1, 1]} : vector<2000x128xf32> to vector<2000x64xf32>
    %swap3A_34 = arith.constant 1 : index
    %swap3A_35 = arith.constant 0 : index
    %swap3A_36 = arith.constant 0 : index
    %swap3A_37 = vector.load %arg6[%swap3A_34, %swap3A_35, %swap3A_36] : memref<2x2000x64xf32, #tpu.memory_space<vmem>>, vector<1x2000x64xf32>
    %swap3A_38 = vector.shape_cast %swap3A_37 : vector<1x2000x64xf32> to vector<2000x64xf32>
    %swap3A_39 = vector.shape_cast %slice3A_33 : vector<2000x64xf32> to vector<1x2000x64xf32>
    tpu.vector_store %arg6[%swap3A_34, %swap3A_35, %swap3A_36], %swap3A_39 {strides = array<i32>} : memref<2x2000x64xf32, #tpu.memory_space<vmem>>, vector<1x2000x64xf32>,
    return
  }
  func.func @transform_0(%arg0: i32) -> (i32, i32, i32) {
    %c0_i32 = arith.constant 0 : i32
    %c0_i32_0 = arith.constant 0 : i32
    %c0_i32_1 = arith.constant 0 : i32
    return %c0_i32, %arg0, %c0_i32_0 : i32, i32, i32
  }
  func.func @transform_1(%arg0: i32) -> (i32, i32) {
    %c0_i32 = arith.constant 0 : i32
    %c0_i32_0 = arith.constant 0 : i32
    return %arg0, %c0_i32 : i32, i32
  }
  func.func @transform_2(%arg0: i32) -> (i32, i32) {
    %c0_i32 = arith.constant 0 : i32
    %c0_i32_0 = arith.constant 0 : i32
    return %arg0, %c0_i32 : i32, i32
  }
  func.func @transform_3(%arg0: i32) -> (i32, i32) {
    %c0_i32 = arith.constant 0 : i32
    %c0_i32_0 = arith.constant 0 : i32
    %c0_i32_1 = arith.constant 0 : i32
    return %c0_i32, %c0_i32_0 : i32, i32
  }
  func.func @transform_4(%arg0: i32) -> (i32, i32) {
    %c0_i32 = arith.constant 0 : i32
    %c0_i32_0 = arith.constant 0 : i32
    %c0_i32_1 = arith.constant 0 : i32
    return %c0_i32, %c0_i32_0 : i32, i32
  }
  func.func @transform_5(%arg0: i32) -> (i32, i32, i32) {
    %c0_i32 = arith.constant 0 : i32
    %c0_i32_0 = arith.constant 0 : i32
    %c0_i32_1 = arith.constant 0 : i32
    return %c0_i32, %arg0, %c0_i32_0 : i32, i32, i32
  }
}

module attributes {stable_mosaic.version = 14 : i64} {
  func.func @fin_body(%arg0: i32, %arg1: memref<2x2000x64xf32, #tpu.memory_space<vmem>>, %arg2: memref<2000x1xf32, #tpu.memory_space<vmem>>, %arg3: memref<1x128xf32, #tpu.memory_space<vmem>>, %arg4: memref<2000x128xf32, #tpu.memory_space<vmem>>) attributes {dimension_semantics = [#tpu.dimension_semantics<arbitrary>], iteration_bounds = array<i64: 5>, scalar_prefetch = 0 : i64, scratch_operands = 0 : i64, tpu.core_type = #tpu.core_type<tc>, window_params = [{transform_indices = @transform_0, window_bounds = array<i64: 2, 2000, 64>}, {transform_indices = @transform_1, window_bounds = array<i64: 2000, 1>}, {pipeline_mode = #tpu.pipeline_mode<synchronous>, transform_indices = @transform_2, window_bounds = array<i64: 1, 128>}, {transform_indices = @transform_3, window_bounds = array<i64: 2000, 128>}]} {
    %get3A = arith.constant 0 : index
    %get3A_0 = arith.constant 0 : index
    %get3A_1 = arith.constant 0 : index
    %get3A_2 = vector.load %arg1[%get3A, %get3A_0, %get3A_1] : memref<2x2000x64xf32, #tpu.memory_space<vmem>>, vector<1x2000x64xf32>
    %get3A_3 = vector.shape_cast %get3A_2 : vector<1x2000x64xf32> to vector<2000x64xf32>
    %get3A_4 = arith.constant 1 : index
    %get3A_5 = arith.constant 0 : index
    %get3A_6 = arith.constant 0 : index
    %get3A_7 = vector.load %arg1[%get3A_4, %get3A_5, %get3A_6] : memref<2x2000x64xf32, #tpu.memory_space<vmem>>, vector<1x2000x64xf32>
    %get3A_8 = vector.shape_cast %get3A_7 : vector<1x2000x64xf32> to vector<2000x64xf32>
    %concatenate3A = tpu.concatenate %get3A_3, %get3A_8 in 1 : vector<2000x64xf32>, vector<2000x64xf32> -> vector<2000x128xf32>
    %get3A_9 = arith.constant 0 : index
    %get3A_10 = arith.constant 0 : index
    %get3A_11 = vector.load %arg2[%get3A_9, %get3A_10] : memref<2000x1xf32, #tpu.memory_space<vmem>>, vector<2000x1xf32>
    %mul3A = vector.broadcast %get3A_11 : vector<2000x1xf32> to vector<2000x128xf32>
    %mul3A_12 = arith.mulf %concatenate3A, %mul3A : vector<2000x128xf32>
    %get3A_13 = arith.constant 0 : index
    %get3A_14 = arith.constant 0 : index
    %get3A_15 = vector.load %arg3[%get3A_13, %get3A_14] : memref<1x128xf32, #tpu.memory_space<vmem>>, vector<1x128xf32>
    %add3A = vector.broadcast %get3A_15 : vector<1x128xf32> to vector<2000x128xf32>
    %add3A_16 = arith.addf %mul3A_12, %add3A : vector<2000x128xf32>
    %max3A = arith.constant 0.000000e+00 : f32
    %max3A_17 = vector.broadcast %max3A : f32 to vector<2000x128xf32>
    %max3A_18 = arith.maximumf %add3A_16, %max3A_17 : vector<2000x128xf32>
    %swap3A = arith.constant 0 : index
    %swap3A_19 = arith.constant 0 : index
    %swap3A_20 = vector.load %arg4[%swap3A, %swap3A_19] : memref<2000x128xf32, #tpu.memory_space<vmem>>, vector<2000x128xf32>
    tpu.vector_store %arg4[%swap3A, %swap3A_19], %max3A_18 {strides = array<i32>} : memref<2000x128xf32, #tpu.memory_space<vmem>>, vector<2000x128xf32>,
    return
  }
  func.func @transform_0(%arg0: i32) -> (i32, i32, i32) {
    %c0_i32 = arith.constant 0 : i32
    %c0_i32_0 = arith.constant 0 : i32
    %c0_i32_1 = arith.constant 0 : i32
    return %c0_i32, %arg0, %c0_i32_0 : i32, i32, i32
  }
  func.func @transform_1(%arg0: i32) -> (i32, i32) {
    %c0_i32 = arith.constant 0 : i32
    %c0_i32_0 = arith.constant 0 : i32
    return %arg0, %c0_i32 : i32, i32
  }
  func.func @transform_2(%arg0: i32) -> (i32, i32) {
    %c0_i32 = arith.constant 0 : i32
    %c0_i32_0 = arith.constant 0 : i32
    %c0_i32_1 = arith.constant 0 : i32
    return %c0_i32, %c0_i32_0 : i32, i32
  }
  func.func @transform_3(%arg0: i32) -> (i32, i32) {
    %c0_i32 = arith.constant 0 : i32
    %c0_i32_0 = arith.constant 0 : i32
    return %arg0, %c0_i32 : i32, i32
  }
}

</mosaic_0001>

<sc_bundles>
// kernel: kernel.12.cloned.1.call-start
scs
__scs_entry_jumppad:
0x0: {  	(pc) =	sbr.rel $0x88, $3  }
0x1: {  	(tag) =	ssettag $0x0;
	lr =	simm.s32 $0x1  }
0x2: {  	[smem:$0x3F9B] =	sst lr;
	_ =	strace $0xD0000000  }
0x3: {  	_ = 	snop  }
0x4: {  	_ = 	snop  }
0x5: {  	_ = 	snop  }
0x6: {  	_ = 	snop  }
0x7: {  	_ = 	snop  }
__scs_overlays_trampoline_lowered:
0x8: {  	[smem:$0x3FAA] =	sst s0  }
0x9: {  	[smem:$0x3FAB] =	sst s1  }
0xa: {  	[smem:$0x3FAC] =	sst s2  }
0xb: {  	[smem:$0x3FAD] =	sst s3  }
0xc: {  	[smem:$0x3FAE] =	sst s4  }
0xd: {  	[smem:$0x3FAF] =	sst s5  }
0xe: {  	[smem:$0x3FB0] =	sst s6  }
0xf: {  	[smem:$0x3FB1] =	sst s7  }
0x10: {  	[smem:$0x3FB2] =	sst s8  }
0x11: {  	[smem:$0x3FB3] =	sst s9;
	s0 =	simm.s32 @!p0 $0x0  }
0x12: {  	s1 =	sld [smem:$0x3F99];
	s0 =	simm.s32 @p0 $0x1  }
0x13: {  	[smem:$0x3FB4] =	sst s0;
	s0 =	simm.s32 @!p1 $0x0  }
0x14: {  	s2 =	sld [smem:$0x3F98];
	s0 =	simm.s32 @p1 $0x1  }
0x15: {  	[smem:$0x3FB5] =	sst s0;
	s0 =	simm.s32 @!p2 $0x0  }
0x16: {  	s3 =	sld [smem:$0x3FDB];
	s0 =	simm.s32 @p2 $0x1  }
0x17: {  	s4 =	simm.s32 $0x1BF5;
	[smem:$0x3FB7] =	sst s0  }
0x18: {  	s0 =	sld [smem:$0x3F9A];
	_ =	swait.ge [sflag:s4], $0x0  }
0x19: {  	s7 =	sld [smem:$0x3F9B]  }
0x1a: {  	s8 =	sadd.s32 $0xFFFFE003, lr  }
0x1b: {  	s9 =	sadd.s32 $0xFFFFFEF7, lr;
	s5 =	simm.s32 $0xFFFFFFFF;
	p2 =	slt.u32 s8, $0xFFFFF086  }
0x1c: {  	p1 =	slt.u32 s9, $0xF7A;
	s5 =	simm.s32 @!p2 $0x0  }
0x1d: {  	s5 =	simm.s32 @p1 $0x1;
	p0 =	seq.s32 s7, s2  }
0x1e: {  	s7 =	smul.u32 @!p0 $0xF7A, s2;
	p2 =	seq.s32 @!p0 s5, $0x0  }
0x1f: {  	s9 =	smul.u32 $0xF7A, s1;
	s8 =	simm.s32 @!p0 $0x1BF5;
	p2 =	por !p2, p0  }
0x20: {  	[sflag:s8] =	ssyncset.s32 @!p0 $0xFFFFF086;
	s6 =	sadd.s32 @!p0 s3, s7;
	s7 =	simm.s32 @!p0 $0x108  }
0x21: {  	s3 =	sadd.s32 s3, s9;
	s6 =	sadd.s32 @!p0 $0x88, s6;
	s7 =	simm.s32 @p2 $0x1082  }
0x22: {  	[simem:s7], [sflag:s8] =	dma.local @!p0 [hbm:s6], $0xF7A  }
0x23: {  	s9 =	sor.u32 $0xD0000000, s2;
	s6 =	simm.s32 $0x108;
	_ =	swait.ge @!p0 [sflag:s8], $0x0  }
0x24: {  	s3 =	sadd.s32 $0x88, s3;
	s6 =	simm.s32 @!p1 $0x1082;
	[sflag:s4] =	ssyncset.s32 $0xFFFFF086  }
0x25: {  	[simem:s6], [sflag:s4] =	dma.local [hbm:s3], $0xF7A  }
0x26: {  	[smem:$0x3F9B] =	sst s1;
	(tag) =	ssettag s2;
	_ =	strace s9  }
0x27: {  	s1 =	sld [smem:$0x3FAB]  }
0x28: {  	s2 =	sld [smem:$0x3FAC]  }
0x29: {  	s4 =	sld [smem:$0x3FAE]  }
0x2a: {  	p0 =	seq.s32 s5, $0x0;
	s5 =	sld [smem:$0x3FAF]  }
0x2b: {  	s6 =	sld [smem:$0x3FB0]  }
0x2c: {  	s7 =	sld [smem:$0x3FB1]  }
0x2d: {  	s3 =	simm.s32 $0x108;
	s8 =	sld [smem:$0x3FB2]  }
0x2e: {  	s3 =	simm.s32 @!p0 $0x1082;
	s9 =	sld [smem:$0x3FB3]  }
0x2f: {  	lr =	sadd.s32 s0, s3;
	s0 =	sld [smem:$0x3FAA]  }
0x30: {  	s3 =	sld [smem:$0x3FAD]  }
0x31: {  	[smem:$0x3FB6] =	sst s10  }
0x32: {  	s10 =	sld [smem:$0x3FB4];
	_ =	sdelay $0x3  }
0x33: {  	p0 =	seq.s32 s10, $0x1;
	s10 =	sld [smem:$0x3FB6];
	_ =	sdelay $0x3  }
0x34: {  	[smem:$0x3FB6] =	sst s10  }
0x35: {  	s10 =	sld [smem:$0x3FB5];
	_ =	sdelay $0x3  }
0x36: {  	p1 =	seq.s32 s10, $0x1;
	s10 =	sld [smem:$0x3FB6];
	_ =	sdelay $0x3  }
0x37: {  	[smem:$0x3FB6] =	sst s10  }
0x38: {  	s10 =	sld [smem:$0x3FB7]  }
0x39: {  	_ = 	snop;
	(pc) =	sbr.ind lr, $3  }
0x3a: {  	_ = 	snop  }
0x3b: {  	_ = 	snop  }
0x3c: {  	p2 =	seq.s32 s10, $0x1;
	s10 =	sld [smem:$0x3FB6]  }
0x3d: {  	_ =	shalt  }
0x3e: {  	_ =	shalt  }
0x3f: {  	_ =	shalt  }
0x40: {  	_ =	shalt  }
0x41: {  	_ =	shalt  }
0x42: {  	_ =	shalt  }
0x43: {  	_ =	shalt  }
0x44: {  	_ =	shalt  }
0x45: {  	_ =	shalt  }
0x46: {  	_ =	shalt  }
0x47: {  	_ =	shalt  }
0x48: {  	_ =	shalt  }
0x49: {  	_ =	shalt  }
0x4a: {  	_ =	shalt  }
0x4b: {  	_ =	shalt  }
0x4c: {  	_ =	shalt  }
0x4d: {  	_ =	shalt  }
0x4e: {  	_ =	shalt  }
0x4f: {  	_ =	shalt  }
0x50: {  	_ =	shalt  }
0x51: {  	_ =	shalt  }
0x52: {  	_ =	shalt  }
0x53: {  	_ =	shalt  }
0x54: {  	_ =	shalt  }
0x55: {  	_ =	shalt  }
0x56: {  	_ =	shalt  }
0x57: {  	_ =	shalt  }
0x58: {  	_ =	shalt  }
0x59: {  	_ =	shalt  }
0x5a: {  	_ =	shalt  }
0x5b: {  	_ =	shalt  }
0x5c: {  	_ =	shalt  }
0x5d: {  	_ =	shalt  }
0x5e: {  	_ =	shalt  }
0x5f: {  	_ =	shalt  }
0x60: {  	_ =	shalt  }
0x61: {  	_ =	shalt  }
0x62: {  	_ =	shalt  }
0x63: {  	_ =	shalt  }
0x64: {  	_ =	shalt  }
0x65: {  	_ =	shalt  }
0x66: {  	_ =	shalt  }
0x67: {  	_ =	shalt  }
0x68: {  	_ =	shalt  }
0x69: {  	_ =	shalt  }
0x6a: {  	_ =	shalt  }
0x6b: {  	_ =	shalt  }
0x6c: {  	_ =	shalt  }
0x6d: {  	_ =	shalt  }
0x6e: {  	_ =	shalt  }
0x6f: {  	_ =	shalt  }
0x70: {  	_ =	shalt  }
0x71: {  	_ =	shalt  }
0x72: {  	_ =	shalt  }
0x73: {  	_ =	shalt  }
0x74: {  	_ =	shalt  }
0x75: {  	_ =	shalt  }
0x76: {  	_ =	shalt  }
0x77: {  	_ =	shalt  }
0x78: {  	_ =	shalt  }
0x79: {  	_ =	shalt  }
0x7a: {  	_ =	shalt  }
0x7b: {  	_ =	shalt  }
0x7c: {  	_ =	shalt  }
0x7d: {  	_ =	shalt  }
0x7e: {  	_ =	shalt  }
0x7f: {  	_ =	shalt  }
0x80: {  	_ =	shalt  }
0x81: {  	_ =	shalt  }
0x82: {  	_ =	shalt  }
0x83: {  	_ =	shalt  }
0x84: {  	_ =	shalt  }
0x85: {  	_ =	shalt  }
0x86: {  	_ =	shalt  }
0x87: {  	_ =	shalt  }
.Lfunc_end0:
.L_simem_size_0:
called_computation.1_lowered:
.L_overlay_start_0:
0x88: {  	s2 =	sld [smem:$0x3FD9]  }
0x89: {  	s3 =	sld [smem:$0x3FFE];
	_ =	sdelay $0x1  }
0x8a: {  	s1 =	srdreg.scid  }
0x8b: {  	s0 =	sand.u32 $0x1, s1  }
0x8c: {  	s17 =	sshll.u32 s0, $0xA;
	s2 =	sadd.s32 s3, s2  }
0x8d: {  	s2 =	sadd.s32 s2, s17  }
0x8e: {  	[smem:$0x3FC2] =	sst s2  }
0x8f: {  	_ = 	snop  }
0x90: {  	s2 =	sld [smem:$0x3FD0];
	(tm) =	ssettm $0x1  }
0x91: {  	s18 =	sld [smem:$0x3FFB];
	_ =	sdelay $0x3  }
0x92: {  	_ =	strace s18  }
0x93: {  	s3 =	sld [smem:$0x3FFC];
	_ =	sdelay $0x3  }
0x94: {  	_ =	strace s3  }
0x95: {  	s3 =	sld [smem:$0x3FFD];
	_ =	sdelay $0x3  }
0x96: {  	_ =	strace s3  }
0x97: {  	_ =	strace $0x8FFFFFFF  }
0x98: {  	s19 =	sld [smem:$0x3FDB];
	_ =	sdelay $0x1  }
0x99: {  	s4 =	simm.s32 $_scs_section_size  }
0x9a: {  	s5 =	simm.s32 $_size__tile_overlayer_lowered;
	s6 =	simm.s32 $_tile_overlayer_lowered  }
0x9b: {  	s22 =	simm.s32 $0x1BFF;
	s21 =	sshll.u32 s6, $0x1;
	s3 =	sadd.s32 s4, s19  }
0x9c: {  	s7 =	simm.s32 $0x0;
	s20 =	sshll.u32 s5, $0x1;
	s5 =	sadd.s32 s21, s3  }
0x9d: {  	[timem:s7], [sflag:s22] =	dma.local [hbm:s5], s20  }
0x9e: {  	_ =	swait.ge [sflag:s22], s20  }
0x9f: {  	s4 =	ssub.s32 $0x0, s20;
	[sflag:s22] =	ssyncset.done $0x0  }
0xa0: {  	[sflag:s22] =	ssyncadd.s32 s4;
	_ =	sdelay $0x1  }
0xa1: {  	s23 =	simm.s32 $0x1B8B  }
0xa2: {  	_ =	swait.ge [sflag:s23], $0x1  }
0xa3: {  	[sflag:s23] =	ssyncset.done $0x0  }
0xa4: {  	s25 =	simm.s32 $0x1B8E;
	s24 =	sld [smem:$0x3FFE];
	[sflag:s23] =	ssyncadd.s32 $0xFFFFFFFF  }
0xa5: {  	s26 =	simm.s32 $execute0_lowered;
	[smem:$0x3FD2] =	sst s25  }
0xa6: {  	s5 =	sshll.u32 s26, $0x1;
	_ =	strace $0x80000049;
	[dreg:$0x1] =	wrdreg $0xFFFFFFFF  }
0xa7: {  	s28 =	simm.s32 $_size_execute0_lowered;
	s3 =	sadd.s32 s3, s5;
	[dreg:$0x0] =	wrdreg $0x0  }
0xa8: {  	s5 =	sshll.u32 s28, $0x1;
	[dreg:$0x2] =	wrdreg s3  }
0xa9: {  	[dreg:$0x3] =	wrdreg s5  }
0xaa: {  	[dreg:$0x4] =	wrdreg $0xC0  }
0xab: {  	_ =	task [dreg:s7], $0x5FFFF  }
0xac: {  	[dreg:$0x1] =	wrdreg $0xFFFFFFFF  }
0xad: {  	[dreg:$0x0] =	wrdreg $0x60  }
0xae: {  	[dreg:$0x2] =	wrdreg s2  }
0xaf: {  	[dreg:$0x3] =	wrdreg s24  }
0xb0: {  	[dreg:$0x4] =	wrdreg $0x13C400  }
0xb1: {  	[dreg:$0x5] =	wrdreg $0x9  }
0xb2: {  	_ =	task.clear_ibuf [dreg:s7], $0x6FFFF;
	_ =	strace $0x90000049  }
0xb3: {  	s29 =	simm.s32 $0x9;
	_ =	strace $0x8000004B  }
0xb4: {  	_ =	swait.ge [sflag:s29], $0x1  }
0xb5: {  	[sflag:s29] =	ssyncadd.s32 $0xFFFFFFFF  }
0xb6: {  	_ =	strace $0x9000004B  }
0xb7: {  	_ =	sfence  }
0xb8: {  	s30 =	sld [smem:$0x0];
	_ =	sdelay $0x2  }
0xb9: {  	s31 =	sshll.u32 s1, $0xD;
	s1 =	sshrl.u32 s1, $0x2  }
0xba: {  	s3 =	sand.u32 $0x4000, s31;
	s1 =	sadd.s32 s1, s30  }
0xbb: {  	s0 =	sor.u32 s3, s0;
	s1 =	sshll.u32 s1, $0x11  }
0xbc: {  	s0 =	sor.u32 s1, s0  }
0xbd: {  	s0 =	sadd.s32 $0x8F2B, s0  }
0xbe: {  	[sflag:s0] =	ssyncadd.remote.s32 $0x1  }
0xbf: {  	_ =	sfence.sel $0xFFFF  }
0xc0: {  	[dreg:$0x0] =	wrdreg $0xFFFFFFFF;
	(pc) =	sbr.abs _section_cstart, $3  }
0xc1: {  	[dreg:$0x1] =	wrdreg $0xFFFFFFFF  }
0xc2: {  	_ =	task.clear_ibuf [dreg:s7], $0x2FFFF;
	_ =	strace $0x9FFFFFFF  }
0xc3: {  	(tm) =	ssettm $0x7FFFFFFF  }
tec
execute0_lowered:
.L_overlay_start_1:
0x0: {  	(tag) =	ssettag $0x1  }
0x1: {  	s0 =	rddreg [dreg:$0x0]  }
0x2: {  	s1 =	rddreg [dreg:$0x1]  }
0x3: {  	s11 =	stileid.u32;
	s3 =	srdreg.scid  }
0x4: {  	s2 =	rddreg [dreg:$0x2];
	s13 =	simm.s32 $0x5000;
	s14 =	simm.s32 $0x7D  }
0x5: {  	s15 =	simm.s32 $0xA000;
	s17 =	simm.s32 $0xBF40;
	s19 =	simm.s32 $0xDE80  }
0x6: {  	s21 =	simm.s32 $0xFDC0;
	s28 =	simm.s32 $0x3;
	s30 =	simm.s32 $0x4  }
0x7: {  	s16 =	simm.s32 $0x6;
	s18 =	simm.s32 $0x7;
	s4 =	smul.u32 $0xA00, s11  }
0x8: {  	s20 =	simm.s32 $0x8;
	s29 =	simm.s32 $0x0;
	s5 =	smul.u32 $0x9E00, s11  }
0x9: {  	s6 =	sand.u32 $0x1, s3;
	s3 =	simm.s32 $0x0;
	s25 =	sshll.u32 s11, $0x6  }
0xa: {  	s7 =	smul.u32 $0x9E000, s6;
	[smem:$0x7FF] =	sst s3;
	s9 =	ssub.s32 $0x2, s6  }
0xb: {  	s26 =	smul.u32 $0x13880, s6;
	_ =	strace $0x8000004A;
	s8 =	sadd.s32 s4, s1  }
0xc: {  	s23 =	sshrl.u32 s5, $0x3;
	s24 =	sshrl.u32 s9, $0x1;
	s12 =	sadd.s32 s5, s2  }
0xd: {  	s22 =	sadd.s32 s5, s7;
	s7 =	sadd.s32 s23, s1;
	s10 =	ssub.s32 s9, s24  }
0xe: {  	s5 =	sor.u32 $0x1C0B, s25;
	s6 =	sadd.s32 $0xB600, s8;
	s11 =	sshrl.u32 s12, $0x3  }
0xf: {  	s12 =	simm.s32 $0xB;
	s23 =	simm.s32 $0x11D00;
	s24 =	simm.s32 $0x1  }
0x10: {  	s25 =	simm.s32 $0x2;
	s4 =	sshrl.u32 s22, $0x3;
	s31 =	sadd.s32 $0x15600, s7  }
0x11: {  	s7 =	sadd.s32 $0x1600, s8;
	s8 =	sadd.s32 s0, s26;
	s10 =	smax.u32 s10, $0x1  }
0x12: {  	s22 =	simm.s32 $0x9;
	s26 =	simm.s32 $0xA;
	s1 =	sadd.s32 s4, s1  }
0x13: {  	[dreg:$0x4] =	wrdreg s31;
	s9 =	sadd.s32 $0x29200, s1;
	s1 =	simm.s32 $0x5  }
.LBB2_1:
0x14: {  	s0 =	rddreg [dreg:$0x4]  }
0x15: {  	[spmem:s11], [sflag:s5] =	dma.local [hbm:s0], $0x13C0  }
0x16: {  	_ =	swait.ge [sflag:s12], $0x13C0  }
0x17: {  	[sflag:s12] =	ssyncset.done $0x0  }
0x18: {  	[sflag:s12] =	ssyncadd.s32 $0xFFFFEC40  }
0x19: {  	[tilespmem:s3], [sflag:$0xB] =	stream.linear.gather [hbm4b:s6+s3], $0x5000, $0x38;
	[tilespmem:$0x1DA40] =	vst v63  }
0x1a: {  	_ =	swait.ge [sflag:s12], $0x5000  }
0x1b: {  	[sflag:s12] =	ssyncset.done $0x0  }
0x1c: {  	[sflag:s12] =	ssyncadd.s32 $0xFFFFB000  }
0x1d: {  	[tilespmem:s13], [sflag:$0xB] =	stream.linear.gather [hbm4b:s7+s3], $0x5000, $0x38;
	[tilespmem:$0x1DA40] =	vst v63  }
0x1e: {  	_ =	swait.ge [sflag:s12], $0x5000  }
0x1f: {  	[sflag:s12] =	ssyncset.done $0x0  }
0x20: {  	[sflag:s12] =	ssyncadd.s32 $0xFFFFB000  }
0x21: {  	[bflag:$0x0] =	sbarrier.arrive $0xFFFF  }
0x22: {  	[tilespmem:s15], [sflag:$0x1] =	stream.indirect.gather [hbm4b:s8+s14], $0x40, s3, s14, $0xb8;
	[tilespmem:$0x1DA40] =	vst v63  }
0x23: {  	s4 =	simm.s32 $0x80  }
0x24: {  	[tilespmem:s17], [sflag:$0x2] =	stream.indirect.gather [hbm4b:s8+s14], $0x40, s4, s14, $0xb8;
	[tilespmem:$0x1DA40] =	vst v63  }
0x25: {  	s4 =	simm.s32 $0x100  }
0x26: {  	[tilespmem:s19], [sflag:$0x3] =	stream.indirect.gather [hbm4b:s8+s14], $0x40, s4, s14, $0xb8;
	[tilespmem:$0x1DA40] =	vst v63  }
0x27: {  	s4 =	simm.s32 $0x180  }
0x28: {  	[tilespmem:s21], [sflag:$0x4] =	stream.indirect.gather [hbm4b:s8+s14], $0x40, s4, s14, $0xb8;
	[tilespmem:$0x1DA40] =	vst v63  }
0x29: {  	s4 =	simm.s32 $0x200  }
0x2a: {  	[tilespmem:s23], [sflag:$0x5] =	stream.indirect.gather [hbm4b:s8+s14], $0x40, s4, s14, $0xb8;
	[tilespmem:$0x1DA40] =	vst v63  }
0x2b: {  	_ =	swait.ge [sflag:s24], $0x1F40  }
0x2c: {  	[sflag:s24] =	ssyncset.done $0x0  }
0x2d: {  	[sflag:s24] =	ssyncadd.s32 $0xFFFFE0C0  }
0x2e: {  	[spmem:s2] =	stream.indirect.scatter.add.f32 [tilespmem:s15], [sflag:$0x6], $0x40, s13, s14, $0xb8;
	[tilespmem:$0x1DA40] =	vst v63  }
0x2f: {  	_ =	swait.ge [sflag:s25], $0x1F40  }
0x30: {  	[sflag:s25] =	ssyncset.done $0x0  }
0x31: {  	s4 =	simm.s32 $0x5080;
	[sflag:s25] =	ssyncadd.s32 $0xFFFFE0C0  }
0x32: {  	[spmem:s2] =	stream.indirect.scatter.add.f32 [tilespmem:s17], [sflag:$0x7], $0x40, s4, s14, $0xb8;
	[tilespmem:$0x1DA40] =	vst v63  }
0x33: {  	_ =	swait.ge [sflag:s28], $0x1F40  }
0x34: {  	[sflag:s28] =	ssyncset.done $0x0  }
0x35: {  	s4 =	simm.s32 $0x5100;
	[sflag:s28] =	ssyncadd.s32 $0xFFFFE0C0  }
0x36: {  	[spmem:s2] =	stream.indirect.scatter.add.f32 [tilespmem:s19], [sflag:$0x8], $0x40, s4, s14, $0xb8;
	[tilespmem:$0x1DA40] =	vst v63  }
0x37: {  	_ =	swait.ge [sflag:s30], $0x1F40  }
0x38: {  	[sflag:s30] =	ssyncset.done $0x0  }
0x39: {  	s4 =	simm.s32 $0x5180;
	[sflag:s30] =	ssyncadd.s32 $0xFFFFE0C0  }
0x3a: {  	[spmem:s2] =	stream.indirect.scatter.add.f32 [tilespmem:s21], [sflag:$0x9], $0x40, s4, s14, $0xb8;
	[tilespmem:$0x1DA40] =	vst v63  }
0x3b: {  	_ =	swait.ge [sflag:s1], $0x1F40  }
0x3c: {  	[sflag:s1] =	ssyncset.done $0x0  }
0x3d: {  	s4 =	simm.s32 $0x5200;
	[sflag:s1] =	ssyncadd.s32 $0xFFFFE0C0  }
0x3e: {  	[spmem:s2] =	stream.indirect.scatter.add.f32 [tilespmem:s23], [sflag:$0xA], $0x40, s4, s14, $0xb8;
	[tilespmem:$0x1DA40] =	vst v63  }
0x3f: {  	_ =	swait.ge [sflag:s16], $0x1F40  }
0x40: {  	[sflag:s16] =	ssyncset.done $0x0  }
0x41: {  	s4 =	simm.s32 $0x280;
	[sflag:s16] =	ssyncadd.s32 $0xFFFFE0C0  }
0x42: {  	[tilespmem:s15], [sflag:$0x1] =	stream.indirect.gather [hbm4b:s8+s14], $0x40, s4, s14, $0xb8;
	[tilespmem:$0x1DA40] =	vst v63  }
0x43: {  	_ =	swait.ge [sflag:s18], $0x1F40  }
0x44: {  	[sflag:s18] =	ssyncset.done $0x0  }
0x45: {  	s4 =	simm.s32 $0x300;
	[sflag:s18] =	ssyncadd.s32 $0xFFFFE0C0  }
0x46: {  	[tilespmem:s17], [sflag:$0x2] =	stream.indirect.gather [hbm4b:s8+s14], $0x40, s4, s14, $0xb8;
	[tilespmem:$0x1DA40] =	vst v63  }
0x47: {  	_ =	swait.ge [sflag:s20], $0x1F40  }
0x48: {  	[sflag:s20] =	ssyncset.done $0x0  }
0x49: {  	s4 =	simm.s32 $0x380;
	[sflag:s20] =	ssyncadd.s32 $0xFFFFE0C0  }
0x4a: {  	[tilespmem:s19], [sflag:$0x3] =	stream.indirect.gather [hbm4b:s8+s14], $0x40, s4, s14, $0xb8;
	[tilespmem:$0x1DA40] =	vst v63  }
0x4b: {  	_ =	swait.ge [sflag:s22], $0x1F40  }
0x4c: {  	[sflag:s22] =	ssyncset.done $0x0  }
0x4d: {  	s4 =	simm.s32 $0x400;
	[sflag:s22] =	ssyncadd.s32 $0xFFFFE0C0  }
0x4e: {  	[tilespmem:s21], [sflag:$0x4] =	stream.indirect.gather [hbm4b:s8+s14], $0x40, s4, s14, $0xb8;
	[tilespmem:$0x1DA40] =	vst v63  }
0x4f: {  	_ =	swait.ge [sflag:s26], $0x1F40  }
0x50: {  	[sflag:s26] =	ssyncset.done $0x0  }
0x51: {  	s4 =	simm.s32 $0x480;
	[sflag:s26] =	ssyncadd.s32 $0xFFFFE0C0  }
0x52: {  	[tilespmem:s23], [sflag:$0x5] =	stream.indirect.gather [hbm4b:s8+s14], $0x40, s4, s14, $0xb8;
	[tilespmem:$0x1DA40] =	vst v63  }
0x53: {  	_ =	swait.ge [sflag:s24], $0x1F40  }
0x54: {  	[sflag:s24] =	ssyncset.done $0x0  }
0x55: {  	s4 =	simm.s32 $0x5280;
	[sflag:s24] =	ssyncadd.s32 $0xFFFFE0C0  }
0x56: {  	[spmem:s2] =	stream.indirect.scatter.add.f32 [tilespmem:s15], [sflag:$0x6], $0x40, s4, s14, $0xb8;
	[tilespmem:$0x1DA40] =	vst v63  }
0x57: {  	_ =	swait.ge [sflag:s25], $0x1F40  }
0x58: {  	[sflag:s25] =	ssyncset.done $0x0  }
0x59: {  	s4 =	simm.s32 $0x5300;
	[sflag:s25] =	ssyncadd.s32 $0xFFFFE0C0  }
0x5a: {  	[spmem:s2] =	stream.indirect.scatter.add.f32 [tilespmem:s17], [sflag:$0x7], $0x40, s4, s14, $0xb8;
	[tilespmem:$0x1DA40] =	vst v63  }
0x5b: {  	_ =	swait.ge [sflag:s28], $0x1F40  }
0x5c: {  	[sflag:s28] =	ssyncset.done $0x0  }
0x5d: {  	s4 =	simm.s32 $0x5380;
	[sflag:s28] =	ssyncadd.s32 $0xFFFFE0C0  }
0x5e: {  	[spmem:s2] =	stream.indirect.scatter.add.f32 [tilespmem:s19], [sflag:$0x8], $0x40, s4, s14, $0xb8;
	[tilespmem:$0x1DA40] =	vst v63  }
0x5f: {  	_ =	swait.ge [sflag:s30], $0x1F40  }
0x60: {  	[sflag:s30] =	ssyncset.done $0x0  }
0x61: {  	s4 =	simm.s32 $0x5400;
	[sflag:s30] =	ssyncadd.s32 $0xFFFFE0C0  }
0x62: {  	[spmem:s2] =	stream.indirect.scatter.add.f32 [tilespmem:s21], [sflag:$0x9], $0x40, s4, s14, $0xb8;
	[tilespmem:$0x1DA40] =	vst v63  }
0x63: {  	_ =	swait.ge [sflag:s1], $0x1F40  }
0x64: {  	[sflag:s1] =	ssyncset.done $0x0  }
0x65: {  	s31 =	simm.s32 $0xA00;
	s0 =	simm.s32 $0x5480;
	[sflag:s1] =	ssyncadd.s32 $0xFFFFE0C0  }
.LBB2_2:
0x66: {  	[spmem:s2] =	stream.indirect.scatter.add.f32 [tilespmem:s23], [sflag:$0xA], $0x40, s0, s14, $0xb8;
	[tilespmem:$0x1DA40] =	vst v63  }
0x67: {  	s0 =	smov.u32 s31  }
0x68: {  	p0 =	sne.s32 s31, $0x12C00;
	s31 =	sadd.s32 $0xA00, s31;
	_ =	swait.ge [sflag:s16], $0x1F40  }
0x69: {  	s0 =	sshra.s32 s0, $0x2;
	[sflag:s16] =	ssyncset.done $0x0  }
0x6a: {  	s4 =	sadd.s32 $0x280, s0;
	[sflag:s16] =	ssyncadd.s32 $0xFFFFE0C0  }
0x6b: {  	[tilespmem:s15], [sflag:$0x1] =	stream.indirect.gather [hbm4b:s8+s14], $0x40, s4, s14, $0xb8;
	[tilespmem:$0x1DA40] =	vst v63  }
0x6c: {  	_ =	swait.ge [sflag:s18], $0x1F40  }
0x6d: {  	[sflag:s18] =	ssyncset.done $0x0  }
0x6e: {  	s4 =	sadd.s32 $0x300, s0;
	[sflag:s18] =	ssyncadd.s32 $0xFFFFE0C0  }
0x6f: {  	[tilespmem:s17], [sflag:$0x2] =	stream.indirect.gather [hbm4b:s8+s14], $0x40, s4, s14, $0xb8;
	[tilespmem:$0x1DA40] =	vst v63  }
0x70: {  	_ =	swait.ge [sflag:s20], $0x1F40  }
0x71: {  	[sflag:s20] =	ssyncset.done $0x0  }
0x72: {  	s4 =	sadd.s32 $0x380, s0;
	[sflag:s20] =	ssyncadd.s32 $0xFFFFE0C0  }
0x73: {  	[tilespmem:s19], [sflag:$0x3] =	stream.indirect.gather [hbm4b:s8+s14], $0x40, s4, s14, $0xb8;
	[tilespmem:$0x1DA40] =	vst v63  }
0x74: {  	_ =	swait.ge [sflag:s22], $0x1F40  }
0x75: {  	[sflag:s22] =	ssyncset.done $0x0  }
0x76: {  	s4 =	sadd.s32 $0x400, s0;
	[sflag:s22] =	ssyncadd.s32 $0xFFFFE0C0  }
0x77: {  	[tilespmem:s21], [sflag:$0x4] =	stream.indirect.gather [hbm4b:s8+s14], $0x40, s4, s14, $0xb8;
	[tilespmem:$0x1DA40] =	vst v63  }
0x78: {  	_ =	swait.ge [sflag:s26], $0x1F40  }
0x79: {  	[sflag:s26] =	ssyncset.done $0x0  }
0x7a: {  	s4 =	sadd.s32 $0x480, s0;
	[sflag:s26] =	ssyncadd.s32 $0xFFFFE0C0  }
0x7b: {  	[tilespmem:s23], [sflag:$0x5] =	stream.indirect.gather [hbm4b:s8+s14], $0x40, s4, s14, $0xb8;
	[tilespmem:$0x1DA40] =	vst v63  }
0x7c: {  	_ =	swait.ge [sflag:s24], $0x1F40  }
0x7d: {  	[sflag:s24] =	ssyncset.done $0x0  }
0x7e: {  	s4 =	sadd.s32 $0x5280, s0;
	[sflag:s24] =	ssyncadd.s32 $0xFFFFE0C0  }
0x7f: {  	[spmem:s2] =	stream.indirect.scatter.add.f32 [tilespmem:s15], [sflag:$0x6], $0x40, s4, s14, $0xb8;
	[tilespmem:$0x1DA40] =	vst v63  }
0x80: {  	_ =	swait.ge [sflag:s25], $0x1F40  }
0x81: {  	[sflag:s25] =	ssyncset.done $0x0  }
0x82: {  	s4 =	sadd.s32 $0x5300, s0;
	[sflag:s25] =	ssyncadd.s32 $0xFFFFE0C0  }
0x83: {  	[spmem:s2] =	stream.indirect.scatter.add.f32 [tilespmem:s17], [sflag:$0x7], $0x40, s4, s14, $0xb8;
	[tilespmem:$0x1DA40] =	vst v63  }
0x84: {  	_ =	swait.ge [sflag:s28], $0x1F40  }
0x85: {  	[sflag:s28] =	ssyncset.done $0x0  }
0x86: {  	s4 =	sadd.s32 $0x5380, s0;
	[sflag:s28] =	ssyncadd.s32 $0xFFFFE0C0  }
0x87: {  	[spmem:s2] =	stream.indirect.scatter.add.f32 [tilespmem:s19], [sflag:$0x8], $0x40, s4, s14, $0xb8;
	[tilespmem:$0x1DA40] =	vst v63  }
0x88: {  	_ =	swait.ge [sflag:s30], $0x1F40  }
0x89: {  	[sflag:s30] =	ssyncset.done $0x0  }
.Ltmp0:
0x8a: {  	s4 =	sadd.s32 $0x5400, s0;
	[sflag:s30] =	ssyncadd.s32 $0xFFFFE0C0;
	(pc) =	sbr.rel @p0 .LBB2_2-.Ltmp0, $4  }
0x8b: {  	[spmem:s2] =	stream.indirect.scatter.add.f32 [tilespmem:s21], [sflag:$0x9], $0x40, s4, s14, $0xb8;
	[tilespmem:$0x1DA40] =	vst v63  }
0x8c: {  	_ =	swait.ge [sflag:s1], $0x1F40  }
0x8d: {  	[sflag:s1] =	ssyncset.done $0x0  }
0x8e: {  	s0 =	sadd.s32 $0x5480, s0;
	[sflag:s1] =	ssyncadd.s32 $0xFFFFE0C0  }
0x8f: {  	[spmem:s2] =	stream.indirect.scatter.add.f32 [tilespmem:s23], [sflag:$0xA], $0x40, s0, s14, $0xb8;
	[tilespmem:$0x1DA40] =	vst v63  }
0x90: {  	_ =	swait.ge [sflag:s16], $0x1F40  }
0x91: {  	[sflag:s16] =	ssyncset.done $0x0  }
0x92: {  	[sflag:s16] =	ssyncadd.s32 $0xFFFFE0C0  }
0x93: {  	_ =	swait.ge [sflag:s18], $0x1F40  }
0x94: {  	[sflag:s18] =	ssyncset.done $0x0  }
0x95: {  	[sflag:s18] =	ssyncadd.s32 $0xFFFFE0C0  }
0x96: {  	_ =	swait.ge [sflag:s20], $0x1F40  }
0x97: {  	[sflag:s20] =	ssyncset.done $0x0  }
0x98: {  	[sflag:s20] =	ssyncadd.s32 $0xFFFFE0C0  }
0x99: {  	_ =	swait.ge [sflag:s22], $0x1F40  }
0x9a: {  	[sflag:s22] =	ssyncset.done $0x0  }
0x9b: {  	[sflag:s22] =	ssyncadd.s32 $0xFFFFE0C0  }
0x9c: {  	_ =	swait.ge [sflag:s26], $0x1F40  }
0x9d: {  	s29 =	sadd.s32 $0x1, s29;
	[sflag:s26] =	ssyncset.done $0x0  }
0x9e: {  	p0 =	sne.s32 s29, s10;
	[sflag:s26] =	ssyncadd.s32 $0xFFFFE0C0  }
.Ltmp1:
0x9f: {  	[bflag:$0x0] =	sbarrier.arrive $0xFFFF;
	(pc) =	sbr.rel @p0 .LBB2_1-.Ltmp1, $4  }
0xa0: {  	[hbm:s9], [sflag:s5] =	dma.local [spmem:s11], $0x13C0  }
0xa1: {  	_ =	swait.ge [sflag:s12], $0x13C0  }
0xa2: {  	[sflag:s12] =	ssyncset.done $0x0  }
0xa3: {  	[sflag:s12] =	ssyncadd.s32 $0xFFFFEC40  }
0xa4: {  	_ =	sfence.sel $0x180000  }
0xa5: {  	[bflag:$0x0] =	sbarrier.arrive $0xFFFF  }
0xa6: {  	_ =	strace $0x9000004A  }
0xa7: {  	s0 =	stileid.u32;
	[bflag:$0x2] =	sbarrier.arrive $0xFFFF  }
0xa8: {  	p0 =	sne.s32 s0, $0x0;
	s0 =	rddreg [dreg:$0x3]  }
0xa9: {  	s0 =	sadd.s32 @!p0 $0x100000, s0  }
0xaa: {  	[sflag:s0] =	ssyncadd.tile.s32 @!p0 $0x1;
	_ =	shalt  }
.Lfunc_end2:
_tile_overlayer_lowered:
.L_overlay_start_2:
0xab: {  	(tag) =	ssettag $0x2  }
0xac: {  	s0 =	rddreg [dreg:$0x0];
	s2 =	stileid.u32  }
0xad: {  	s1 =	rddreg [dreg:$0x1];
	p0 =	sne.s32 s2, $0x0  }
0xae: {  	s3 =	rddreg [dreg:$0x2];
	[bflag:$0x3] =	sbarrier.arrive $0xFFFF;
	s2 =	simm.s32 @!p0 $0x1C0B  }
0xaf: {  	[timem:s3], [sflag:s2] =	dma.local @!p0 [hbm:s0], s1  }
0xb0: {  	s0 =	simm.s32 @!p0 $0xB  }
0xb1: {  	_ =	swait.ge @!p0 [sflag:s0], s1  }
0xb2: {  	s1 =	ssub.s32 @!p0 $0x0, s1;
	[sflag:s0] =	ssyncset.done @!p0 $0x0  }
0xb3: {  	[sflag:s0] =	ssyncadd.s32 @!p0 s1  }
0xb4: {  	[bflag:$0x3] =	sbarrier.arrive $0xFFFF  }
0xb5: {  	_ =	shalt  }

// kernel: kernel.15.cloned.1.call-start
scs
__scs_entry_jumppad:
0x0: {  	(pc) =	sbr.rel $0x88, $3  }
0x1: {  	(tag) =	ssettag $0x0;
	lr =	simm.s32 $0x1  }
0x2: {  	[smem:$0x3F9B] =	sst lr;
	_ =	strace $0xD0000000  }
0x3: {  	_ = 	snop  }
0x4: {  	_ = 	snop  }
0x5: {  	_ = 	snop  }
0x6: {  	_ = 	snop  }
0x7: {  	_ = 	snop  }
__scs_overlays_trampoline_lowered:
0x8: {  	[smem:$0x3FAA] =	sst s0  }
0x9: {  	[smem:$0x3FAB] =	sst s1  }
0xa: {  	[smem:$0x3FAC] =	sst s2  }
0xb: {  	[smem:$0x3FAD] =	sst s3  }
0xc: {  	[smem:$0x3FAE] =	sst s4  }
0xd: {  	[smem:$0x3FAF] =	sst s5  }
0xe: {  	[smem:$0x3FB0] =	sst s6  }
0xf: {  	[smem:$0x3FB1] =	sst s7  }
0x10: {  	[smem:$0x3FB2] =	sst s8  }
0x11: {  	[smem:$0x3FB3] =	sst s9;
	s0 =	simm.s32 @!p0 $0x0  }
0x12: {  	s1 =	sld [smem:$0x3F99];
	s0 =	simm.s32 @p0 $0x1  }
0x13: {  	[smem:$0x3FB4] =	sst s0;
	s0 =	simm.s32 @!p1 $0x0  }
0x14: {  	s2 =	sld [smem:$0x3F98];
	s0 =	simm.s32 @p1 $0x1  }
0x15: {  	[smem:$0x3FB5] =	sst s0;
	s0 =	simm.s32 @!p2 $0x0  }
0x16: {  	s3 =	sld [smem:$0x3FDB];
	s0 =	simm.s32 @p2 $0x1  }
0x17: {  	s4 =	simm.s32 $0x1BF5;
	[smem:$0x3FB7] =	sst s0  }
0x18: {  	s0 =	sld [smem:$0x3F9A];
	_ =	swait.ge [sflag:s4], $0x0  }
0x19: {  	s7 =	sld [smem:$0x3F9B]  }
0x1a: {  	s8 =	sadd.s32 $0xFFFFE003, lr  }
0x1b: {  	s9 =	sadd.s32 $0xFFFFFEF7, lr;
	s5 =	simm.s32 $0xFFFFFFFF;
	p2 =	slt.u32 s8, $0xFFFFF086  }
0x1c: {  	p1 =	slt.u32 s9, $0xF7A;
	s5 =	simm.s32 @!p2 $0x0  }
0x1d: {  	s5 =	simm.s32 @p1 $0x1;
	p0 =	seq.s32 s7, s2  }
0x1e: {  	s7 =	smul.u32 @!p0 $0xF7A, s2;
	p2 =	seq.s32 @!p0 s5, $0x0  }
0x1f: {  	s9 =	smul.u32 $0xF7A, s1;
	s8 =	simm.s32 @!p0 $0x1BF5;
	p2 =	por !p2, p0  }
0x20: {  	[sflag:s8] =	ssyncset.s32 @!p0 $0xFFFFF086;
	s6 =	sadd.s32 @!p0 s3, s7;
	s7 =	simm.s32 @!p0 $0x108  }
0x21: {  	s3 =	sadd.s32 s3, s9;
	s6 =	sadd.s32 @!p0 $0x88, s6;
	s7 =	simm.s32 @p2 $0x1082  }
0x22: {  	[simem:s7], [sflag:s8] =	dma.local @!p0 [hbm:s6], $0xF7A  }
0x23: {  	s9 =	sor.u32 $0xD0000000, s2;
	s6 =	simm.s32 $0x108;
	_ =	swait.ge @!p0 [sflag:s8], $0x0  }
0x24: {  	s3 =	sadd.s32 $0x88, s3;
	s6 =	simm.s32 @!p1 $0x1082;
	[sflag:s4] =	ssyncset.s32 $0xFFFFF086  }
0x25: {  	[simem:s6], [sflag:s4] =	dma.local [hbm:s3], $0xF7A  }
0x26: {  	[smem:$0x3F9B] =	sst s1;
	(tag) =	ssettag s2;
	_ =	strace s9  }
0x27: {  	s1 =	sld [smem:$0x3FAB]  }
0x28: {  	s2 =	sld [smem:$0x3FAC]  }
0x29: {  	s4 =	sld [smem:$0x3FAE]  }
0x2a: {  	p0 =	seq.s32 s5, $0x0;
	s5 =	sld [smem:$0x3FAF]  }
0x2b: {  	s6 =	sld [smem:$0x3FB0]  }
0x2c: {  	s7 =	sld [smem:$0x3FB1]  }
0x2d: {  	s3 =	simm.s32 $0x108;
	s8 =	sld [smem:$0x3FB2]  }
0x2e: {  	s3 =	simm.s32 @!p0 $0x1082;
	s9 =	sld [smem:$0x3FB3]  }
0x2f: {  	lr =	sadd.s32 s0, s3;
	s0 =	sld [smem:$0x3FAA]  }
0x30: {  	s3 =	sld [smem:$0x3FAD]  }
0x31: {  	[smem:$0x3FB6] =	sst s10  }
0x32: {  	s10 =	sld [smem:$0x3FB4];
	_ =	sdelay $0x3  }
0x33: {  	p0 =	seq.s32 s10, $0x1;
	s10 =	sld [smem:$0x3FB6];
	_ =	sdelay $0x3  }
0x34: {  	[smem:$0x3FB6] =	sst s10  }
0x35: {  	s10 =	sld [smem:$0x3FB5];
	_ =	sdelay $0x3  }
0x36: {  	p1 =	seq.s32 s10, $0x1;
	s10 =	sld [smem:$0x3FB6];
	_ =	sdelay $0x3  }
0x37: {  	[smem:$0x3FB6] =	sst s10  }
0x38: {  	s10 =	sld [smem:$0x3FB7]  }
0x39: {  	_ = 	snop;
	(pc) =	sbr.ind lr, $3  }
0x3a: {  	_ = 	snop  }
0x3b: {  	_ = 	snop  }
0x3c: {  	p2 =	seq.s32 s10, $0x1;
	s10 =	sld [smem:$0x3FB6]  }
0x3d: {  	_ =	shalt  }
0x3e: {  	_ =	shalt  }
0x3f: {  	_ =	shalt  }
0x40: {  	_ =	shalt  }
0x41: {  	_ =	shalt  }
0x42: {  	_ =	shalt  }
0x43: {  	_ =	shalt  }
0x44: {  	_ =	shalt  }
0x45: {  	_ =	shalt  }
0x46: {  	_ =	shalt  }
0x47: {  	_ =	shalt  }
0x48: {  	_ =	shalt  }
0x49: {  	_ =	shalt  }
0x4a: {  	_ =	shalt  }
0x4b: {  	_ =	shalt  }
0x4c: {  	_ =	shalt  }
0x4d: {  	_ =	shalt  }
0x4e: {  	_ =	shalt  }
0x4f: {  	_ =	shalt  }
0x50: {  	_ =	shalt  }
0x51: {  	_ =	shalt  }
0x52: {  	_ =	shalt  }
0x53: {  	_ =	shalt  }
0x54: {  	_ =	shalt  }
0x55: {  	_ =	shalt  }
0x56: {  	_ =	shalt  }
0x57: {  	_ =	shalt  }
0x58: {  	_ =	shalt  }
0x59: {  	_ =	shalt  }
0x5a: {  	_ =	shalt  }
0x5b: {  	_ =	shalt  }
0x5c: {  	_ =	shalt  }
0x5d: {  	_ =	shalt  }
0x5e: {  	_ =	shalt  }
0x5f: {  	_ =	shalt  }
0x60: {  	_ =	shalt  }
0x61: {  	_ =	shalt  }
0x62: {  	_ =	shalt  }
0x63: {  	_ =	shalt  }
0x64: {  	_ =	shalt  }
0x65: {  	_ =	shalt  }
0x66: {  	_ =	shalt  }
0x67: {  	_ =	shalt  }
0x68: {  	_ =	shalt  }
0x69: {  	_ =	shalt  }
0x6a: {  	_ =	shalt  }
0x6b: {  	_ =	shalt  }
0x6c: {  	_ =	shalt  }
0x6d: {  	_ =	shalt  }
0x6e: {  	_ =	shalt  }
0x6f: {  	_ =	shalt  }
0x70: {  	_ =	shalt  }
0x71: {  	_ =	shalt  }
0x72: {  	_ =	shalt  }
0x73: {  	_ =	shalt  }
0x74: {  	_ =	shalt  }
0x75: {  	_ =	shalt  }
0x76: {  	_ =	shalt  }
0x77: {  	_ =	shalt  }
0x78: {  	_ =	shalt  }
0x79: {  	_ =	shalt  }
0x7a: {  	_ =	shalt  }
0x7b: {  	_ =	shalt  }
0x7c: {  	_ =	shalt  }
0x7d: {  	_ =	shalt  }
0x7e: {  	_ =	shalt  }
0x7f: {  	_ =	shalt  }
0x80: {  	_ =	shalt  }
0x81: {  	_ =	shalt  }
0x82: {  	_ =	shalt  }
0x83: {  	_ =	shalt  }
0x84: {  	_ =	shalt  }
0x85: {  	_ =	shalt  }
0x86: {  	_ =	shalt  }
0x87: {  	_ =	shalt  }
.Lfunc_end0:
.L_simem_size_0:
called_computation.2_lowered:
.L_overlay_start_0:
0x88: {  	s2 =	sld [smem:$0x3FD9]  }
0x89: {  	s3 =	sld [smem:$0x3FFE];
	_ =	sdelay $0x1  }
0x8a: {  	s1 =	srdreg.scid  }
0x8b: {  	s0 =	sand.u32 $0x1, s1  }
0x8c: {  	s17 =	sshll.u32 s0, $0xA;
	s2 =	sadd.s32 s3, s2  }
0x8d: {  	s2 =	sadd.s32 s2, s17  }
0x8e: {  	[smem:$0x3FC2] =	sst s2  }
0x8f: {  	_ = 	snop  }
0x90: {  	s2 =	sld [smem:$0x3FD0];
	(tm) =	ssettm $0x1  }
0x91: {  	s18 =	sld [smem:$0x3FFB];
	_ =	sdelay $0x3  }
0x92: {  	_ =	strace s18  }
0x93: {  	s3 =	sld [smem:$0x3FFC];
	_ =	sdelay $0x3  }
0x94: {  	_ =	strace s3  }
0x95: {  	s3 =	sld [smem:$0x3FFD];
	_ =	sdelay $0x3  }
0x96: {  	_ =	strace s3  }
0x97: {  	_ =	strace $0x8FFFFFFF  }
0x98: {  	s19 =	sld [smem:$0x3FDB];
	_ =	sdelay $0x1  }
0x99: {  	s4 =	simm.s32 $_scs_section_size  }
0x9a: {  	s5 =	simm.s32 $_size__tile_overlayer_lowered;
	s6 =	simm.s32 $_tile_overlayer_lowered  }
0x9b: {  	s22 =	simm.s32 $0x1BFF;
	s21 =	sshll.u32 s6, $0x1;
	s3 =	sadd.s32 s4, s19  }
0x9c: {  	s7 =	simm.s32 $0x0;
	s20 =	sshll.u32 s5, $0x1;
	s5 =	sadd.s32 s21, s3  }
0x9d: {  	[timem:s7], [sflag:s22] =	dma.local [hbm:s5], s20  }
0x9e: {  	_ =	swait.ge [sflag:s22], s20  }
0x9f: {  	s4 =	ssub.s32 $0x0, s20;
	[sflag:s22] =	ssyncset.done $0x0  }
0xa0: {  	[sflag:s22] =	ssyncadd.s32 s4;
	_ =	sdelay $0x1  }
0xa1: {  	s23 =	simm.s32 $0x1B8B  }
0xa2: {  	_ =	swait.ge [sflag:s23], $0x1  }
0xa3: {  	[sflag:s23] =	ssyncset.done $0x0  }
0xa4: {  	s25 =	simm.s32 $0x1B8E;
	s24 =	sld [smem:$0x3FFE];
	[sflag:s23] =	ssyncadd.s32 $0xFFFFFFFF  }
0xa5: {  	s26 =	simm.s32 $execute0_lowered;
	[smem:$0x3FD2] =	sst s25  }
0xa6: {  	s5 =	sshll.u32 s26, $0x1;
	_ =	strace $0x8000004C;
	[dreg:$0x1] =	wrdreg $0xFFFFFFFF  }
0xa7: {  	s28 =	simm.s32 $_size_execute0_lowered;
	s3 =	sadd.s32 s3, s5;
	[dreg:$0x0] =	wrdreg $0x0  }
0xa8: {  	s5 =	sshll.u32 s28, $0x1;
	[dreg:$0x2] =	wrdreg s3  }
0xa9: {  	[dreg:$0x3] =	wrdreg s5  }
0xaa: {  	[dreg:$0x4] =	wrdreg $0xC0  }
0xab: {  	_ =	task [dreg:s7], $0x5FFFF  }
0xac: {  	[dreg:$0x1] =	wrdreg $0xFFFFFFFF  }
0xad: {  	[dreg:$0x0] =	wrdreg $0x60  }
0xae: {  	[dreg:$0x2] =	wrdreg s2  }
0xaf: {  	[dreg:$0x3] =	wrdreg s24  }
0xb0: {  	[dreg:$0x4] =	wrdreg $0x13C400  }
0xb1: {  	[dreg:$0x5] =	wrdreg $0x9  }
0xb2: {  	_ =	task.clear_ibuf [dreg:s7], $0x6FFFF;
	_ =	strace $0x9000004C  }
0xb3: {  	s29 =	simm.s32 $0x9;
	_ =	strace $0x8000004E  }
0xb4: {  	_ =	swait.ge [sflag:s29], $0x1  }
0xb5: {  	[sflag:s29] =	ssyncadd.s32 $0xFFFFFFFF  }
0xb6: {  	_ =	strace $0x9000004E  }
0xb7: {  	_ =	sfence  }
0xb8: {  	s30 =	sld [smem:$0x0];
	_ =	sdelay $0x2  }
0xb9: {  	s31 =	sshll.u32 s1, $0xD;
	s1 =	sshrl.u32 s1, $0x2  }
0xba: {  	s3 =	sand.u32 $0x4000, s31;
	s1 =	sadd.s32 s1, s30  }
0xbb: {  	s0 =	sor.u32 s3, s0;
	s1 =	sshll.u32 s1, $0x11  }
0xbc: {  	s0 =	sor.u32 s1, s0  }
0xbd: {  	s0 =	sadd.s32 $0x8F2B, s0  }
0xbe: {  	[sflag:s0] =	ssyncadd.remote.s32 $0x1  }
0xbf: {  	_ =	sfence.sel $0xFFFF  }
0xc0: {  	[dreg:$0x0] =	wrdreg $0xFFFFFFFF;
	(pc) =	sbr.abs _section_cstart, $3  }
0xc1: {  	[dreg:$0x1] =	wrdreg $0xFFFFFFFF  }
0xc2: {  	_ =	task.clear_ibuf [dreg:s7], $0x2FFFF;
	_ =	strace $0x9FFFFFFF  }
0xc3: {  	(tm) =	ssettm $0x7FFFFFFF  }
tec
execute0_lowered:
.L_overlay_start_1:
0x0: {  	(tag) =	ssettag $0x1  }
0x1: {  	s0 =	rddreg [dreg:$0x0]  }
0x2: {  	s1 =	rddreg [dreg:$0x1]  }
0x3: {  	s11 =	stileid.u32;
	s3 =	srdreg.scid  }
0x4: {  	s2 =	rddreg [dreg:$0x2];
	s13 =	simm.s32 $0x5000;
	s14 =	simm.s32 $0x7D  }
0x5: {  	s15 =	simm.s32 $0xA000;
	s17 =	simm.s32 $0xBF40;
	s19 =	simm.s32 $0xDE80  }
0x6: {  	s21 =	simm.s32 $0xFDC0;
	s28 =	simm.s32 $0x3;
	s30 =	simm.s32 $0x4  }
0x7: {  	s16 =	simm.s32 $0x6;
	s18 =	simm.s32 $0x7;
	s4 =	smul.u32 $0xA00, s11  }
0x8: {  	s20 =	simm.s32 $0x8;
	s29 =	simm.s32 $0x0;
	s5 =	smul.u32 $0x9E00, s11  }
0x9: {  	s6 =	sand.u32 $0x1, s3;
	s3 =	simm.s32 $0x0;
	s25 =	sshll.u32 s11, $0x6  }
0xa: {  	s7 =	smul.u32 $0x9E000, s6;
	[smem:$0x7FF] =	sst s3;
	s9 =	ssub.s32 $0x2, s6  }
0xb: {  	s26 =	smul.u32 $0x13880, s6;
	_ =	strace $0x8000004D;
	s8 =	sadd.s32 s4, s1  }
0xc: {  	s23 =	sshrl.u32 s5, $0x3;
	s24 =	sshrl.u32 s9, $0x1;
	s12 =	sadd.s32 s5, s2  }
0xd: {  	s22 =	sadd.s32 s5, s7;
	s7 =	sadd.s32 s23, s1;
	s10 =	ssub.s32 s9, s24  }
0xe: {  	s5 =	sor.u32 $0x1C0B, s25;
	s6 =	sadd.s32 $0xB600, s8;
	s11 =	sshrl.u32 s12, $0x3  }
0xf: {  	s12 =	simm.s32 $0xB;
	s23 =	simm.s32 $0x11D00;
	s24 =	simm.s32 $0x1  }
0x10: {  	s25 =	simm.s32 $0x2;
	s4 =	sshrl.u32 s22, $0x3;
	s31 =	sadd.s32 $0x15600, s7  }
0x11: {  	s7 =	sadd.s32 $0x1600, s8;
	s8 =	sadd.s32 s0, s26;
	s10 =	smax.u32 s10, $0x1  }
0x12: {  	s22 =	simm.s32 $0x9;
	s26 =	simm.s32 $0xA;
	s1 =	sadd.s32 s4, s1  }
0x13: {  	[dreg:$0x4] =	wrdreg s31;
	s9 =	sadd.s32 $0x29200, s1;
	s1 =	simm.s32 $0x5  }
.LBB2_1:
0x14: {  	s0 =	rddreg [dreg:$0x4]  }
0x15: {  	[spmem:s11], [sflag:s5] =	dma.local [hbm:s0], $0x13C0  }
0x16: {  	_ =	swait.ge [sflag:s12], $0x13C0  }
0x17: {  	[sflag:s12] =	ssyncset.done $0x0  }
0x18: {  	[sflag:s12] =	ssyncadd.s32 $0xFFFFEC40  }
0x19: {  	[tilespmem:s3], [sflag:$0xB] =	stream.linear.gather [hbm4b:s6+s3], $0x5000, $0x38;
	[tilespmem:$0x1DA40] =	vst v63  }
0x1a: {  	_ =	swait.ge [sflag:s12], $0x5000  }
0x1b: {  	[sflag:s12] =	ssyncset.done $0x0  }
0x1c: {  	[sflag:s12] =	ssyncadd.s32 $0xFFFFB000  }
0x1d: {  	[tilespmem:s13], [sflag:$0xB] =	stream.linear.gather [hbm4b:s7+s3], $0x5000, $0x38;
	[tilespmem:$0x1DA40] =	vst v63  }
0x1e: {  	_ =	swait.ge [sflag:s12], $0x5000  }
0x1f: {  	[sflag:s12] =	ssyncset.done $0x0  }
0x20: {  	[sflag:s12] =	ssyncadd.s32 $0xFFFFB000  }
0x21: {  	[bflag:$0x0] =	sbarrier.arrive $0xFFFF  }
0x22: {  	[tilespmem:s15], [sflag:$0x1] =	stream.indirect.gather [hbm4b:s8+s14], $0x40, s3, s14, $0xb8;
	[tilespmem:$0x1DA40] =	vst v63  }
0x23: {  	s4 =	simm.s32 $0x80  }
0x24: {  	[tilespmem:s17], [sflag:$0x2] =	stream.indirect.gather [hbm4b:s8+s14], $0x40, s4, s14, $0xb8;
	[tilespmem:$0x1DA40] =	vst v63  }
0x25: {  	s4 =	simm.s32 $0x100  }
0x26: {  	[tilespmem:s19], [sflag:$0x3] =	stream.indirect.gather [hbm4b:s8+s14], $0x40, s4, s14, $0xb8;
	[tilespmem:$0x1DA40] =	vst v63  }
0x27: {  	s4 =	simm.s32 $0x180  }
0x28: {  	[tilespmem:s21], [sflag:$0x4] =	stream.indirect.gather [hbm4b:s8+s14], $0x40, s4, s14, $0xb8;
	[tilespmem:$0x1DA40] =	vst v63  }
0x29: {  	s4 =	simm.s32 $0x200  }
0x2a: {  	[tilespmem:s23], [sflag:$0x5] =	stream.indirect.gather [hbm4b:s8+s14], $0x40, s4, s14, $0xb8;
	[tilespmem:$0x1DA40] =	vst v63  }
0x2b: {  	_ =	swait.ge [sflag:s24], $0x1F40  }
0x2c: {  	[sflag:s24] =	ssyncset.done $0x0  }
0x2d: {  	[sflag:s24] =	ssyncadd.s32 $0xFFFFE0C0  }
0x2e: {  	[spmem:s2] =	stream.indirect.scatter.add.f32 [tilespmem:s15], [sflag:$0x6], $0x40, s13, s14, $0xb8;
	[tilespmem:$0x1DA40] =	vst v63  }
0x2f: {  	_ =	swait.ge [sflag:s25], $0x1F40  }
0x30: {  	[sflag:s25] =	ssyncset.done $0x0  }
0x31: {  	s4 =	simm.s32 $0x5080;
	[sflag:s25] =	ssyncadd.s32 $0xFFFFE0C0  }
0x32: {  	[spmem:s2] =	stream.indirect.scatter.add.f32 [tilespmem:s17], [sflag:$0x7], $0x40, s4, s14, $0xb8;
	[tilespmem:$0x1DA40] =	vst v63  }
0x33: {  	_ =	swait.ge [sflag:s28], $0x1F40  }
0x34: {  	[sflag:s28] =	ssyncset.done $0x0  }
0x35: {  	s4 =	simm.s32 $0x5100;
	[sflag:s28] =	ssyncadd.s32 $0xFFFFE0C0  }
0x36: {  	[spmem:s2] =	stream.indirect.scatter.add.f32 [tilespmem:s19], [sflag:$0x8], $0x40, s4, s14, $0xb8;
	[tilespmem:$0x1DA40] =	vst v63  }
0x37: {  	_ =	swait.ge [sflag:s30], $0x1F40  }
0x38: {  	[sflag:s30] =	ssyncset.done $0x0  }
0x39: {  	s4 =	simm.s32 $0x5180;
	[sflag:s30] =	ssyncadd.s32 $0xFFFFE0C0  }
0x3a: {  	[spmem:s2] =	stream.indirect.scatter.add.f32 [tilespmem:s21], [sflag:$0x9], $0x40, s4, s14, $0xb8;
	[tilespmem:$0x1DA40] =	vst v63  }
0x3b: {  	_ =	swait.ge [sflag:s1], $0x1F40  }
0x3c: {  	[sflag:s1] =	ssyncset.done $0x0  }
0x3d: {  	s4 =	simm.s32 $0x5200;
	[sflag:s1] =	ssyncadd.s32 $0xFFFFE0C0  }
0x3e: {  	[spmem:s2] =	stream.indirect.scatter.add.f32 [tilespmem:s23], [sflag:$0xA], $0x40, s4, s14, $0xb8;
	[tilespmem:$0x1DA40] =	vst v63  }
0x3f: {  	_ =	swait.ge [sflag:s16], $0x1F40  }
0x40: {  	[sflag:s16] =	ssyncset.done $0x0  }
0x41: {  	s4 =	simm.s32 $0x280;
	[sflag:s16] =	ssyncadd.s32 $0xFFFFE0C0  }
0x42: {  	[tilespmem:s15], [sflag:$0x1] =	stream.indirect.gather [hbm4b:s8+s14], $0x40, s4, s14, $0xb8;
	[tilespmem:$0x1DA40] =	vst v63  }
0x43: {  	_ =	swait.ge [sflag:s18], $0x1F40  }
0x44: {  	[sflag:s18] =	ssyncset.done $0x0  }
0x45: {  	s4 =	simm.s32 $0x300;
	[sflag:s18] =	ssyncadd.s32 $0xFFFFE0C0  }
0x46: {  	[tilespmem:s17], [sflag:$0x2] =	stream.indirect.gather [hbm4b:s8+s14], $0x40, s4, s14, $0xb8;
	[tilespmem:$0x1DA40] =	vst v63  }
0x47: {  	_ =	swait.ge [sflag:s20], $0x1F40  }
0x48: {  	[sflag:s20] =	ssyncset.done $0x0  }
0x49: {  	s4 =	simm.s32 $0x380;
	[sflag:s20] =	ssyncadd.s32 $0xFFFFE0C0  }
0x4a: {  	[tilespmem:s19], [sflag:$0x3] =	stream.indirect.gather [hbm4b:s8+s14], $0x40, s4, s14, $0xb8;
	[tilespmem:$0x1DA40] =	vst v63  }
0x4b: {  	_ =	swait.ge [sflag:s22], $0x1F40  }
0x4c: {  	[sflag:s22] =	ssyncset.done $0x0  }
0x4d: {  	s4 =	simm.s32 $0x400;
	[sflag:s22] =	ssyncadd.s32 $0xFFFFE0C0  }
0x4e: {  	[tilespmem:s21], [sflag:$0x4] =	stream.indirect.gather [hbm4b:s8+s14], $0x40, s4, s14, $0xb8;
	[tilespmem:$0x1DA40] =	vst v63  }
0x4f: {  	_ =	swait.ge [sflag:s26], $0x1F40  }
0x50: {  	[sflag:s26] =	ssyncset.done $0x0  }
0x51: {  	s4 =	simm.s32 $0x480;
	[sflag:s26] =	ssyncadd.s32 $0xFFFFE0C0  }
0x52: {  	[tilespmem:s23], [sflag:$0x5] =	stream.indirect.gather [hbm4b:s8+s14], $0x40, s4, s14, $0xb8;
	[tilespmem:$0x1DA40] =	vst v63  }
0x53: {  	_ =	swait.ge [sflag:s24], $0x1F40  }
0x54: {  	[sflag:s24] =	ssyncset.done $0x0  }
0x55: {  	s4 =	simm.s32 $0x5280;
	[sflag:s24] =	ssyncadd.s32 $0xFFFFE0C0  }
0x56: {  	[spmem:s2] =	stream.indirect.scatter.add.f32 [tilespmem:s15], [sflag:$0x6], $0x40, s4, s14, $0xb8;
	[tilespmem:$0x1DA40] =	vst v63  }
0x57: {  	_ =	swait.ge [sflag:s25], $0x1F40  }
0x58: {  	[sflag:s25] =	ssyncset.done $0x0  }
0x59: {  	s4 =	simm.s32 $0x5300;
	[sflag:s25] =	ssyncadd.s32 $0xFFFFE0C0  }
0x5a: {  	[spmem:s2] =	stream.indirect.scatter.add.f32 [tilespmem:s17], [sflag:$0x7], $0x40, s4, s14, $0xb8;
	[tilespmem:$0x1DA40] =	vst v63  }
0x5b: {  	_ =	swait.ge [sflag:s28], $0x1F40  }
0x5c: {  	[sflag:s28] =	ssyncset.done $0x0  }
0x5d: {  	s4 =	simm.s32 $0x5380;
	[sflag:s28] =	ssyncadd.s32 $0xFFFFE0C0  }
0x5e: {  	[spmem:s2] =	stream.indirect.scatter.add.f32 [tilespmem:s19], [sflag:$0x8], $0x40, s4, s14, $0xb8;
	[tilespmem:$0x1DA40] =	vst v63  }
0x5f: {  	_ =	swait.ge [sflag:s30], $0x1F40  }
0x60: {  	[sflag:s30] =	ssyncset.done $0x0  }
0x61: {  	s4 =	simm.s32 $0x5400;
	[sflag:s30] =	ssyncadd.s32 $0xFFFFE0C0  }
0x62: {  	[spmem:s2] =	stream.indirect.scatter.add.f32 [tilespmem:s21], [sflag:$0x9], $0x40, s4, s14, $0xb8;
	[tilespmem:$0x1DA40] =	vst v63  }
0x63: {  	_ =	swait.ge [sflag:s1], $0x1F40  }
0x64: {  	[sflag:s1] =	ssyncset.done $0x0  }
0x65: {  	s31 =	simm.s32 $0xA00;
	s0 =	simm.s32 $0x5480;
	[sflag:s1] =	ssyncadd.s32 $0xFFFFE0C0  }
.LBB2_2:
0x66: {  	[spmem:s2] =	stream.indirect.scatter.add.f32 [tilespmem:s23], [sflag:$0xA], $0x40, s0, s14, $0xb8;
	[tilespmem:$0x1DA40] =	vst v63  }
0x67: {  	s0 =	smov.u32 s31  }
0x68: {  	p0 =	sne.s32 s31, $0x12C00;
	s31 =	sadd.s32 $0xA00, s31;
	_ =	swait.ge [sflag:s16], $0x1F40  }
0x69: {  	s0 =	sshra.s32 s0, $0x2;
	[sflag:s16] =	ssyncset.done $0x0  }
0x6a: {  	s4 =	sadd.s32 $0x280, s0;
	[sflag:s16] =	ssyncadd.s32 $0xFFFFE0C0  }
0x6b: {  	[tilespmem:s15], [sflag:$0x1] =	stream.indirect.gather [hbm4b:s8+s14], $0x40, s4, s14, $0xb8;
	[tilespmem:$0x1DA40] =	vst v63  }
0x6c: {  	_ =	swait.ge [sflag:s18], $0x1F40  }
0x6d: {  	[sflag:s18] =	ssyncset.done $0x0  }
0x6e: {  	s4 =	sadd.s32 $0x300, s0;
	[sflag:s18] =	ssyncadd.s32 $0xFFFFE0C0  }
0x6f: {  	[tilespmem:s17], [sflag:$0x2] =	stream.indirect.gather [hbm4b:s8+s14], $0x40, s4, s14, $0xb8;
	[tilespmem:$0x1DA40] =	vst v63  }
0x70: {  	_ =	swait.ge [sflag:s20], $0x1F40  }
0x71: {  	[sflag:s20] =	ssyncset.done $0x0  }
0x72: {  	s4 =	sadd.s32 $0x380, s0;
	[sflag:s20] =	ssyncadd.s32 $0xFFFFE0C0  }
0x73: {  	[tilespmem:s19], [sflag:$0x3] =	stream.indirect.gather [hbm4b:s8+s14], $0x40, s4, s14, $0xb8;
	[tilespmem:$0x1DA40] =	vst v63  }
0x74: {  	_ =	swait.ge [sflag:s22], $0x1F40  }
0x75: {  	[sflag:s22] =	ssyncset.done $0x0  }
0x76: {  	s4 =	sadd.s32 $0x400, s0;
	[sflag:s22] =	ssyncadd.s32 $0xFFFFE0C0  }
0x77: {  	[tilespmem:s21], [sflag:$0x4] =	stream.indirect.gather [hbm4b:s8+s14], $0x40, s4, s14, $0xb8;
	[tilespmem:$0x1DA40] =	vst v63  }
0x78: {  	_ =	swait.ge [sflag:s26], $0x1F40  }
0x79: {  	[sflag:s26] =	ssyncset.done $0x0  }
0x7a: {  	s4 =	sadd.s32 $0x480, s0;
	[sflag:s26] =	ssyncadd.s32 $0xFFFFE0C0  }
0x7b: {  	[tilespmem:s23], [sflag:$0x5] =	stream.indirect.gather [hbm4b:s8+s14], $0x40, s4, s14, $0xb8;
	[tilespmem:$0x1DA40] =	vst v63  }
0x7c: {  	_ =	swait.ge [sflag:s24], $0x1F40  }
0x7d: {  	[sflag:s24] =	ssyncset.done $0x0  }
0x7e: {  	s4 =	sadd.s32 $0x5280, s0;
	[sflag:s24] =	ssyncadd.s32 $0xFFFFE0C0  }
0x7f: {  	[spmem:s2] =	stream.indirect.scatter.add.f32 [tilespmem:s15], [sflag:$0x6], $0x40, s4, s14, $0xb8;
	[tilespmem:$0x1DA40] =	vst v63  }
0x80: {  	_ =	swait.ge [sflag:s25], $0x1F40  }
0x81: {  	[sflag:s25] =	ssyncset.done $0x0  }
0x82: {  	s4 =	sadd.s32 $0x5300, s0;
	[sflag:s25] =	ssyncadd.s32 $0xFFFFE0C0  }
0x83: {  	[spmem:s2] =	stream.indirect.scatter.add.f32 [tilespmem:s17], [sflag:$0x7], $0x40, s4, s14, $0xb8;
	[tilespmem:$0x1DA40] =	vst v63  }
0x84: {  	_ =	swait.ge [sflag:s28], $0x1F40  }
0x85: {  	[sflag:s28] =	ssyncset.done $0x0  }
0x86: {  	s4 =	sadd.s32 $0x5380, s0;
	[sflag:s28] =	ssyncadd.s32 $0xFFFFE0C0  }
0x87: {  	[spmem:s2] =	stream.indirect.scatter.add.f32 [tilespmem:s19], [sflag:$0x8], $0x40, s4, s14, $0xb8;
	[tilespmem:$0x1DA40] =	vst v63  }
0x88: {  	_ =	swait.ge [sflag:s30], $0x1F40  }
0x89: {  	[sflag:s30] =	ssyncset.done $0x0  }
.Ltmp0:
0x8a: {  	s4 =	sadd.s32 $0x5400, s0;
	[sflag:s30] =	ssyncadd.s32 $0xFFFFE0C0;
	(pc) =	sbr.rel @p0 .LBB2_2-.Ltmp0, $4  }
0x8b: {  	[spmem:s2] =	stream.indirect.scatter.add.f32 [tilespmem:s21], [sflag:$0x9], $0x40, s4, s14, $0xb8;
	[tilespmem:$0x1DA40] =	vst v63  }
0x8c: {  	_ =	swait.ge [sflag:s1], $0x1F40  }
0x8d: {  	[sflag:s1] =	ssyncset.done $0x0  }
0x8e: {  	s0 =	sadd.s32 $0x5480, s0;
	[sflag:s1] =	ssyncadd.s32 $0xFFFFE0C0  }
0x8f: {  	[spmem:s2] =	stream.indirect.scatter.add.f32 [tilespmem:s23], [sflag:$0xA], $0x40, s0, s14, $0xb8;
	[tilespmem:$0x1DA40] =	vst v63  }
0x90: {  	_ =	swait.ge [sflag:s16], $0x1F40  }
0x91: {  	[sflag:s16] =	ssyncset.done $0x0  }
0x92: {  	[sflag:s16] =	ssyncadd.s32 $0xFFFFE0C0  }
0x93: {  	_ =	swait.ge [sflag:s18], $0x1F40  }
0x94: {  	[sflag:s18] =	ssyncset.done $0x0  }
0x95: {  	[sflag:s18] =	ssyncadd.s32 $0xFFFFE0C0  }
0x96: {  	_ =	swait.ge [sflag:s20], $0x1F40  }
0x97: {  	[sflag:s20] =	ssyncset.done $0x0  }
0x98: {  	[sflag:s20] =	ssyncadd.s32 $0xFFFFE0C0  }
0x99: {  	_ =	swait.ge [sflag:s22], $0x1F40  }
0x9a: {  	[sflag:s22] =	ssyncset.done $0x0  }
0x9b: {  	[sflag:s22] =	ssyncadd.s32 $0xFFFFE0C0  }
0x9c: {  	_ =	swait.ge [sflag:s26], $0x1F40  }
0x9d: {  	s29 =	sadd.s32 $0x1, s29;
	[sflag:s26] =	ssyncset.done $0x0  }
0x9e: {  	p0 =	sne.s32 s29, s10;
	[sflag:s26] =	ssyncadd.s32 $0xFFFFE0C0  }
.Ltmp1:
0x9f: {  	[bflag:$0x0] =	sbarrier.arrive $0xFFFF;
	(pc) =	sbr.rel @p0 .LBB2_1-.Ltmp1, $4  }
0xa0: {  	[hbm:s9], [sflag:s5] =	dma.local [spmem:s11], $0x13C0  }
0xa1: {  	_ =	swait.ge [sflag:s12], $0x13C0  }
0xa2: {  	[sflag:s12] =	ssyncset.done $0x0  }
0xa3: {  	[sflag:s12] =	ssyncadd.s32 $0xFFFFEC40  }
0xa4: {  	_ =	sfence.sel $0x180000  }
0xa5: {  	[bflag:$0x0] =	sbarrier.arrive $0xFFFF  }
0xa6: {  	_ =	strace $0x9000004D  }
0xa7: {  	s0 =	stileid.u32;
	[bflag:$0x2] =	sbarrier.arrive $0xFFFF  }
0xa8: {  	p0 =	sne.s32 s0, $0x0;
	s0 =	rddreg [dreg:$0x3]  }
0xa9: {  	s0 =	sadd.s32 @!p0 $0x100000, s0  }
0xaa: {  	[sflag:s0] =	ssyncadd.tile.s32 @!p0 $0x1;
	_ =	shalt  }
.Lfunc_end2:
_tile_overlayer_lowered:
.L_overlay_start_2:
0xab: {  	(tag) =	ssettag $0x2  }
0xac: {  	s0 =	rddreg [dreg:$0x0];
	s2 =	stileid.u32  }
0xad: {  	s1 =	rddreg [dreg:$0x1];
	p0 =	sne.s32 s2, $0x0  }
0xae: {  	s3 =	rddreg [dreg:$0x2];
	[bflag:$0x3] =	sbarrier.arrive $0xFFFF;
	s2 =	simm.s32 @!p0 $0x1C0B  }
0xaf: {  	[timem:s3], [sflag:s2] =	dma.local @!p0 [hbm:s0], s1  }
0xb0: {  	s0 =	simm.s32 @!p0 $0xB  }
0xb1: {  	_ =	swait.ge @!p0 [sflag:s0], s1  }
0xb2: {  	s1 =	ssub.s32 @!p0 $0x0, s1;
	[sflag:s0] =	ssyncset.done @!p0 $0x0  }
0xb3: {  	[sflag:s0] =	ssyncadd.s32 @!p0 s1  }
0xb4: {  	[bflag:$0x3] =	sbarrier.arrive $0xFFFF  }
0xb5: {  	_ =	shalt  }

// kernel: kernel.9.cloned.1.call-start
scs
__scs_entry_jumppad:
0x0: {  	(pc) =	sbr.rel $0x88, $3  }
0x1: {  	(tag) =	ssettag $0x0;
	lr =	simm.s32 $0x1  }
0x2: {  	[smem:$0x3F9B] =	sst lr;
	_ =	strace $0xD0000000  }
0x3: {  	_ = 	snop  }
0x4: {  	_ = 	snop  }
0x5: {  	_ = 	snop  }
0x6: {  	_ = 	snop  }
0x7: {  	_ = 	snop  }
__scs_overlays_trampoline_lowered:
0x8: {  	[smem:$0x3FAA] =	sst s0  }
0x9: {  	[smem:$0x3FAB] =	sst s1  }
0xa: {  	[smem:$0x3FAC] =	sst s2  }
0xb: {  	[smem:$0x3FAD] =	sst s3  }
0xc: {  	[smem:$0x3FAE] =	sst s4  }
0xd: {  	[smem:$0x3FAF] =	sst s5  }
0xe: {  	[smem:$0x3FB0] =	sst s6  }
0xf: {  	[smem:$0x3FB1] =	sst s7  }
0x10: {  	[smem:$0x3FB2] =	sst s8  }
0x11: {  	[smem:$0x3FB3] =	sst s9;
	s0 =	simm.s32 @!p0 $0x0  }
0x12: {  	s1 =	sld [smem:$0x3F99];
	s0 =	simm.s32 @p0 $0x1  }
0x13: {  	[smem:$0x3FB4] =	sst s0;
	s0 =	simm.s32 @!p1 $0x0  }
0x14: {  	s2 =	sld [smem:$0x3F98];
	s0 =	simm.s32 @p1 $0x1  }
0x15: {  	[smem:$0x3FB5] =	sst s0;
	s0 =	simm.s32 @!p2 $0x0  }
0x16: {  	s3 =	sld [smem:$0x3FDB];
	s0 =	simm.s32 @p2 $0x1  }
0x17: {  	s4 =	simm.s32 $0x1BF5;
	[smem:$0x3FB7] =	sst s0  }
0x18: {  	s0 =	sld [smem:$0x3F9A];
	_ =	swait.ge [sflag:s4], $0x0  }
0x19: {  	s7 =	sld [smem:$0x3F9B]  }
0x1a: {  	s8 =	sadd.s32 $0xFFFFE003, lr  }
0x1b: {  	s9 =	sadd.s32 $0xFFFFFEF7, lr;
	s5 =	simm.s32 $0xFFFFFFFF;
	p2 =	slt.u32 s8, $0xFFFFF086  }
0x1c: {  	p1 =	slt.u32 s9, $0xF7A;
	s5 =	simm.s32 @!p2 $0x0  }
0x1d: {  	s5 =	simm.s32 @p1 $0x1;
	p0 =	seq.s32 s7, s2  }
0x1e: {  	s7 =	smul.u32 @!p0 $0xF7A, s2;
	p2 =	seq.s32 @!p0 s5, $0x0  }
0x1f: {  	s9 =	smul.u32 $0xF7A, s1;
	s8 =	simm.s32 @!p0 $0x1BF5;
	p2 =	por !p2, p0  }
0x20: {  	[sflag:s8] =	ssyncset.s32 @!p0 $0xFFFFF086;
	s6 =	sadd.s32 @!p0 s3, s7;
	s7 =	simm.s32 @!p0 $0x108  }
0x21: {  	s3 =	sadd.s32 s3, s9;
	s6 =	sadd.s32 @!p0 $0x88, s6;
	s7 =	simm.s32 @p2 $0x1082  }
0x22: {  	[simem:s7], [sflag:s8] =	dma.local @!p0 [hbm:s6], $0xF7A  }
0x23: {  	s9 =	sor.u32 $0xD0000000, s2;
	s6 =	simm.s32 $0x108;
	_ =	swait.ge @!p0 [sflag:s8], $0x0  }
0x24: {  	s3 =	sadd.s32 $0x88, s3;
	s6 =	simm.s32 @!p1 $0x1082;
	[sflag:s4] =	ssyncset.s32 $0xFFFFF086  }
0x25: {  	[simem:s6], [sflag:s4] =	dma.local [hbm:s3], $0xF7A  }
0x26: {  	[smem:$0x3F9B] =	sst s1;
	(tag) =	ssettag s2;
	_ =	strace s9  }
0x27: {  	s1 =	sld [smem:$0x3FAB]  }
0x28: {  	s2 =	sld [smem:$0x3FAC]  }
0x29: {  	s4 =	sld [smem:$0x3FAE]  }
0x2a: {  	p0 =	seq.s32 s5, $0x0;
	s5 =	sld [smem:$0x3FAF]  }
0x2b: {  	s6 =	sld [smem:$0x3FB0]  }
0x2c: {  	s7 =	sld [smem:$0x3FB1]  }
0x2d: {  	s3 =	simm.s32 $0x108;
	s8 =	sld [smem:$0x3FB2]  }
0x2e: {  	s3 =	simm.s32 @!p0 $0x1082;
	s9 =	sld [smem:$0x3FB3]  }
0x2f: {  	lr =	sadd.s32 s0, s3;
	s0 =	sld [smem:$0x3FAA]  }
0x30: {  	s3 =	sld [smem:$0x3FAD]  }
0x31: {  	[smem:$0x3FB6] =	sst s10  }
0x32: {  	s10 =	sld [smem:$0x3FB4];
	_ =	sdelay $0x3  }
0x33: {  	p0 =	seq.s32 s10, $0x1;
	s10 =	sld [smem:$0x3FB6];
	_ =	sdelay $0x3  }
0x34: {  	[smem:$0x3FB6] =	sst s10  }
0x35: {  	s10 =	sld [smem:$0x3FB5];
	_ =	sdelay $0x3  }
0x36: {  	p1 =	seq.s32 s10, $0x1;
	s10 =	sld [smem:$0x3FB6];
	_ =	sdelay $0x3  }
0x37: {  	[smem:$0x3FB6] =	sst s10  }
0x38: {  	s10 =	sld [smem:$0x3FB7]  }
0x39: {  	_ = 	snop;
	(pc) =	sbr.ind lr, $3  }
0x3a: {  	_ = 	snop  }
0x3b: {  	_ = 	snop  }
0x3c: {  	p2 =	seq.s32 s10, $0x1;
	s10 =	sld [smem:$0x3FB6]  }
0x3d: {  	_ =	shalt  }
0x3e: {  	_ =	shalt  }
0x3f: {  	_ =	shalt  }
0x40: {  	_ =	shalt  }
0x41: {  	_ =	shalt  }
0x42: {  	_ =	shalt  }
0x43: {  	_ =	shalt  }
0x44: {  	_ =	shalt  }
0x45: {  	_ =	shalt  }
0x46: {  	_ =	shalt  }
0x47: {  	_ =	shalt  }
0x48: {  	_ =	shalt  }
0x49: {  	_ =	shalt  }
0x4a: {  	_ =	shalt  }
0x4b: {  	_ =	shalt  }
0x4c: {  	_ =	shalt  }
0x4d: {  	_ =	shalt  }
0x4e: {  	_ =	shalt  }
0x4f: {  	_ =	shalt  }
0x50: {  	_ =	shalt  }
0x51: {  	_ =	shalt  }
0x52: {  	_ =	shalt  }
0x53: {  	_ =	shalt  }
0x54: {  	_ =	shalt  }
0x55: {  	_ =	shalt  }
0x56: {  	_ =	shalt  }
0x57: {  	_ =	shalt  }
0x58: {  	_ =	shalt  }
0x59: {  	_ =	shalt  }
0x5a: {  	_ =	shalt  }
0x5b: {  	_ =	shalt  }
0x5c: {  	_ =	shalt  }
0x5d: {  	_ =	shalt  }
0x5e: {  	_ =	shalt  }
0x5f: {  	_ =	shalt  }
0x60: {  	_ =	shalt  }
0x61: {  	_ =	shalt  }
0x62: {  	_ =	shalt  }
0x63: {  	_ =	shalt  }
0x64: {  	_ =	shalt  }
0x65: {  	_ =	shalt  }
0x66: {  	_ =	shalt  }
0x67: {  	_ =	shalt  }
0x68: {  	_ =	shalt  }
0x69: {  	_ =	shalt  }
0x6a: {  	_ =	shalt  }
0x6b: {  	_ =	shalt  }
0x6c: {  	_ =	shalt  }
0x6d: {  	_ =	shalt  }
0x6e: {  	_ =	shalt  }
0x6f: {  	_ =	shalt  }
0x70: {  	_ =	shalt  }
0x71: {  	_ =	shalt  }
0x72: {  	_ =	shalt  }
0x73: {  	_ =	shalt  }
0x74: {  	_ =	shalt  }
0x75: {  	_ =	shalt  }
0x76: {  	_ =	shalt  }
0x77: {  	_ =	shalt  }
0x78: {  	_ =	shalt  }
0x79: {  	_ =	shalt  }
0x7a: {  	_ =	shalt  }
0x7b: {  	_ =	shalt  }
0x7c: {  	_ =	shalt  }
0x7d: {  	_ =	shalt  }
0x7e: {  	_ =	shalt  }
0x7f: {  	_ =	shalt  }
0x80: {  	_ =	shalt  }
0x81: {  	_ =	shalt  }
0x82: {  	_ =	shalt  }
0x83: {  	_ =	shalt  }
0x84: {  	_ =	shalt  }
0x85: {  	_ =	shalt  }
0x86: {  	_ =	shalt  }
0x87: {  	_ =	shalt  }
.Lfunc_end0:
.L_simem_size_0:
called_computation_lowered:
.L_overlay_start_0:
0x88: {  	s2 =	sld [smem:$0x3FD9]  }
0x89: {  	s3 =	sld [smem:$0x3FFE];
	_ =	sdelay $0x1  }
0x8a: {  	s1 =	srdreg.scid  }
0x8b: {  	s0 =	sand.u32 $0x1, s1  }
0x8c: {  	s17 =	sshll.u32 s0, $0xA;
	s2 =	sadd.s32 s3, s2  }
0x8d: {  	s2 =	sadd.s32 s2, s17  }
0x8e: {  	[smem:$0x3FC2] =	sst s2  }
0x8f: {  	_ = 	snop  }
0x90: {  	s2 =	sld [smem:$0x3FD0];
	(tm) =	ssettm $0x1  }
0x91: {  	s18 =	sld [smem:$0x3FFB];
	_ =	sdelay $0x3  }
0x92: {  	_ =	strace s18  }
0x93: {  	s3 =	sld [smem:$0x3FFC];
	_ =	sdelay $0x3  }
0x94: {  	_ =	strace s3  }
0x95: {  	s3 =	sld [smem:$0x3FFD];
	_ =	sdelay $0x3  }
0x96: {  	_ =	strace s3  }
0x97: {  	_ =	strace $0x8FFFFFFF  }
0x98: {  	s19 =	sld [smem:$0x3FDB];
	_ =	sdelay $0x1  }
0x99: {  	s4 =	simm.s32 $_scs_section_size  }
0x9a: {  	s5 =	simm.s32 $_size__tile_overlayer_lowered;
	s6 =	simm.s32 $_tile_overlayer_lowered  }
0x9b: {  	s22 =	simm.s32 $0x1BFF;
	s21 =	sshll.u32 s6, $0x1;
	s3 =	sadd.s32 s4, s19  }
0x9c: {  	s7 =	simm.s32 $0x0;
	s20 =	sshll.u32 s5, $0x1;
	s5 =	sadd.s32 s21, s3  }
0x9d: {  	[timem:s7], [sflag:s22] =	dma.local [hbm:s5], s20  }
0x9e: {  	_ =	swait.ge [sflag:s22], s20  }
0x9f: {  	s4 =	ssub.s32 $0x0, s20;
	[sflag:s22] =	ssyncset.done $0x0  }
0xa0: {  	[sflag:s22] =	ssyncadd.s32 s4;
	_ =	sdelay $0x1  }
0xa1: {  	s23 =	simm.s32 $0x1B8B  }
0xa2: {  	_ =	swait.ge [sflag:s23], $0x1  }
0xa3: {  	[sflag:s23] =	ssyncset.done $0x0  }
0xa4: {  	s25 =	simm.s32 $0x1B8E;
	s24 =	sld [smem:$0x3FFE];
	[sflag:s23] =	ssyncadd.s32 $0xFFFFFFFF  }
0xa5: {  	s26 =	simm.s32 $execute0_lowered;
	[smem:$0x3FD2] =	sst s25  }
0xa6: {  	s5 =	sshll.u32 s26, $0x1;
	_ =	strace $0x80000046;
	[dreg:$0x1] =	wrdreg $0xFFFFFFFF  }
0xa7: {  	s28 =	simm.s32 $_size_execute0_lowered;
	s3 =	sadd.s32 s3, s5;
	[dreg:$0x0] =	wrdreg $0x0  }
0xa8: {  	s5 =	sshll.u32 s28, $0x1;
	[dreg:$0x2] =	wrdreg s3  }
0xa9: {  	[dreg:$0x3] =	wrdreg s5  }
0xaa: {  	[dreg:$0x4] =	wrdreg $0xC0  }
0xab: {  	_ =	task [dreg:s7], $0x5FFFF  }
0xac: {  	[dreg:$0x1] =	wrdreg $0xFFFFFFFF  }
0xad: {  	[dreg:$0x0] =	wrdreg $0x60  }
0xae: {  	[dreg:$0x2] =	wrdreg s24  }
0xaf: {  	[dreg:$0x3] =	wrdreg s2  }
0xb0: {  	[dreg:$0x4] =	wrdreg $0x77900  }
0xb1: {  	[dreg:$0x5] =	wrdreg $0x7A080  }
0xb2: {  	[dreg:$0x6] =	wrdreg $0x9  }
0xb3: {  	_ =	task.clear_ibuf [dreg:s7], $0x7FFFF;
	_ =	strace $0x90000046  }
0xb4: {  	s29 =	simm.s32 $0x9;
	_ =	strace $0x80000048  }
0xb5: {  	_ =	swait.ge [sflag:s29], $0x1  }
0xb6: {  	[sflag:s29] =	ssyncadd.s32 $0xFFFFFFFF  }
0xb7: {  	_ =	strace $0x90000048  }
0xb8: {  	_ =	sfence  }
0xb9: {  	s30 =	sld [smem:$0x0];
	_ =	sdelay $0x2  }
0xba: {  	s31 =	sshll.u32 s1, $0xD;
	s1 =	sshrl.u32 s1, $0x2  }
0xbb: {  	s3 =	sand.u32 $0x4000, s31;
	s1 =	sadd.s32 s1, s30  }
0xbc: {  	s0 =	sor.u32 s3, s0;
	s1 =	sshll.u32 s1, $0x11  }
0xbd: {  	s0 =	sor.u32 s1, s0  }
0xbe: {  	s0 =	sadd.s32 $0x8F2B, s0  }
0xbf: {  	[sflag:s0] =	ssyncadd.remote.s32 $0x1  }
0xc0: {  	_ =	sfence.sel $0xFFFF  }
0xc1: {  	[dreg:$0x0] =	wrdreg $0xFFFFFFFF;
	(pc) =	sbr.abs _section_cstart, $3  }
0xc2: {  	[dreg:$0x1] =	wrdreg $0xFFFFFFFF  }
0xc3: {  	_ =	task.clear_ibuf [dreg:s7], $0x2FFFF;
	_ =	strace $0x9FFFFFFF  }
0xc4: {  	(tm) =	ssettm $0x7FFFFFFF  }
0xc5: {  	_ =	shalt  }
tec
execute0_lowered:
.L_overlay_start_1:
0x0: {  	(tag) =	ssettag $0x1  }
0x1: {  	s5 =	rddreg [dreg:$0x0]  }
0x2: {  	s8 =	rddreg [dreg:$0x1]  }
0x3: {  	s0 =	srdreg.scid;
	s1 =	rddreg [dreg:$0x2]  }
0x4: {  	s9 =	stileid.u32;
	s2 =	rddreg [dreg:$0x3]  }
0x5: {  	s3 =	simm.s32 $0x0;
	s13 =	simm.s32 $0x5000;
	s14 =	simm.s32 $0x1  }
0x6: {  	s15 =	simm.s32 $0x2800;
	s16 =	simm.s32 $0x7D;
	s17 =	simm.s32 $0x0  }
0x7: {  	s4 =	sand.u32 $0x1, s0;
	s6 =	smul.u32 $0x5000, s9;
	s0 =	rddreg [dreg:$0x4]  }
0x8: {  	[smem:$0x7FF] =	sst s3;
	p0 =	sne.s32 s9, $0x0;
	s7 =	smul.u32 $0x2800, s4  }
0x9: {  	_ =	strace $0x80000047;
	s31 =	ssub.s32 $0x2, s4;
	s10 =	smul.u32 $0x4E20, s4  }
0xa: {  	s4 =	sadd.s32 $0x15800, s5;
	s12 =	sshrl.u32 @!p0 s2, $0x3;
	s11 =	sshrl.u32 s31, $0x1  }
0xb: {  	s6 =	sadd.s32 s7, s6;
	s11 =	ssub.s32 s31, s11;
	s10 =	sshrl.u32 s10, $0x3  }
0xc: {  	s6 =	sshrl.u32 s6, $0x3;
	s8 =	sadd.s32 s8, s10;
	s10 =	smax.u32 s11, $0x1  }
0xd: {  	s11 =	sshrl.u32 @!p0 s1, $0x3;
	s30 =	sadd.s32 s6, s5;
	s5 =	sadd.s32 $0x15600, s5  }
0xe: {  	s9 =	sadd.s32 $0x4E2, s8;
	s6 =	sadd.s32 $0xB600, s30;
	s7 =	sadd.s32 $0x1600, s30  }
.LBB2_1:
0xf: {  	s18 =	simm.s32 @!p0 $0x1C01;
	s19 =	simm.s32 @!p0 $0x1  }
0x10: {  	[spmem:s11], [sflag:s18] =	dma.local @!p0 [hbm:s4], $0x4F0  }
0x11: {  	_ =	swait.ge @!p0 [sflag:s19], $0x4F0  }
0x12: {  	[sflag:s19] =	ssyncset.done @!p0 $0x0  }
0x13: {  	[sflag:s19] =	ssyncadd.s32 @!p0 $0xFFFFFB10  }
0x14: {  	[spmem:s12], [sflag:s18] =	dma.local @!p0 [hbm:s4], $0x4F0  }
0x15: {  	_ =	swait.ge @!p0 [sflag:s19], $0x4F0  }
0x16: {  	[sflag:s19] =	ssyncset.done @!p0 $0x0  }
0x17: {  	[sflag:s19] =	ssyncadd.s32 @!p0 $0xFFFFFB10  }
0x18: {  	[tilespmem:s13], [sflag:$0x1] =	stream.linear.gather [hbm4b:s5+s3], $0x80, $0x38;
	[tilespmem:$0x7C80] =	vst v63  }
0x19: {  	_ =	swait.ge [sflag:s14], $0x80  }
0x1a: {  	[sflag:s14] =	ssyncset.done $0x0  }
0x1b: {  	[sflag:s14] =	ssyncadd.s32 $0xFFFFFF80  }
0x1c: {  	[tilespmem:s3], [sflag:$0x1] =	stream.linear.gather [hbm4b:s6+s3], $0x2800, $0x38;
	[tilespmem:$0x7C80] =	vst v63  }
0x1d: {  	_ =	swait.ge [sflag:s14], $0x2800  }
0x1e: {  	[sflag:s14] =	ssyncset.done $0x0  }
0x1f: {  	[sflag:s14] =	ssyncadd.s32 $0xFFFFD800  }
0x20: {  	[tilespmem:s15], [sflag:$0x1] =	stream.linear.gather [hbm4b:s7+s3], $0x2800, $0x38;
	[tilespmem:$0x7C80] =	vst v63  }
0x21: {  	_ =	swait.ge [sflag:s14], $0x2800  }
0x22: {  	[sflag:s14] =	ssyncset.done $0x0  }
0x23: {  	[sflag:s14] =	ssyncadd.s32 $0xFFFFD800  }
0x24: {  	s30 =	simm.s32 $0x0;
	[bflag:$0x0] =	sbarrier.arrive $0xFFFF  }
0x25: {  	[spmem:s1] =	stream.indirect.scatter.add.f32 [tilespmem:s13], [sflag:$0x1], $0x1, s30, s16, $0xb8;
	[tilespmem:$0x7C80] =	vst v63  }
0x26: {  	_ =	swait.ge [sflag:s14], $0x7D  }
0x27: {  	[sflag:s14] =	ssyncset.done $0x0  }
0x28: {  	s31 =	simm.s32 $0x2800;
	[sflag:s14] =	ssyncadd.s32 $0xFFFFFF83  }
0x29: {  	[spmem:s2] =	stream.indirect.scatter.add.f32 [tilespmem:s13], [sflag:$0x1], $0x1, s31, s16, $0xb8;
	[tilespmem:$0x7C80] =	vst v63  }
0x2a: {  	_ =	swait.ge [sflag:s14], $0x7D  }
0x2b: {  	s18 =	simm.s32 $0x200;
	s19 =	simm.s32 $0x400;
	[sflag:s14] =	ssyncset.done $0x0  }
.LBB2_2:
0x2c: {  	s20 =	sshra.s32 s18, $0x2  }
0x2d: {  	[sflag:s14] =	ssyncadd.s32 $0xFFFFFF83;
	s18 =	smov.u32 s19;
	s21 =	sadd.s32 $0x200, s19  }
0x2e: {  	[spmem:s1] =	stream.indirect.scatter.add.f32 [tilespmem:s13], [sflag:$0x1], $0x1, s20, s16, $0xb8;
	[tilespmem:$0x7C80] =	vst v63  }
0x2f: {  	p1 =	sne.s32 s19, $0x9E00;
	_ =	swait.ge [sflag:s14], $0x7D  }
.Ltmp0:
0x30: {  	[sflag:s14] =	ssyncset.done $0x0;
	(pc) =	sbr.rel @p1 .LBB2_2-.Ltmp0, $4  }
0x31: {  	s19 =	sadd.s32 $0x2800, s20;
	[sflag:s14] =	ssyncadd.s32 $0xFFFFFF83  }
0x32: {  	[spmem:s2] =	stream.indirect.scatter.add.f32 [tilespmem:s13], [sflag:$0x1], $0x1, s19, s16, $0xb8;
	[tilespmem:$0x7C80] =	vst v63  }
0x33: {  	_ =	swait.ge [sflag:s14], $0x7D  }
0x34: {  	s19 =	smov.u32 s21;
	[sflag:s14] =	ssyncset.done $0x0  }
0x35: {  	s18 =	sshra.s32 s18, $0x2;
	[sflag:s14] =	ssyncadd.s32 $0xFFFFFF83  }
0x36: {  	[spmem:s1] =	stream.indirect.scatter.add.f32 [tilespmem:s13], [sflag:$0x1], $0x1, s18, s16, $0xb8;
	[tilespmem:$0x7C80] =	vst v63  }
0x37: {  	_ =	swait.ge [sflag:s14], $0x7D  }
0x38: {  	[sflag:s14] =	ssyncset.done $0x0  }
0x39: {  	s18 =	sadd.s32 $0x2800, s18;
	[sflag:s14] =	ssyncadd.s32 $0xFFFFFF83  }
0x3a: {  	[spmem:s2] =	stream.indirect.scatter.add.f32 [tilespmem:s13], [sflag:$0x1], $0x1, s18, s16, $0xb8;
	[tilespmem:$0x7C80] =	vst v63  }
0x3b: {  	_ =	swait.ge [sflag:s14], $0x7D  }
0x3c: {  	[sflag:s14] =	ssyncset.done $0x0  }
0x3d: {  	[sflag:s14] =	ssyncadd.s32 $0xFFFFFF83  }
0x3e: {  	s19 =	simm.s32 @!p0 $0x1;
	s18 =	simm.s32 @!p0 $0x5080;
	[bflag:$0x0] =	sbarrier.arrive $0xFFFF  }
0x3f: {  	[tilespmem:s18], [sflag:$0x1] =	stream.linear.gather @!p0 [spmem:s1], $0x2710, $0x38;
	[tilespmem:$0x7C80] =	vst v63  }
0x40: {  	_ =	swait.ge @!p0 [sflag:s19], $0x2710  }
0x41: {  	[sflag:s19] =	ssyncset.done @!p0 $0x0  }
0x42: {  	s20 =	simm.s32 @!p0 $0x0;
	[sflag:s19] =	ssyncadd.s32 @!p0 $0xFFFFD8F0  }
0x43: {  	[hbm4b:s8+s20] =	stream.linear.scatter @!p0 [tilespmem:s18], [sflag:$0x1], $0x2710, $0x38;
	[tilespmem:$0x7C80] =	vst v63  }
0x44: {  	_ =	swait.ge @!p0 [sflag:s19], $0x2710  }
0x45: {  	[sflag:s19] =	ssyncset.done @!p0 $0x0  }
0x46: {  	[sflag:s19] =	ssyncadd.s32 @!p0 $0xFFFFD8F0  }
0x47: {  	[tilespmem:s18], [sflag:$0x1] =	stream.linear.gather @!p0 [spmem:s2], $0x2710, $0x38;
	[tilespmem:$0x7C80] =	vst v63  }
0x48: {  	s17 =	sadd.s32 $0x1, s17;
	_ =	swait.ge @!p0 [sflag:s19], $0x2710  }
0x49: {  	p1 =	sne.s32 s17, s10;
	[sflag:s19] =	ssyncset.done @!p0 $0x0  }
.Ltmp1:
0x4a: {  	[sflag:s19] =	ssyncadd.s32 @!p0 $0xFFFFD8F0;
	(pc) =	sbr.rel @p1 .LBB2_1-.Ltmp1, $4  }
0x4b: {  	[hbm4b:s9+s20] =	stream.linear.scatter @!p0 [tilespmem:s18], [sflag:$0x1], $0x2710, $0x38;
	[tilespmem:$0x7C80] =	vst v63  }
0x4c: {  	_ =	swait.ge @!p0 [sflag:s19], $0x2710  }
0x4d: {  	[sflag:s19] =	ssyncset.done @!p0 $0x0  }
0x4e: {  	[sflag:s19] =	ssyncadd.s32 @!p0 $0xFFFFD8F0  }
0x4f: {  	_ =	sfence.sel $0x180000  }
0x50: {  	[bflag:$0x0] =	sbarrier.arrive $0xFFFF  }
0x51: {  	_ =	strace $0x90000047  }
0x52: {  	s0 =	sadd.s32 @!p0 $0x100000, s0;
	[bflag:$0x2] =	sbarrier.arrive $0xFFFF  }
0x53: {  	[sflag:s0] =	ssyncadd.tile.s32 @!p0 $0x1;
	_ =	shalt  }
.Lfunc_end2:
_tile_overlayer_lowered:
.L_overlay_start_2:
0x54: {  	(tag) =	ssettag $0x2  }
0x55: {  	s0 =	rddreg [dreg:$0x0];
	s2 =	stileid.u32  }
0x56: {  	s1 =	rddreg [dreg:$0x1];
	p0 =	sne.s32 s2, $0x0  }
0x57: {  	s3 =	rddreg [dreg:$0x2];
	[bflag:$0x3] =	sbarrier.arrive $0xFFFF;
	s2 =	simm.s32 @!p0 $0x1C01  }
0x58: {  	[timem:s3], [sflag:s2] =	dma.local @!p0 [hbm:s0], s1  }
0x59: {  	s0 =	simm.s32 @!p0 $0x1  }
0x5a: {  	_ =	swait.ge @!p0 [sflag:s0], s1  }
0x5b: {  	s1 =	ssub.s32 @!p0 $0x0, s1;
	[sflag:s0] =	ssyncset.done @!p0 $0x0  }
0x5c: {  	[sflag:s0] =	ssyncadd.s32 @!p0 s1  }
0x5d: {  	[bflag:$0x3] =	sbarrier.arrive $0xFFFF  }
0x5e: {  	_ =	shalt  }

</sc_bundles>
